<compile_context>
chip_gen: v7x
topology: tpu7x:2x2x1
jax: 0.10.2.dev20260603
libtpu: 0.0.44.dev20260713+nightly
codegen_flags: <defaults>
</compile_context>

<pallas_src>
import jax
import jax.numpy as jnp
from jax import lax
from jax.experimental import pallas as pl
from jax.experimental.pallas import tpu as pltpu
from jax.experimental.pallas import tpu_sc as plsc

N = 1_000_000
NS = 16
L = 16
BV = 16
BLK = BV * L
NB = 246
CH = NB * BLK
NV = CH // L
OVL = NS * CH - N
NP = 6
PB = NB // NP
PE = PB * BLK
CAP = 512
GCAP = NS * CAP
RU = 8
MAX_NEWTON = 24
NEG_INF = float("-inf")


def _scalar(vec):
    return vec[0]


def _sc_body(x_hbm, out_hbm, chunk_v, bmax_v, blkids_v, cand_v,
             gcand_v, gc2_v, cand_sh):
    sid = lax.axis_index("s")
    base = jnp.minimum(sid * CH, N - CH)
    mlen = sid * CH - base
    lane0 = jnp.arange(L, dtype=jnp.int32) == 0
    neg_inf_vec = jnp.full((L,), NEG_INF, dtype=jnp.float32)

    pltpu.sync_copy(x_hbm.at[pl.ds(base, CH)], chunk_v)

    def mask_body(i, _):
        chunk_v[pl.ds(i * L, L)] = neg_inf_vec
        return 0
    lax.fori_loop(0, mlen >> 4, mask_body, 0)

    def bmax_body(b, mx):
        bm = chunk_v[pl.ds(b * BLK, L)]
        for j in range(1, BV):
            bm = jnp.maximum(bm, chunk_v[pl.ds(b * BLK + j * L, L)])
        bmax_v[pl.ds(b * L, L)] = bm
        return jnp.maximum(mx, bm)

    with jax.named_scope("bmax"):
        mx = lax.fori_loop(0, NB, bmax_body, neg_inf_vec)

    w0 = jnp.max(mx) - jnp.float32(1.0)

    for j in range(CAP // L + 1):
        cand_v[pl.ds(j * L, L)] = neg_inf_vec

    def blkid_body(b, nact):
        bm = bmax_v[pl.ds(b * L, L)]
        hits = _scalar(plsc.all_reduce_population_count(bm >= w0))
        wm = jnp.logical_and(hits > 0, lane0)
        plsc.store_compressed(
            blkids_v.at[pl.ds(nact, L)],
            jnp.full((L,), b, dtype=jnp.int32), mask=wm)
        return nact + jnp.where(hits > 0, jnp.int32(1), jnp.int32(0))

    with jax.named_scope("blkid"):
        nact = lax.fori_loop(0, NB, blkid_body, jnp.int32(0))

    def active_body(a, cnt):
        b = blkids_v[pl.ds(a, L)][0]
        for j in range(BV):
            v = chunk_v[pl.ds(b * BLK + j * L, L)]
            m = v >= w0
            plsc.store_compressed(
                cand_v.at[pl.ds(jnp.minimum(cnt, CAP), L)], v, mask=m)
            cnt = cnt + _scalar(plsc.all_reduce_population_count(m))
        return cnt

    with jax.named_scope("active"):
        cnt = lax.fori_loop(0, nact, active_body, jnp.int32(0))
    cnt = jnp.minimum(cnt, CAP)

    with jax.named_scope("publish"):
        pltpu.sync_copy(cand_v.at[pl.ds(0, CAP)], cand_sh.at[sid])
        plsc.subcore_barrier()
        pltpu.sync_copy(cand_sh, gcand_v)

    def list_pass(w, body_has_store, cnt0):
        def outer(state, wi):
            def cond(st):
                i = st[0]
                go = st[1]
                return jnp.logical_and(i < CAP // L, go)

            def inner(st):
                i = st[0]
                v = gcand_v[wi, pl.ds(i * L, L)]
                live = _scalar(
                    plsc.all_reduce_population_count(v > NEG_INF)) > 0
                m = v >= w
                if body_has_store:
                    _, _, acc, c2 = st
                    plsc.store_compressed(gc2_v.at[pl.ds(c2, L)], v, mask=m)
                    c2 = c2 + _scalar(plsc.all_reduce_population_count(m))
                    return i + 1, live, jnp.maximum(acc, v), c2
                return i + 1, live, jnp.maximum(st[2], v)
            st0 = (jnp.int32(0), jnp.bool_(True)) + (
                (state[0], state[1]) if body_has_store else (state,))
            out = lax.while_loop(cond, inner, st0)
            return (out[2], out[3]) if body_has_store else out[2]
        state = (neg_inf_vec, cnt0) if body_has_store else neg_inf_vec
        for wi in range(NS):
            state = outer(state, wi)
        return state

    m_glob = jnp.max(list_pass(jnp.float32(NEG_INF), False, None))
    gw0 = m_glob - jnp.float32(1.0)
    _, cnt2 = list_pass(gw0, True, jnp.int32(0))
    gc2_v[pl.ds(cnt2, L)] = neg_inf_vec

    def stats(w, cnt_in, compact):
        def body(i, st):
            s, c, c2 = st
            v = gc2_v[pl.ds(i * L, L)]
            m = v > w
            s = s + jnp.sum(jnp.where(m, v - w, jnp.float32(0.0)))
            k = _scalar(plsc.all_reduce_population_count(m))
            if compact:
                plsc.store_compressed(gc2_v.at[pl.ds(c2, L)], v, mask=m)
            return s, c + k, c2 + k
        nvi = (cnt_in + (L - 1)) >> 4
        return lax.fori_loop(0, nvi, body,
                             (jnp.float32(0.0), jnp.int32(0), jnp.int32(0)))

    def newton_update(w, s, c):
        q = jnp.full((L,), s - jnp.float32(1.0), dtype=jnp.float32) / jnp.full(
            (L,), c.astype(jnp.float32), dtype=jnp.float32)
        return w + jnp.max(q)

    s0, c0, _ = stats(gw0, cnt2, False)
    w1 = newton_update(gw0, s0, c0)

    def newton_cond(carry):
        it, w_prev, w, _ = carry
        return jnp.logical_and(it < MAX_NEWTON, w != w_prev)

    def newton_body(carry):
        it, _, w, cnt_in = carry
        s, c, cnt_new = stats(w, cnt_in, True)
        gc2_v[pl.ds(cnt_new, L)] = neg_inf_vec
        return it + 1, w, newton_update(w, s, c), cnt_new

    with jax.named_scope("newton"):
        _, _, w_fin, _ = lax.while_loop(
            newton_cond, newton_body, (jnp.int32(0), gw0, w1, cnt2))

    with jax.named_scope("restore"):
        pltpu.sync_copy(x_hbm.at[pl.ds(base, OVL)], chunk_v.at[pl.ds(0, OVL)])

    def relu_body(i, _):
        for j in range(RU):
            off = (i * RU + j) * L
            chunk_v[pl.ds(off, L)] = jnp.maximum(
                chunk_v[pl.ds(off, L)] - w_fin, jnp.float32(0.0))
        return 0

    with jax.named_scope("relu"):
        lax.fori_loop(0, NV // RU, relu_body, 0)
    pltpu.sync_copy(chunk_v, out_hbm.at[pl.ds(base, CH)])


@jax.jit
def kernel(params):
    mesh = plsc.VectorSubcoreMesh(
        core_axis_name="c", subcore_axis_name="s", num_cores=1)
    return pl.kernel(
        _sc_body,
        out_type=jax.ShapeDtypeStruct((N,), jnp.float32),
        mesh=mesh,
        scratch_types=[
            pltpu.VMEM((CH,), jnp.float32),
            pltpu.VMEM((NB * L,), jnp.float32),
            pltpu.VMEM((NB + L,), jnp.int32),
            pltpu.VMEM((CAP + L,), jnp.float32),
            pltpu.VMEM((NS, CAP), jnp.float32),
            pltpu.VMEM((GCAP + L,), jnp.float32),
            pltpu.VMEM_SHARED((NS, CAP), jnp.float32),
        ],
        compiler_params=pltpu.CompilerParams(needs_layout_passes=False),
    )(params)

# --- scband reference (transcript-rebuilt; emitter-appended) ---
"""Pipeline reference for scband-simplex-39599598469661 (READ-ONLY COPY).

The authoritative reference and input builder live on the scoring server;
editing this copy changes nothing except your own understanding.
"""

import jax, jax.numpy as jnp
import numpy as np

N = 1000000

def setup_inputs(seed: int = 0) -> dict:
    key = jax.random.key(seed)
    params = jax.random.normal(key, (N,), dtype=jnp.float32)
    return {"params": params}

def reference(params):
    # Faithful translation of Simplex.enforce():
    #   u = sort(params, descending)
    #   v = (cumsum(u) - 1) / (arange(N) + 1)
    #   w = v[(u > v).sum() - 1]
    #   out = relu(params - w)
    n = params.shape[0]
    cnt_n = jnp.arange(n, dtype=params.dtype)
    u = jnp.sort(params)[::-1]
    v = (jnp.cumsum(u) - 1.0) / (cnt_n + 1.0)
    rho = jnp.sum(u > v) - 1
    w = v[rho]
    return jax.nn.relu(params - w)

if __name__ == "__main__":
    import jax
    _d = setup_inputs()
    print(jax.jit(kernel)(*tuple(_d.values())))

</pallas_src>

<mosaic_0001>
#map = affine_map<(d0, d1) -> (0)>
module attributes {stable_mosaic.version = 14 : i64} {
  func.func @_sc_body(%arg0: i32, %arg1: i32, %arg2: memref<1000000xf32, #tpu.memory_space<hbm>>, %arg3: memref<1000000xf32, #tpu.memory_space<hbm>>, %arg4: memref<62976xf32, #tpu.memory_space<vmem>>, %arg5: memref<3936xf32, #tpu.memory_space<vmem>>, %arg6: memref<262xi32, #tpu.memory_space<vmem>>, %arg7: memref<528xf32, #tpu.memory_space<vmem>>, %arg8: memref<16x512xf32, #tpu.memory_space<vmem>>, %arg9: memref<8208xf32, #tpu.memory_space<vmem>>, %arg10: memref<16x512xf32, #tpu.memory_space<vmem_shared>>) attributes {dimension_semantics = [#tpu.dimension_semantics<core_parallel>, #tpu.dimension_semantics<subcore_parallel>], iteration_bounds = array<i64: 1, 16>, scalar_prefetch = 0 : i64, scratch_operands = 7 : i64, tpu.core_type = #tpu.core_type<sc_vector_subcore>, window_params = [{transform_indices = #map}, {transform_indices = #map}]} {
    %mul3A = arith.constant 62976 : i32
    %mul3A_0 = arith.muli %arg1, %mul3A : i32
    %min3A = arith.constant 937024 : i32
    %min3A_1 = arith.minsi %mul3A_0, %min3A : i32
    %mul3A_2 = arith.constant 62976 : i32
    %mul3A_3 = arith.muli %arg1, %mul3A_2 : i32
    %sub3A = arith.subi %mul3A_3, %min3A_1 : i32
    %iota3A = tpu.iota {dimensions = array<i32: 0>} : vector<16xi32>
    %eq3A = arith.constant 0 : i32
    %eq3A_4 = vector.broadcast %eq3A : i32 to vector<16xi32>
    %eq3A_5 = arith.cmpi eq, %iota3A, %eq3A_4 : vector<16xi32>
    %broadcast_in_dim3A = arith.constant 0xFF800000 : f32
    %broadcast_in_dim3A_6 = vector.broadcast %broadcast_in_dim3A : f32 to vector<16xf32>
    "tpu.region"() ({
      %run_scoped3A = tpu.sem_alloc : memref<!tpu.dma_semaphore, #tpu.memory_space<semaphore_mem>>
      %dma_start3A = tpu.memref_slice %arg2[%min3A_1] : memref<1000000xf32, #tpu.memory_space<hbm>> -> memref<62976xf32, #tpu.memory_space<hbm>>
      %dma_start3A_271 = tpu.memref_slice %arg2[%min3A_1] : memref<1000000xf32, #tpu.memory_space<hbm>> -> memref<62976xf32, #tpu.memory_space<hbm>>
      tpu.enqueue_dma source(%dma_start3A_271 : memref<62976xf32, #tpu.memory_space<hbm>>) target(%arg4 : memref<62976xf32, #tpu.memory_space<vmem>>) target_semaphore(%run_scoped3A : memref<!tpu.dma_semaphore, #tpu.memory_space<semaphore_mem>>)
      %dma_wait3A = tpu.memref_slice %arg2[%min3A_1] : memref<1000000xf32, #tpu.memory_space<hbm>> -> memref<62976xf32, #tpu.memory_space<hbm>>
      %dma_wait3A_272 = tpu.memref_slice %arg2[%min3A_1] : memref<1000000xf32, #tpu.memory_space<hbm>> -> memref<62976xf32, #tpu.memory_space<hbm>>
      tpu.wait_dma2 semaphore(%run_scoped3A : memref<!tpu.dma_semaphore, #tpu.memory_space<semaphore_mem>>) src(%dma_wait3A_272 : memref<62976xf32, #tpu.memory_space<hbm>>) dst(%arg4 : memref<62976xf32, #tpu.memory_space<vmem>>)
      tpu.yield
    }) : () -> ()
    %shift_right_arithmetic3A = arith.constant 4 : i32
    %shift_right_arithmetic3A_7 = arith.shrsi %sub3A, %shift_right_arithmetic3A : i32
    %while3A = arith.constant 0 : i32
    %while3A_8 = arith.constant 0 : i32
    %while3A_9 = arith.subi %shift_right_arithmetic3A_7, %while3A : i32
    %while3A_10 = arith.addi %while3A, %while3A_9 : i32
    %while3A_11 = arith.constant 1 : i32
    %while3A_12 = arith.divsi %while3A_9, %while3A_11 : i32
    %while3A_13 = arith.muli %while3A_12, %while3A_11 : i32
    %while3A_14 = arith.addi %while3A, %while3A_13 : i32
    %while3A_15 = arith.constant 1 : i32
    %while3A_16 = scf.for %while3A_271 = %while3A to %while3A_14 step %while3A_15 iter_args(%while3A_272 = %while3A_8) -> (i32)  : i32 {
      %mul3A_273 = arith.constant 16 : i32
      %mul3A_274 = arith.muli %while3A_271, %mul3A_273 : i32
      %swap3A_275 = arith.index_cast %mul3A_274 : i32 to index
      %swap3A_276 = tpu.vector_load %arg4[%swap3A_275] {strides = array<i32>} : memref<62976xf32, #tpu.memory_space<vmem>>, vector<16xf32>,
      tpu.vector_store %arg4[%swap3A_275], %broadcast_in_dim3A_6 {strides = array<i32>} : memref<62976xf32, #tpu.memory_space<vmem>>, vector<16xf32>,
      %while3A_277 = arith.constant 0 : i32
      scf.yield %while3A_277 : i32
    }
    %while3A_17 = arith.constant 1 : i32
    %while3A_18 = scf.for %while3A_271 = %while3A_14 to %while3A_10 step %while3A_17 iter_args(%while3A_272 = %while3A_16) -> (i32)  : i32 {
      %mul3A_273 = arith.constant 16 : i32
      %mul3A_274 = arith.muli %while3A_271, %mul3A_273 : i32
      %swap3A_275 = arith.index_cast %mul3A_274 : i32 to index
      %swap3A_276 = tpu.vector_load %arg4[%swap3A_275] {strides = array<i32>} : memref<62976xf32, #tpu.memory_space<vmem>>, vector<16xf32>,
      tpu.vector_store %arg4[%swap3A_275], %broadcast_in_dim3A_6 {strides = array<i32>} : memref<62976xf32, #tpu.memory_space<vmem>>, vector<16xf32>,
      %while3A_277 = arith.constant 0 : i32
      scf.yield %while3A_277 : i32
    }
    "tpu.trace_start"() <{level = 10 : i32, message = "bmax"}> : () -> ()
    %scan3A = arith.constant 0 : i32
    %scan3A_19 = arith.constant 246 : i32
    %scan3A_20 = arith.addi %scan3A, %scan3A_19 : i32
    %scan3A_21 = arith.constant 1 : i32
    %scan3A_22 = scf.for %scan3A_271 = %scan3A to %scan3A_20 step %scan3A_21 iter_args(%scan3A_272 = %broadcast_in_dim3A_6) -> (vector<16xf32>)  : i32 {
      %mul3A_273 = arith.constant 256 : i32
      %mul3A_274 = arith.muli %scan3A_271, %mul3A_273 : i32
      %get3A = arith.index_cast %mul3A_274 : i32 to index
      %get3A_275 = tpu.vector_load %arg4[%get3A] {strides = array<i32>} : memref<62976xf32, #tpu.memory_space<vmem>>, vector<16xf32>,
      %mul3A_276 = arith.constant 256 : i32
      %mul3A_277 = arith.muli %scan3A_271, %mul3A_276 : i32
      %add3A_278 = arith.constant 16 : i32
      %add3A_279 = arith.addi %mul3A_277, %add3A_278 : i32
      %get3A_280 = arith.index_cast %add3A_279 : i32 to index
      %get3A_281 = tpu.vector_load %arg4[%get3A_280] {strides = array<i32>} : memref<62976xf32, #tpu.memory_space<vmem>>, vector<16xf32>,
      %max3A = arith.maximumf %get3A_275, %get3A_281 : vector<16xf32>
      %mul3A_282 = arith.constant 256 : i32
      %mul3A_283 = arith.muli %scan3A_271, %mul3A_282 : i32
      %add3A_284 = arith.constant 32 : i32
      %add3A_285 = arith.addi %mul3A_283, %add3A_284 : i32
      %get3A_286 = arith.index_cast %add3A_285 : i32 to index
      %get3A_287 = tpu.vector_load %arg4[%get3A_286] {strides = array<i32>} : memref<62976xf32, #tpu.memory_space<vmem>>, vector<16xf32>,
      %max3A_288 = arith.maximumf %max3A, %get3A_287 : vector<16xf32>
      %mul3A_289 = arith.constant 256 : i32
      %mul3A_290 = arith.muli %scan3A_271, %mul3A_289 : i32
      %add3A_291 = arith.constant 48 : i32
      %add3A_292 = arith.addi %mul3A_290, %add3A_291 : i32
      %get3A_293 = arith.index_cast %add3A_292 : i32 to index
      %get3A_294 = tpu.vector_load %arg4[%get3A_293] {strides = array<i32>} : memref<62976xf32, #tpu.memory_space<vmem>>, vector<16xf32>,
      %max3A_295 = arith.maximumf %max3A_288, %get3A_294 : vector<16xf32>
      %mul3A_296 = arith.constant 256 : i32
      %mul3A_297 = arith.muli %scan3A_271, %mul3A_296 : i32
      %add3A_298 = arith.constant 64 : i32
      %add3A_299 = arith.addi %mul3A_297, %add3A_298 : i32
      %get3A_300 = arith.index_cast %add3A_299 : i32 to index
      %get3A_301 = tpu.vector_load %arg4[%get3A_300] {strides = array<i32>} : memref<62976xf32, #tpu.memory_space<vmem>>, vector<16xf32>,
      %max3A_302 = arith.maximumf %max3A_295, %get3A_301 : vector<16xf32>
      %mul3A_303 = arith.constant 256 : i32
      %mul3A_304 = arith.muli %scan3A_271, %mul3A_303 : i32
      %add3A_305 = arith.constant 80 : i32
      %add3A_306 = arith.addi %mul3A_304, %add3A_305 : i32
      %get3A_307 = arith.index_cast %add3A_306 : i32 to index
      %get3A_308 = tpu.vector_load %arg4[%get3A_307] {strides = array<i32>} : memref<62976xf32, #tpu.memory_space<vmem>>, vector<16xf32>,
      %max3A_309 = arith.maximumf %max3A_302, %get3A_308 : vector<16xf32>
      %mul3A_310 = arith.constant 256 : i32
      %mul3A_311 = arith.muli %scan3A_271, %mul3A_310 : i32
      %add3A_312 = arith.constant 96 : i32
      %add3A_313 = arith.addi %mul3A_311, %add3A_312 : i32
      %get3A_314 = arith.index_cast %add3A_313 : i32 to index
      %get3A_315 = tpu.vector_load %arg4[%get3A_314] {strides = array<i32>} : memref<62976xf32, #tpu.memory_space<vmem>>, vector<16xf32>,
      %max3A_316 = arith.maximumf %max3A_309, %get3A_315 : vector<16xf32>
      %mul3A_317 = arith.constant 256 : i32
      %mul3A_318 = arith.muli %scan3A_271, %mul3A_317 : i32
      %add3A_319 = arith.constant 112 : i32
      %add3A_320 = arith.addi %mul3A_318, %add3A_319 : i32
      %get3A_321 = arith.index_cast %add3A_320 : i32 to index
      %get3A_322 = tpu.vector_load %arg4[%get3A_321] {strides = array<i32>} : memref<62976xf32, #tpu.memory_space<vmem>>, vector<16xf32>,
      %max3A_323 = arith.maximumf %max3A_316, %get3A_322 : vector<16xf32>
      %mul3A_324 = arith.constant 256 : i32
      %mul3A_325 = arith.muli %scan3A_271, %mul3A_324 : i32
      %add3A_326 = arith.constant 128 : i32
      %add3A_327 = arith.addi %mul3A_325, %add3A_326 : i32
      %get3A_328 = arith.index_cast %add3A_327 : i32 to index
      %get3A_329 = tpu.vector_load %arg4[%get3A_328] {strides = array<i32>} : memref<62976xf32, #tpu.memory_space<vmem>>, vector<16xf32>,
      %max3A_330 = arith.maximumf %max3A_323, %get3A_329 : vector<16xf32>
      %mul3A_331 = arith.constant 256 : i32
      %mul3A_332 = arith.muli %scan3A_271, %mul3A_331 : i32
      %add3A_333 = arith.constant 144 : i32
      %add3A_334 = arith.addi %mul3A_332, %add3A_333 : i32
      %get3A_335 = arith.index_cast %add3A_334 : i32 to index
      %get3A_336 = tpu.vector_load %arg4[%get3A_335] {strides = array<i32>} : memref<62976xf32, #tpu.memory_space<vmem>>, vector<16xf32>,
      %max3A_337 = arith.maximumf %max3A_330, %get3A_336 : vector<16xf32>
      %mul3A_338 = arith.constant 256 : i32
      %mul3A_339 = arith.muli %scan3A_271, %mul3A_338 : i32
      %add3A_340 = arith.constant 160 : i32
      %add3A_341 = arith.addi %mul3A_339, %add3A_340 : i32
      %get3A_342 = arith.index_cast %add3A_341 : i32 to index
      %get3A_343 = tpu.vector_load %arg4[%get3A_342] {strides = array<i32>} : memref<62976xf32, #tpu.memory_space<vmem>>, vector<16xf32>,
      %max3A_344 = arith.maximumf %max3A_337, %get3A_343 : vector<16xf32>
      %mul3A_345 = arith.constant 256 : i32
      %mul3A_346 = arith.muli %scan3A_271, %mul3A_345 : i32
      %add3A_347 = arith.constant 176 : i32
      %add3A_348 = arith.addi %mul3A_346, %add3A_347 : i32
      %get3A_349 = arith.index_cast %add3A_348 : i32 to index
      %get3A_350 = tpu.vector_load %arg4[%get3A_349] {strides = array<i32>} : memref<62976xf32, #tpu.memory_space<vmem>>, vector<16xf32>,
      %max3A_351 = arith.maximumf %max3A_344, %get3A_350 : vector<16xf32>
      %mul3A_352 = arith.constant 256 : i32
      %mul3A_353 = arith.muli %scan3A_271, %mul3A_352 : i32
      %add3A_354 = arith.constant 192 : i32
      %add3A_355 = arith.addi %mul3A_353, %add3A_354 : i32
      %get3A_356 = arith.index_cast %add3A_355 : i32 to index
      %get3A_357 = tpu.vector_load %arg4[%get3A_356] {strides = array<i32>} : memref<62976xf32, #tpu.memory_space<vmem>>, vector<16xf32>,
      %max3A_358 = arith.maximumf %max3A_351, %get3A_357 : vector<16xf32>
      %mul3A_359 = arith.constant 256 : i32
      %mul3A_360 = arith.muli %scan3A_271, %mul3A_359 : i32
      %add3A_361 = arith.constant 208 : i32
      %add3A_362 = arith.addi %mul3A_360, %add3A_361 : i32
      %get3A_363 = arith.index_cast %add3A_362 : i32 to index
      %get3A_364 = tpu.vector_load %arg4[%get3A_363] {strides = array<i32>} : memref<62976xf32, #tpu.memory_space<vmem>>, vector<16xf32>,
      %max3A_365 = arith.maximumf %max3A_358, %get3A_364 : vector<16xf32>
      %mul3A_366 = arith.constant 256 : i32
      %mul3A_367 = arith.muli %scan3A_271, %mul3A_366 : i32
      %add3A_368 = arith.constant 224 : i32
      %add3A_369 = arith.addi %mul3A_367, %add3A_368 : i32
      %get3A_370 = arith.index_cast %add3A_369 : i32 to index
      %get3A_371 = tpu.vector_load %arg4[%get3A_370] {strides = array<i32>} : memref<62976xf32, #tpu.memory_space<vmem>>, vector<16xf32>,
      %max3A_372 = arith.maximumf %max3A_365, %get3A_371 : vector<16xf32>
      %mul3A_373 = arith.constant 256 : i32
      %mul3A_374 = arith.muli %scan3A_271, %mul3A_373 : i32
      %add3A_375 = arith.constant 240 : i32
      %add3A_376 = arith.addi %mul3A_374, %add3A_375 : i32
      %get3A_377 = arith.index_cast %add3A_376 : i32 to index
      %get3A_378 = tpu.vector_load %arg4[%get3A_377] {strides = array<i32>} : memref<62976xf32, #tpu.memory_space<vmem>>, vector<16xf32>,
      %max3A_379 = arith.maximumf %max3A_372, %get3A_378 : vector<16xf32>
      %mul3A_380 = arith.constant 16 : i32
      %mul3A_381 = arith.muli %scan3A_271, %mul3A_380 : i32
      %swap3A_382 = arith.index_cast %mul3A_381 : i32 to index
      %swap3A_383 = tpu.vector_load %arg5[%swap3A_382] {strides = array<i32>} : memref<3936xf32, #tpu.memory_space<vmem>>, vector<16xf32>,
      tpu.vector_store %arg5[%swap3A_382], %max3A_379 {strides = array<i32>} : memref<3936xf32, #tpu.memory_space<vmem>>, vector<16xf32>,
      %max3A_384 = arith.maximumf %scan3A_272, %max3A_379 : vector<16xf32>
      scf.yield %max3A_384 : vector<16xf32>
    }
    %scan3A_23 = arith.constant 246 : i32
    "tpu.trace_stop"() : () -> ()
    %reduce_max3A = arith.constant true
    %reduce_max3A_24 = vector.broadcast %reduce_max3A : i1 to vector<16xi1>
    %reduce_max3A_25 = tpu.scan <max>, %scan3A_22 masked %reduce_max3A_24 : vector<16xf32>, vector<16xi1> -> vector<16xf32>
    %reduce_max3A_26 = vector.extract %reduce_max3A_25[15] : f32 from vector<16xf32>
    %sub3A_27 = arith.constant 1.000000e+00 : f32
    %sub3A_28 = arith.subf %reduce_max3A_26, %sub3A_27 : f32
    %swap3A = arith.constant 0 : index
    %swap3A_29 = tpu.vector_load %arg7[%swap3A] {strides = array<i32>} : memref<528xf32, #tpu.memory_space<vmem>>, vector<16xf32>,
    tpu.vector_store %arg7[%swap3A], %broadcast_in_dim3A_6 {strides = array<i32>} : memref<528xf32, #tpu.memory_space<vmem>>, vector<16xf32>,
    %swap3A_30 = arith.constant 16 : index
    %swap3A_31 = tpu.vector_load %arg7[%swap3A_30] {strides = array<i32>} : memref<528xf32, #tpu.memory_space<vmem>>, vector<16xf32>,
    tpu.vector_store %arg7[%swap3A_30], %broadcast_in_dim3A_6 {strides = array<i32>} : memref<528xf32, #tpu.memory_space<vmem>>, vector<16xf32>,
    %swap3A_32 = arith.constant 32 : index
    %swap3A_33 = tpu.vector_load %arg7[%swap3A_32] {strides = array<i32>} : memref<528xf32, #tpu.memory_space<vmem>>, vector<16xf32>,
    tpu.vector_store %arg7[%swap3A_32], %broadcast_in_dim3A_6 {strides = array<i32>} : memref<528xf32, #tpu.memory_space<vmem>>, vector<16xf32>,
    %swap3A_34 = arith.constant 48 : index
    %swap3A_35 = tpu.vector_load %arg7[%swap3A_34] {strides = array<i32>} : memref<528xf32, #tpu.memory_space<vmem>>, vector<16xf32>,
    tpu.vector_store %arg7[%swap3A_34], %broadcast_in_dim3A_6 {strides = array<i32>} : memref<528xf32, #tpu.memory_space<vmem>>, vector<16xf32>,
    %swap3A_36 = arith.constant 64 : index
    %swap3A_37 = tpu.vector_load %arg7[%swap3A_36] {strides = array<i32>} : memref<528xf32, #tpu.memory_space<vmem>>, vector<16xf32>,
    tpu.vector_store %arg7[%swap3A_36], %broadcast_in_dim3A_6 {strides = array<i32>} : memref<528xf32, #tpu.memory_space<vmem>>, vector<16xf32>,
    %swap3A_38 = arith.constant 80 : index
    %swap3A_39 = tpu.vector_load %arg7[%swap3A_38] {strides = array<i32>} : memref<528xf32, #tpu.memory_space<vmem>>, vector<16xf32>,
    tpu.vector_store %arg7[%swap3A_38], %broadcast_in_dim3A_6 {strides = array<i32>} : memref<528xf32, #tpu.memory_space<vmem>>, vector<16xf32>,
    %swap3A_40 = arith.constant 96 : index
    %swap3A_41 = tpu.vector_load %arg7[%swap3A_40] {strides = array<i32>} : memref<528xf32, #tpu.memory_space<vmem>>, vector<16xf32>,
    tpu.vector_store %arg7[%swap3A_40], %broadcast_in_dim3A_6 {strides = array<i32>} : memref<528xf32, #tpu.memory_space<vmem>>, vector<16xf32>,
    %swap3A_42 = arith.constant 112 : index
    %swap3A_43 = tpu.vector_load %arg7[%swap3A_42] {strides = array<i32>} : memref<528xf32, #tpu.memory_space<vmem>>, vector<16xf32>,
    tpu.vector_store %arg7[%swap3A_42], %broadcast_in_dim3A_6 {strides = array<i32>} : memref<528xf32, #tpu.memory_space<vmem>>, vector<16xf32>,
    %swap3A_44 = arith.constant 128 : index
    %swap3A_45 = tpu.vector_load %arg7[%swap3A_44] {strides = array<i32>} : memref<528xf32, #tpu.memory_space<vmem>>, vector<16xf32>,
    tpu.vector_store %arg7[%swap3A_44], %broadcast_in_dim3A_6 {strides = array<i32>} : memref<528xf32, #tpu.memory_space<vmem>>, vector<16xf32>,
    %swap3A_46 = arith.constant 144 : index
    %swap3A_47 = tpu.vector_load %arg7[%swap3A_46] {strides = array<i32>} : memref<528xf32, #tpu.memory_space<vmem>>, vector<16xf32>,
    tpu.vector_store %arg7[%swap3A_46], %broadcast_in_dim3A_6 {strides = array<i32>} : memref<528xf32, #tpu.memory_space<vmem>>, vector<16xf32>,
    %swap3A_48 = arith.constant 160 : index
    %swap3A_49 = tpu.vector_load %arg7[%swap3A_48] {strides = array<i32>} : memref<528xf32, #tpu.memory_space<vmem>>, vector<16xf32>,
    tpu.vector_store %arg7[%swap3A_48], %broadcast_in_dim3A_6 {strides = array<i32>} : memref<528xf32, #tpu.memory_space<vmem>>, vector<16xf32>,
    %swap3A_50 = arith.constant 176 : index
    %swap3A_51 = tpu.vector_load %arg7[%swap3A_50] {strides = array<i32>} : memref<528xf32, #tpu.memory_space<vmem>>, vector<16xf32>,
    tpu.vector_store %arg7[%swap3A_50], %broadcast_in_dim3A_6 {strides = array<i32>} : memref<528xf32, #tpu.memory_space<vmem>>, vector<16xf32>,
    %swap3A_52 = arith.constant 192 : index
    %swap3A_53 = tpu.vector_load %arg7[%swap3A_52] {strides = array<i32>} : memref<528xf32, #tpu.memory_space<vmem>>, vector<16xf32>,
    tpu.vector_store %arg7[%swap3A_52], %broadcast_in_dim3A_6 {strides = array<i32>} : memref<528xf32, #tpu.memory_space<vmem>>, vector<16xf32>,
    %swap3A_54 = arith.constant 208 : index
    %swap3A_55 = tpu.vector_load %arg7[%swap3A_54] {strides = array<i32>} : memref<528xf32, #tpu.memory_space<vmem>>, vector<16xf32>,
    tpu.vector_store %arg7[%swap3A_54], %broadcast_in_dim3A_6 {strides = array<i32>} : memref<528xf32, #tpu.memory_space<vmem>>, vector<16xf32>,
    %swap3A_56 = arith.constant 224 : index
    %swap3A_57 = tpu.vector_load %arg7[%swap3A_56] {strides = array<i32>} : memref<528xf32, #tpu.memory_space<vmem>>, vector<16xf32>,
    tpu.vector_store %arg7[%swap3A_56], %broadcast_in_dim3A_6 {strides = array<i32>} : memref<528xf32, #tpu.memory_space<vmem>>, vector<16xf32>,
    %swap3A_58 = arith.constant 240 : index
    %swap3A_59 = tpu.vector_load %arg7[%swap3A_58] {strides = array<i32>} : memref<528xf32, #tpu.memory_space<vmem>>, vector<16xf32>,
    tpu.vector_store %arg7[%swap3A_58], %broadcast_in_dim3A_6 {strides = array<i32>} : memref<528xf32, #tpu.memory_space<vmem>>, vector<16xf32>,
    %swap3A_60 = arith.constant 256 : index
    %swap3A_61 = tpu.vector_load %arg7[%swap3A_60] {strides = array<i32>} : memref<528xf32, #tpu.memory_space<vmem>>, vector<16xf32>,
    tpu.vector_store %arg7[%swap3A_60], %broadcast_in_dim3A_6 {strides = array<i32>} : memref<528xf32, #tpu.memory_space<vmem>>, vector<16xf32>,
    %swap3A_62 = arith.constant 272 : index
    %swap3A_63 = tpu.vector_load %arg7[%swap3A_62] {strides = array<i32>} : memref<528xf32, #tpu.memory_space<vmem>>, vector<16xf32>,
    tpu.vector_store %arg7[%swap3A_62], %broadcast_in_dim3A_6 {strides = array<i32>} : memref<528xf32, #tpu.memory_space<vmem>>, vector<16xf32>,
    %swap3A_64 = arith.constant 288 : index
    %swap3A_65 = tpu.vector_load %arg7[%swap3A_64] {strides = array<i32>} : memref<528xf32, #tpu.memory_space<vmem>>, vector<16xf32>,
    tpu.vector_store %arg7[%swap3A_64], %broadcast_in_dim3A_6 {strides = array<i32>} : memref<528xf32, #tpu.memory_space<vmem>>, vector<16xf32>,
    %swap3A_66 = arith.constant 304 : index
    %swap3A_67 = tpu.vector_load %arg7[%swap3A_66] {strides = array<i32>} : memref<528xf32, #tpu.memory_space<vmem>>, vector<16xf32>,
    tpu.vector_store %arg7[%swap3A_66], %broadcast_in_dim3A_6 {strides = array<i32>} : memref<528xf32, #tpu.memory_space<vmem>>, vector<16xf32>,
    %swap3A_68 = arith.constant 320 : index
    %swap3A_69 = tpu.vector_load %arg7[%swap3A_68] {strides = array<i32>} : memref<528xf32, #tpu.memory_space<vmem>>, vector<16xf32>,
    tpu.vector_store %arg7[%swap3A_68], %broadcast_in_dim3A_6 {strides = array<i32>} : memref<528xf32, #tpu.memory_space<vmem>>, vector<16xf32>,
    %swap3A_70 = arith.constant 336 : index
    %swap3A_71 = tpu.vector_load %arg7[%swap3A_70] {strides = array<i32>} : memref<528xf32, #tpu.memory_space<vmem>>, vector<16xf32>,
    tpu.vector_store %arg7[%swap3A_70], %broadcast_in_dim3A_6 {strides = array<i32>} : memref<528xf32, #tpu.memory_space<vmem>>, vector<16xf32>,
    %swap3A_72 = arith.constant 352 : index
    %swap3A_73 = tpu.vector_load %arg7[%swap3A_72] {strides = array<i32>} : memref<528xf32, #tpu.memory_space<vmem>>, vector<16xf32>,
    tpu.vector_store %arg7[%swap3A_72], %broadcast_in_dim3A_6 {strides = array<i32>} : memref<528xf32, #tpu.memory_space<vmem>>, vector<16xf32>,
    %swap3A_74 = arith.constant 368 : index
    %swap3A_75 = tpu.vector_load %arg7[%swap3A_74] {strides = array<i32>} : memref<528xf32, #tpu.memory_space<vmem>>, vector<16xf32>,
    tpu.vector_store %arg7[%swap3A_74], %broadcast_in_dim3A_6 {strides = array<i32>} : memref<528xf32, #tpu.memory_space<vmem>>, vector<16xf32>,
    %swap3A_76 = arith.constant 384 : index
    %swap3A_77 = tpu.vector_load %arg7[%swap3A_76] {strides = array<i32>} : memref<528xf32, #tpu.memory_space<vmem>>, vector<16xf32>,
    tpu.vector_store %arg7[%swap3A_76], %broadcast_in_dim3A_6 {strides = array<i32>} : memref<528xf32, #tpu.memory_space<vmem>>, vector<16xf32>,
    %swap3A_78 = arith.constant 400 : index
    %swap3A_79 = tpu.vector_load %arg7[%swap3A_78] {strides = array<i32>} : memref<528xf32, #tpu.memory_space<vmem>>, vector<16xf32>,
    tpu.vector_store %arg7[%swap3A_78], %broadcast_in_dim3A_6 {strides = array<i32>} : memref<528xf32, #tpu.memory_space<vmem>>, vector<16xf32>,
    %swap3A_80 = arith.constant 416 : index
    %swap3A_81 = tpu.vector_load %arg7[%swap3A_80] {strides = array<i32>} : memref<528xf32, #tpu.memory_space<vmem>>, vector<16xf32>,
    tpu.vector_store %arg7[%swap3A_80], %broadcast_in_dim3A_6 {strides = array<i32>} : memref<528xf32, #tpu.memory_space<vmem>>, vector<16xf32>,
    %swap3A_82 = arith.constant 432 : index
    %swap3A_83 = tpu.vector_load %arg7[%swap3A_82] {strides = array<i32>} : memref<528xf32, #tpu.memory_space<vmem>>, vector<16xf32>,
    tpu.vector_store %arg7[%swap3A_82], %broadcast_in_dim3A_6 {strides = array<i32>} : memref<528xf32, #tpu.memory_space<vmem>>, vector<16xf32>,
    %swap3A_84 = arith.constant 448 : index
    %swap3A_85 = tpu.vector_load %arg7[%swap3A_84] {strides = array<i32>} : memref<528xf32, #tpu.memory_space<vmem>>, vector<16xf32>,
    tpu.vector_store %arg7[%swap3A_84], %broadcast_in_dim3A_6 {strides = array<i32>} : memref<528xf32, #tpu.memory_space<vmem>>, vector<16xf32>,
    %swap3A_86 = arith.constant 464 : index
    %swap3A_87 = tpu.vector_load %arg7[%swap3A_86] {strides = array<i32>} : memref<528xf32, #tpu.memory_space<vmem>>, vector<16xf32>,
    tpu.vector_store %arg7[%swap3A_86], %broadcast_in_dim3A_6 {strides = array<i32>} : memref<528xf32, #tpu.memory_space<vmem>>, vector<16xf32>,
    %swap3A_88 = arith.constant 480 : index
    %swap3A_89 = tpu.vector_load %arg7[%swap3A_88] {strides = array<i32>} : memref<528xf32, #tpu.memory_space<vmem>>, vector<16xf32>,
    tpu.vector_store %arg7[%swap3A_88], %broadcast_in_dim3A_6 {strides = array<i32>} : memref<528xf32, #tpu.memory_space<vmem>>, vector<16xf32>,
    %swap3A_90 = arith.constant 496 : index
    %swap3A_91 = tpu.vector_load %arg7[%swap3A_90] {strides = array<i32>} : memref<528xf32, #tpu.memory_space<vmem>>, vector<16xf32>,
    tpu.vector_store %arg7[%swap3A_90], %broadcast_in_dim3A_6 {strides = array<i32>} : memref<528xf32, #tpu.memory_space<vmem>>, vector<16xf32>,
    %swap3A_92 = arith.constant 512 : index
    %swap3A_93 = tpu.vector_load %arg7[%swap3A_92] {strides = array<i32>} : memref<528xf32, #tpu.memory_space<vmem>>, vector<16xf32>,
    tpu.vector_store %arg7[%swap3A_92], %broadcast_in_dim3A_6 {strides = array<i32>} : memref<528xf32, #tpu.memory_space<vmem>>, vector<16xf32>,
    "tpu.trace_start"() <{level = 10 : i32, message = "blkid"}> : () -> ()
    %scan3A_94 = arith.constant 0 : i32
    %scan3A_95 = arith.constant 0 : i32
    %scan3A_96 = arith.constant 246 : i32
    %scan3A_97 = arith.addi %scan3A_95, %scan3A_96 : i32
    %scan3A_98 = arith.constant 1 : i32
    %scan3A_99 = scf.for %scan3A_271 = %scan3A_95 to %scan3A_97 step %scan3A_98 iter_args(%scan3A_272 = %scan3A_94) -> (i32)  : i32 {
      %mul3A_273 = arith.constant 16 : i32
      %mul3A_274 = arith.muli %scan3A_271, %mul3A_273 : i32
      %get3A = arith.index_cast %mul3A_274 : i32 to index
      %get3A_275 = tpu.vector_load %arg5[%get3A] {strides = array<i32>} : memref<3936xf32, #tpu.memory_space<vmem>>, vector<16xf32>,
      %ge3A = vector.broadcast %sub3A_28 : f32 to vector<16xf32>
      %ge3A_276 = arith.cmpf oge, %get3A_275, %ge3A : vector<16xf32>
      %all_reduce_population_count3A = tpu.all_reduce %ge3A_276 {dim = 0 : i64, kind = #tpu.reduction_kind<sum>} : vector<16xi1> -> vector<16xi32>
      %slice3A = vector.extract_strided_slice %all_reduce_population_count3A {offsets = [0], sizes = [1], strides = [1]} : vector<16xi32> to vector<1xi32>
      %squeeze3A = vector.extract %slice3A[0] : i32 from vector<1xi32>
      %gt3A = arith.constant 0 : i32
      %gt3A_277 = arith.cmpi sgt, %squeeze3A, %gt3A : i32
      %and3A = vector.broadcast %gt3A_277 : i1 to vector<16xi1>
      %and3A_278 = arith.andi %and3A, %eq3A_5 : vector<16xi1>
      %broadcast_in_dim3A_279 = vector.broadcast %scan3A_271 : i32 to vector<16xi32>
      %swap3A_280 = arith.index_cast %scan3A_272 : i32 to index
      %swap3A_281 = tpu.vector_load %arg6[%swap3A_280] masked %and3A_278 {strides = array<i32>} : memref<262xi32, #tpu.memory_space<vmem>>, vector<16xi32>, vector<16xi1>
      tpu.vector_store %arg6[%swap3A_280], %broadcast_in_dim3A_279 masked %and3A_278 {strides = array<i32>} : memref<262xi32, #tpu.memory_space<vmem>>, vector<16xi32>, vector<16xi1>
      %gt3A_282 = arith.constant 0 : i32
      %gt3A_283 = arith.cmpi sgt, %squeeze3A, %gt3A_282 : i32
      %jit3A = arith.constant 1 : i32
      %jit3A_284 = arith.constant 0 : i32
      %select_n3A = arith.select %gt3A_283, %jit3A, %jit3A_284 : i32
      %add3A_285 = arith.addi %scan3A_272, %select_n3A : i32
      scf.yield %add3A_285 : i32
    }
    %scan3A_100 = arith.constant 246 : i32
    %while3A_101 = arith.constant 0 : i32
    %while3A_102 = arith.constant 0 : i32
    "tpu.trace_stop"() : () -> ()
    "tpu.trace_start"() <{level = 10 : i32, message = "active"}> : () -> ()
    %while3A_103 = arith.subi %scan3A_99, %while3A_101 : i32
    %while3A_104 = arith.addi %while3A_101, %while3A_103 : i32
    %while3A_105 = arith.constant 1 : i32
    %while3A_106 = arith.divsi %while3A_103, %while3A_105 : i32
    %while3A_107 = arith.muli %while3A_106, %while3A_105 : i32
    %while3A_108 = arith.addi %while3A_101, %while3A_107 : i32
    %while3A_109 = arith.constant 1 : i32
    %while3A_110 = scf.for %while3A_271 = %while3A_101 to %while3A_108 step %while3A_109 iter_args(%while3A_272 = %while3A_102) -> (i32)  : i32 {
      %get3A = arith.index_cast %while3A_271 : i32 to index
      %get3A_273 = tpu.vector_load %arg6[%get3A] {strides = array<i32>} : memref<262xi32, #tpu.memory_space<vmem>>, vector<16xi32>,
      %slice3A = vector.extract_strided_slice %get3A_273 {offsets = [0], sizes = [1], strides = [1]} : vector<16xi32> to vector<1xi32>
      %squeeze3A = vector.extract %slice3A[0] : i32 from vector<1xi32>
      %mul3A_274 = arith.constant 256 : i32
      %mul3A_275 = arith.muli %squeeze3A, %mul3A_274 : i32
      %add3A_276 = arith.constant 0 : i32
      %add3A_277 = arith.addi %mul3A_275, %add3A_276 : i32
      %get3A_278 = arith.index_cast %add3A_277 : i32 to index
      %get3A_279 = tpu.vector_load %arg4[%get3A_278] {strides = array<i32>} : memref<62976xf32, #tpu.memory_space<vmem>>, vector<16xf32>,
      %ge3A = vector.broadcast %sub3A_28 : f32 to vector<16xf32>
      %ge3A_280 = arith.cmpf oge, %get3A_279, %ge3A : vector<16xf32>
      %min3A_281 = arith.constant 512 : i32
      %min3A_282 = arith.minsi %while3A_272, %min3A_281 : i32
      %swap3A_283 = arith.index_cast %min3A_282 : i32 to index
      %swap3A_284 = tpu.vector_load %arg7[%swap3A_283] masked %ge3A_280 {strides = array<i32>} : memref<528xf32, #tpu.memory_space<vmem>>, vector<16xf32>, vector<16xi1>
      tpu.vector_store %arg7[%swap3A_283], %get3A_279 masked %ge3A_280 {strides = array<i32>} : memref<528xf32, #tpu.memory_space<vmem>>, vector<16xf32>, vector<16xi1>
      %all_reduce_population_count3A = tpu.all_reduce %ge3A_280 {dim = 0 : i64, kind = #tpu.reduction_kind<sum>} : vector<16xi1> -> vector<16xi32>
      %slice3A_285 = vector.extract_strided_slice %all_reduce_population_count3A {offsets = [0], sizes = [1], strides = [1]} : vector<16xi32> to vector<1xi32>
      %squeeze3A_286 = vector.extract %slice3A_285[0] : i32 from vector<1xi32>
      %add3A_287 = arith.addi %while3A_272, %squeeze3A_286 : i32
      %mul3A_288 = arith.constant 256 : i32
      %mul3A_289 = arith.muli %squeeze3A, %mul3A_288 : i32
      %add3A_290 = arith.constant 16 : i32
      %add3A_291 = arith.addi %mul3A_289, %add3A_290 : i32
      %get3A_292 = arith.index_cast %add3A_291 : i32 to index
      %get3A_293 = tpu.vector_load %arg4[%get3A_292] {strides = array<i32>} : memref<62976xf32, #tpu.memory_space<vmem>>, vector<16xf32>,
      %ge3A_294 = vector.broadcast %sub3A_28 : f32 to vector<16xf32>
      %ge3A_295 = arith.cmpf oge, %get3A_293, %ge3A_294 : vector<16xf32>
      %min3A_296 = arith.constant 512 : i32
      %min3A_297 = arith.minsi %add3A_287, %min3A_296 : i32
      %swap3A_298 = arith.index_cast %min3A_297 : i32 to index
      %swap3A_299 = tpu.vector_load %arg7[%swap3A_298] masked %ge3A_295 {strides = array<i32>} : memref<528xf32, #tpu.memory_space<vmem>>, vector<16xf32>, vector<16xi1>
      tpu.vector_store %arg7[%swap3A_298], %get3A_293 masked %ge3A_295 {strides = array<i32>} : memref<528xf32, #tpu.memory_space<vmem>>, vector<16xf32>, vector<16xi1>
      %all_reduce_population_count3A_300 = tpu.all_reduce %ge3A_295 {dim = 0 : i64, kind = #tpu.reduction_kind<sum>} : vector<16xi1> -> vector<16xi32>
      %slice3A_301 = vector.extract_strided_slice %all_reduce_population_count3A_300 {offsets = [0], sizes = [1], strides = [1]} : vector<16xi32> to vector<1xi32>
      %squeeze3A_302 = vector.extract %slice3A_301[0] : i32 from vector<1xi32>
      %add3A_303 = arith.addi %add3A_287, %squeeze3A_302 : i32
      %mul3A_304 = arith.constant 256 : i32
      %mul3A_305 = arith.muli %squeeze3A, %mul3A_304 : i32
      %add3A_306 = arith.constant 32 : i32
      %add3A_307 = arith.addi %mul3A_305, %add3A_306 : i32
      %get3A_308 = arith.index_cast %add3A_307 : i32 to index
      %get3A_309 = tpu.vector_load %arg4[%get3A_308] {strides = array<i32>} : memref<62976xf32, #tpu.memory_space<vmem>>, vector<16xf32>,
      %ge3A_310 = vector.broadcast %sub3A_28 : f32 to vector<16xf32>
      %ge3A_311 = arith.cmpf oge, %get3A_309, %ge3A_310 : vector<16xf32>
      %min3A_312 = arith.constant 512 : i32
      %min3A_313 = arith.minsi %add3A_303, %min3A_312 : i32
      %swap3A_314 = arith.index_cast %min3A_313 : i32 to index
      %swap3A_315 = tpu.vector_load %arg7[%swap3A_314] masked %ge3A_311 {strides = array<i32>} : memref<528xf32, #tpu.memory_space<vmem>>, vector<16xf32>, vector<16xi1>
      tpu.vector_store %arg7[%swap3A_314], %get3A_309 masked %ge3A_311 {strides = array<i32>} : memref<528xf32, #tpu.memory_space<vmem>>, vector<16xf32>, vector<16xi1>
      %all_reduce_population_count3A_316 = tpu.all_reduce %ge3A_311 {dim = 0 : i64, kind = #tpu.reduction_kind<sum>} : vector<16xi1> -> vector<16xi32>
      %slice3A_317 = vector.extract_strided_slice %all_reduce_population_count3A_316 {offsets = [0], sizes = [1], strides = [1]} : vector<16xi32> to vector<1xi32>
      %squeeze3A_318 = vector.extract %slice3A_317[0] : i32 from vector<1xi32>
      %add3A_319 = arith.addi %add3A_303, %squeeze3A_318 : i32
      %mul3A_320 = arith.constant 256 : i32
      %mul3A_321 = arith.muli %squeeze3A, %mul3A_320 : i32
      %add3A_322 = arith.constant 48 : i32
      %add3A_323 = arith.addi %mul3A_321, %add3A_322 : i32
      %get3A_324 = arith.index_cast %add3A_323 : i32 to index
      %get3A_325 = tpu.vector_load %arg4[%get3A_324] {strides = array<i32>} : memref<62976xf32, #tpu.memory_space<vmem>>, vector<16xf32>,
      %ge3A_326 = vector.broadcast %sub3A_28 : f32 to vector<16xf32>
      %ge3A_327 = arith.cmpf oge, %get3A_325, %ge3A_326 : vector<16xf32>
      %min3A_328 = arith.constant 512 : i32
      %min3A_329 = arith.minsi %add3A_319, %min3A_328 : i32
      %swap3A_330 = arith.index_cast %min3A_329 : i32 to index
      %swap3A_331 = tpu.vector_load %arg7[%swap3A_330] masked %ge3A_327 {strides = array<i32>} : memref<528xf32, #tpu.memory_space<vmem>>, vector<16xf32>, vector<16xi1>
      tpu.vector_store %arg7[%swap3A_330], %get3A_325 masked %ge3A_327 {strides = array<i32>} : memref<528xf32, #tpu.memory_space<vmem>>, vector<16xf32>, vector<16xi1>
      %all_reduce_population_count3A_332 = tpu.all_reduce %ge3A_327 {dim = 0 : i64, kind = #tpu.reduction_kind<sum>} : vector<16xi1> -> vector<16xi32>
      %slice3A_333 = vector.extract_strided_slice %all_reduce_population_count3A_332 {offsets = [0], sizes = [1], strides = [1]} : vector<16xi32> to vector<1xi32>
      %squeeze3A_334 = vector.extract %slice3A_333[0] : i32 from vector<1xi32>
      %add3A_335 = arith.addi %add3A_319, %squeeze3A_334 : i32
      %mul3A_336 = arith.constant 256 : i32
      %mul3A_337 = arith.muli %squeeze3A, %mul3A_336 : i32
      %add3A_338 = arith.constant 64 : i32
      %add3A_339 = arith.addi %mul3A_337, %add3A_338 : i32
      %get3A_340 = arith.index_cast %add3A_339 : i32 to index
      %get3A_341 = tpu.vector_load %arg4[%get3A_340] {strides = array<i32>} : memref<62976xf32, #tpu.memory_space<vmem>>, vector<16xf32>,
      %ge3A_342 = vector.broadcast %sub3A_28 : f32 to vector<16xf32>
      %ge3A_343 = arith.cmpf oge, %get3A_341, %ge3A_342 : vector<16xf32>
      %min3A_344 = arith.constant 512 : i32
      %min3A_345 = arith.minsi %add3A_335, %min3A_344 : i32
      %swap3A_346 = arith.index_cast %min3A_345 : i32 to index
      %swap3A_347 = tpu.vector_load %arg7[%swap3A_346] masked %ge3A_343 {strides = array<i32>} : memref<528xf32, #tpu.memory_space<vmem>>, vector<16xf32>, vector<16xi1>
      tpu.vector_store %arg7[%swap3A_346], %get3A_341 masked %ge3A_343 {strides = array<i32>} : memref<528xf32, #tpu.memory_space<vmem>>, vector<16xf32>, vector<16xi1>
      %all_reduce_population_count3A_348 = tpu.all_reduce %ge3A_343 {dim = 0 : i64, kind = #tpu.reduction_kind<sum>} : vector<16xi1> -> vector<16xi32>
      %slice3A_349 = vector.extract_strided_slice %all_reduce_population_count3A_348 {offsets = [0], sizes = [1], strides = [1]} : vector<16xi32> to vector<1xi32>
      %squeeze3A_350 = vector.extract %slice3A_349[0] : i32 from vector<1xi32>
      %add3A_351 = arith.addi %add3A_335, %squeeze3A_350 : i32
      %mul3A_352 = arith.constant 256 : i32
      %mul3A_353 = arith.muli %squeeze3A, %mul3A_352 : i32
      %add3A_354 = arith.constant 80 : i32
      %add3A_355 = arith.addi %mul3A_353, %add3A_354 : i32
      %get3A_356 = arith.index_cast %add3A_355 : i32 to index
      %get3A_357 = tpu.vector_load %arg4[%get3A_356] {strides = array<i32>} : memref<62976xf32, #tpu.memory_space<vmem>>, vector<16xf32>,
      %ge3A_358 = vector.broadcast %sub3A_28 : f32 to vector<16xf32>
      %ge3A_359 = arith.cmpf oge, %get3A_357, %ge3A_358 : vector<16xf32>
      %min3A_360 = arith.constant 512 : i32
      %min3A_361 = arith.minsi %add3A_351, %min3A_360 : i32
      %swap3A_362 = arith.index_cast %min3A_361 : i32 to index
      %swap3A_363 = tpu.vector_load %arg7[%swap3A_362] masked %ge3A_359 {strides = array<i32>} : memref<528xf32, #tpu.memory_space<vmem>>, vector<16xf32>, vector<16xi1>
      tpu.vector_store %arg7[%swap3A_362], %get3A_357 masked %ge3A_359 {strides = array<i32>} : memref<528xf32, #tpu.memory_space<vmem>>, vector<16xf32>, vector<16xi1>
      %all_reduce_population_count3A_364 = tpu.all_reduce %ge3A_359 {dim = 0 : i64, kind = #tpu.reduction_kind<sum>} : vector<16xi1> -> vector<16xi32>
      %slice3A_365 = vector.extract_strided_slice %all_reduce_population_count3A_364 {offsets = [0], sizes = [1], strides = [1]} : vector<16xi32> to vector<1xi32>
      %squeeze3A_366 = vector.extract %slice3A_365[0] : i32 from vector<1xi32>
      %add3A_367 = arith.addi %add3A_351, %squeeze3A_366 : i32
      %mul3A_368 = arith.constant 256 : i32
      %mul3A_369 = arith.muli %squeeze3A, %mul3A_368 : i32
      %add3A_370 = arith.constant 96 : i32
      %add3A_371 = arith.addi %mul3A_369, %add3A_370 : i32
      %get3A_372 = arith.index_cast %add3A_371 : i32 to index
      %get3A_373 = tpu.vector_load %arg4[%get3A_372] {strides = array<i32>} : memref<62976xf32, #tpu.memory_space<vmem>>, vector<16xf32>,
      %ge3A_374 = vector.broadcast %sub3A_28 : f32 to vector<16xf32>
      %ge3A_375 = arith.cmpf oge, %get3A_373, %ge3A_374 : vector<16xf32>
      %min3A_376 = arith.constant 512 : i32
      %min3A_377 = arith.minsi %add3A_367, %min3A_376 : i32
      %swap3A_378 = arith.index_cast %min3A_377 : i32 to index
      %swap3A_379 = tpu.vector_load %arg7[%swap3A_378] masked %ge3A_375 {strides = array<i32>} : memref<528xf32, #tpu.memory_space<vmem>>, vector<16xf32>, vector<16xi1>
      tpu.vector_store %arg7[%swap3A_378], %get3A_373 masked %ge3A_375 {strides = array<i32>} : memref<528xf32, #tpu.memory_space<vmem>>, vector<16xf32>, vector<16xi1>
      %all_reduce_population_count3A_380 = tpu.all_reduce %ge3A_375 {dim = 0 : i64, kind = #tpu.reduction_kind<sum>} : vector<16xi1> -> vector<16xi32>
      %slice3A_381 = vector.extract_strided_slice %all_reduce_population_count3A_380 {offsets = [0], sizes = [1], strides = [1]} : vector<16xi32> to vector<1xi32>
      %squeeze3A_382 = vector.extract %slice3A_381[0] : i32 from vector<1xi32>
      %add3A_383 = arith.addi %add3A_367, %squeeze3A_382 : i32
      %mul3A_384 = arith.constant 256 : i32
      %mul3A_385 = arith.muli %squeeze3A, %mul3A_384 : i32
      %add3A_386 = arith.constant 112 : i32
      %add3A_387 = arith.addi %mul3A_385, %add3A_386 : i32
      %get3A_388 = arith.index_cast %add3A_387 : i32 to index
      %get3A_389 = tpu.vector_load %arg4[%get3A_388] {strides = array<i32>} : memref<62976xf32, #tpu.memory_space<vmem>>, vector<16xf32>,
      %ge3A_390 = vector.broadcast %sub3A_28 : f32 to vector<16xf32>
      %ge3A_391 = arith.cmpf oge, %get3A_389, %ge3A_390 : vector<16xf32>
      %min3A_392 = arith.constant 512 : i32
      %min3A_393 = arith.minsi %add3A_383, %min3A_392 : i32
      %swap3A_394 = arith.index_cast %min3A_393 : i32 to index
      %swap3A_395 = tpu.vector_load %arg7[%swap3A_394] masked %ge3A_391 {strides = array<i32>} : memref<528xf32, #tpu.memory_space<vmem>>, vector<16xf32>, vector<16xi1>
      tpu.vector_store %arg7[%swap3A_394], %get3A_389 masked %ge3A_391 {strides = array<i32>} : memref<528xf32, #tpu.memory_space<vmem>>, vector<16xf32>, vector<16xi1>
      %all_reduce_population_count3A_396 = tpu.all_reduce %ge3A_391 {dim = 0 : i64, kind = #tpu.reduction_kind<sum>} : vector<16xi1> -> vector<16xi32>
      %slice3A_397 = vector.extract_strided_slice %all_reduce_population_count3A_396 {offsets = [0], sizes = [1], strides = [1]} : vector<16xi32> to vector<1xi32>
      %squeeze3A_398 = vector.extract %slice3A_397[0] : i32 from vector<1xi32>
      %add3A_399 = arith.addi %add3A_383, %squeeze3A_398 : i32
      %mul3A_400 = arith.constant 256 : i32
      %mul3A_401 = arith.muli %squeeze3A, %mul3A_400 : i32
      %add3A_402 = arith.constant 128 : i32
      %add3A_403 = arith.addi %mul3A_401, %add3A_402 : i32
      %get3A_404 = arith.index_cast %add3A_403 : i32 to index
      %get3A_405 = tpu.vector_load %arg4[%get3A_404] {strides = array<i32>} : memref<62976xf32, #tpu.memory_space<vmem>>, vector<16xf32>,
      %ge3A_406 = vector.broadcast %sub3A_28 : f32 to vector<16xf32>
      %ge3A_407 = arith.cmpf oge, %get3A_405, %ge3A_406 : vector<16xf32>
      %min3A_408 = arith.constant 512 : i32
      %min3A_409 = arith.minsi %add3A_399, %min3A_408 : i32
      %swap3A_410 = arith.index_cast %min3A_409 : i32 to index
      %swap3A_411 = tpu.vector_load %arg7[%swap3A_410] masked %ge3A_407 {strides = array<i32>} : memref<528xf32, #tpu.memory_space<vmem>>, vector<16xf32>, vector<16xi1>
      tpu.vector_store %arg7[%swap3A_410], %get3A_405 masked %ge3A_407 {strides = array<i32>} : memref<528xf32, #tpu.memory_space<vmem>>, vector<16xf32>, vector<16xi1>
      %all_reduce_population_count3A_412 = tpu.all_reduce %ge3A_407 {dim = 0 : i64, kind = #tpu.reduction_kind<sum>} : vector<16xi1> -> vector<16xi32>
      %slice3A_413 = vector.extract_strided_slice %all_reduce_population_count3A_412 {offsets = [0], sizes = [1], strides = [1]} : vector<16xi32> to vector<1xi32>
      %squeeze3A_414 = vector.extract %slice3A_413[0] : i32 from vector<1xi32>
      %add3A_415 = arith.addi %add3A_399, %squeeze3A_414 : i32
      %mul3A_416 = arith.constant 256 : i32
      %mul3A_417 = arith.muli %squeeze3A, %mul3A_416 : i32
      %add3A_418 = arith.constant 144 : i32
      %add3A_419 = arith.addi %mul3A_417, %add3A_418 : i32
      %get3A_420 = arith.index_cast %add3A_419 : i32 to index
      %get3A_421 = tpu.vector_load %arg4[%get3A_420] {strides = array<i32>} : memref<62976xf32, #tpu.memory_space<vmem>>, vector<16xf32>,
      %ge3A_422 = vector.broadcast %sub3A_28 : f32 to vector<16xf32>
      %ge3A_423 = arith.cmpf oge, %get3A_421, %ge3A_422 : vector<16xf32>
      %min3A_424 = arith.constant 512 : i32
      %min3A_425 = arith.minsi %add3A_415, %min3A_424 : i32
      %swap3A_426 = arith.index_cast %min3A_425 : i32 to index
      %swap3A_427 = tpu.vector_load %arg7[%swap3A_426] masked %ge3A_423 {strides = array<i32>} : memref<528xf32, #tpu.memory_space<vmem>>, vector<16xf32>, vector<16xi1>
      tpu.vector_store %arg7[%swap3A_426], %get3A_421 masked %ge3A_423 {strides = array<i32>} : memref<528xf32, #tpu.memory_space<vmem>>, vector<16xf32>, vector<16xi1>
      %all_reduce_population_count3A_428 = tpu.all_reduce %ge3A_423 {dim = 0 : i64, kind = #tpu.reduction_kind<sum>} : vector<16xi1> -> vector<16xi32>
      %slice3A_429 = vector.extract_strided_slice %all_reduce_population_count3A_428 {offsets = [0], sizes = [1], strides = [1]} : vector<16xi32> to vector<1xi32>
      %squeeze3A_430 = vector.extract %slice3A_429[0] : i32 from vector<1xi32>
      %add3A_431 = arith.addi %add3A_415, %squeeze3A_430 : i32
      %mul3A_432 = arith.constant 256 : i32
      %mul3A_433 = arith.muli %squeeze3A, %mul3A_432 : i32
      %add3A_434 = arith.constant 160 : i32
      %add3A_435 = arith.addi %mul3A_433, %add3A_434 : i32
      %get3A_436 = arith.index_cast %add3A_435 : i32 to index
      %get3A_437 = tpu.vector_load %arg4[%get3A_436] {strides = array<i32>} : memref<62976xf32, #tpu.memory_space<vmem>>, vector<16xf32>,
      %ge3A_438 = vector.broadcast %sub3A_28 : f32 to vector<16xf32>
      %ge3A_439 = arith.cmpf oge, %get3A_437, %ge3A_438 : vector<16xf32>
      %min3A_440 = arith.constant 512 : i32
      %min3A_441 = arith.minsi %add3A_431, %min3A_440 : i32
      %swap3A_442 = arith.index_cast %min3A_441 : i32 to index
      %swap3A_443 = tpu.vector_load %arg7[%swap3A_442] masked %ge3A_439 {strides = array<i32>} : memref<528xf32, #tpu.memory_space<vmem>>, vector<16xf32>, vector<16xi1>
      tpu.vector_store %arg7[%swap3A_442], %get3A_437 masked %ge3A_439 {strides = array<i32>} : memref<528xf32, #tpu.memory_space<vmem>>, vector<16xf32>, vector<16xi1>
      %all_reduce_population_count3A_444 = tpu.all_reduce %ge3A_439 {dim = 0 : i64, kind = #tpu.reduction_kind<sum>} : vector<16xi1> -> vector<16xi32>
      %slice3A_445 = vector.extract_strided_slice %all_reduce_population_count3A_444 {offsets = [0], sizes = [1], strides = [1]} : vector<16xi32> to vector<1xi32>
      %squeeze3A_446 = vector.extract %slice3A_445[0] : i32 from vector<1xi32>
      %add3A_447 = arith.addi %add3A_431, %squeeze3A_446 : i32
      %mul3A_448 = arith.constant 256 : i32
      %mul3A_449 = arith.muli %squeeze3A, %mul3A_448 : i32
      %add3A_450 = arith.constant 176 : i32
      %add3A_451 = arith.addi %mul3A_449, %add3A_450 : i32
      %get3A_452 = arith.index_cast %add3A_451 : i32 to index
      %get3A_453 = tpu.vector_load %arg4[%get3A_452] {strides = array<i32>} : memref<62976xf32, #tpu.memory_space<vmem>>, vector<16xf32>,
      %ge3A_454 = vector.broadcast %sub3A_28 : f32 to vector<16xf32>
      %ge3A_455 = arith.cmpf oge, %get3A_453, %ge3A_454 : vector<16xf32>
      %min3A_456 = arith.constant 512 : i32
      %min3A_457 = arith.minsi %add3A_447, %min3A_456 : i32
      %swap3A_458 = arith.index_cast %min3A_457 : i32 to index
      %swap3A_459 = tpu.vector_load %arg7[%swap3A_458] masked %ge3A_455 {strides = array<i32>} : memref<528xf32, #tpu.memory_space<vmem>>, vector<16xf32>, vector<16xi1>
      tpu.vector_store %arg7[%swap3A_458], %get3A_453 masked %ge3A_455 {strides = array<i32>} : memref<528xf32, #tpu.memory_space<vmem>>, vector<16xf32>, vector<16xi1>
      %all_reduce_population_count3A_460 = tpu.all_reduce %ge3A_455 {dim = 0 : i64, kind = #tpu.reduction_kind<sum>} : vector<16xi1> -> vector<16xi32>
      %slice3A_461 = vector.extract_strided_slice %all_reduce_population_count3A_460 {offsets = [0], sizes = [1], strides = [1]} : vector<16xi32> to vector<1xi32>
      %squeeze3A_462 = vector.extract %slice3A_461[0] : i32 from vector<1xi32>
      %add3A_463 = arith.addi %add3A_447, %squeeze3A_462 : i32
      %mul3A_464 = arith.constant 256 : i32
      %mul3A_465 = arith.muli %squeeze3A, %mul3A_464 : i32
      %add3A_466 = arith.constant 192 : i32
      %add3A_467 = arith.addi %mul3A_465, %add3A_466 : i32
      %get3A_468 = arith.index_cast %add3A_467 : i32 to index
      %get3A_469 = tpu.vector_load %arg4[%get3A_468] {strides = array<i32>} : memref<62976xf32, #tpu.memory_space<vmem>>, vector<16xf32>,
      %ge3A_470 = vector.broadcast %sub3A_28 : f32 to vector<16xf32>
      %ge3A_471 = arith.cmpf oge, %get3A_469, %ge3A_470 : vector<16xf32>
      %min3A_472 = arith.constant 512 : i32
      %min3A_473 = arith.minsi %add3A_463, %min3A_472 : i32
      %swap3A_474 = arith.index_cast %min3A_473 : i32 to index
      %swap3A_475 = tpu.vector_load %arg7[%swap3A_474] masked %ge3A_471 {strides = array<i32>} : memref<528xf32, #tpu.memory_space<vmem>>, vector<16xf32>, vector<16xi1>
      tpu.vector_store %arg7[%swap3A_474], %get3A_469 masked %ge3A_471 {strides = array<i32>} : memref<528xf32, #tpu.memory_space<vmem>>, vector<16xf32>, vector<16xi1>
      %all_reduce_population_count3A_476 = tpu.all_reduce %ge3A_471 {dim = 0 : i64, kind = #tpu.reduction_kind<sum>} : vector<16xi1> -> vector<16xi32>
      %slice3A_477 = vector.extract_strided_slice %all_reduce_population_count3A_476 {offsets = [0], sizes = [1], strides = [1]} : vector<16xi32> to vector<1xi32>
      %squeeze3A_478 = vector.extract %slice3A_477[0] : i32 from vector<1xi32>
      %add3A_479 = arith.addi %add3A_463, %squeeze3A_478 : i32
      %mul3A_480 = arith.constant 256 : i32
      %mul3A_481 = arith.muli %squeeze3A, %mul3A_480 : i32
      %add3A_482 = arith.constant 208 : i32
      %add3A_483 = arith.addi %mul3A_481, %add3A_482 : i32
      %get3A_484 = arith.index_cast %add3A_483 : i32 to index
      %get3A_485 = tpu.vector_load %arg4[%get3A_484] {strides = array<i32>} : memref<62976xf32, #tpu.memory_space<vmem>>, vector<16xf32>,
      %ge3A_486 = vector.broadcast %sub3A_28 : f32 to vector<16xf32>
      %ge3A_487 = arith.cmpf oge, %get3A_485, %ge3A_486 : vector<16xf32>
      %min3A_488 = arith.constant 512 : i32
      %min3A_489 = arith.minsi %add3A_479, %min3A_488 : i32
      %swap3A_490 = arith.index_cast %min3A_489 : i32 to index
      %swap3A_491 = tpu.vector_load %arg7[%swap3A_490] masked %ge3A_487 {strides = array<i32>} : memref<528xf32, #tpu.memory_space<vmem>>, vector<16xf32>, vector<16xi1>
      tpu.vector_store %arg7[%swap3A_490], %get3A_485 masked %ge3A_487 {strides = array<i32>} : memref<528xf32, #tpu.memory_space<vmem>>, vector<16xf32>, vector<16xi1>
      %all_reduce_population_count3A_492 = tpu.all_reduce %ge3A_487 {dim = 0 : i64, kind = #tpu.reduction_kind<sum>} : vector<16xi1> -> vector<16xi32>
      %slice3A_493 = vector.extract_strided_slice %all_reduce_population_count3A_492 {offsets = [0], sizes = [1], strides = [1]} : vector<16xi32> to vector<1xi32>
      %squeeze3A_494 = vector.extract %slice3A_493[0] : i32 from vector<1xi32>
      %add3A_495 = arith.addi %add3A_479, %squeeze3A_494 : i32
      %mul3A_496 = arith.constant 256 : i32
      %mul3A_497 = arith.muli %squeeze3A, %mul3A_496 : i32
      %add3A_498 = arith.constant 224 : i32
      %add3A_499 = arith.addi %mul3A_497, %add3A_498 : i32
      %get3A_500 = arith.index_cast %add3A_499 : i32 to index
      %get3A_501 = tpu.vector_load %arg4[%get3A_500] {strides = array<i32>} : memref<62976xf32, #tpu.memory_space<vmem>>, vector<16xf32>,
      %ge3A_502 = vector.broadcast %sub3A_28 : f32 to vector<16xf32>
      %ge3A_503 = arith.cmpf oge, %get3A_501, %ge3A_502 : vector<16xf32>
      %min3A_504 = arith.constant 512 : i32
      %min3A_505 = arith.minsi %add3A_495, %min3A_504 : i32
      %swap3A_506 = arith.index_cast %min3A_505 : i32 to index
      %swap3A_507 = tpu.vector_load %arg7[%swap3A_506] masked %ge3A_503 {strides = array<i32>} : memref<528xf32, #tpu.memory_space<vmem>>, vector<16xf32>, vector<16xi1>
      tpu.vector_store %arg7[%swap3A_506], %get3A_501 masked %ge3A_503 {strides = array<i32>} : memref<528xf32, #tpu.memory_space<vmem>>, vector<16xf32>, vector<16xi1>
      %all_reduce_population_count3A_508 = tpu.all_reduce %ge3A_503 {dim = 0 : i64, kind = #tpu.reduction_kind<sum>} : vector<16xi1> -> vector<16xi32>
      %slice3A_509 = vector.extract_strided_slice %all_reduce_population_count3A_508 {offsets = [0], sizes = [1], strides = [1]} : vector<16xi32> to vector<1xi32>
      %squeeze3A_510 = vector.extract %slice3A_509[0] : i32 from vector<1xi32>
      %add3A_511 = arith.addi %add3A_495, %squeeze3A_510 : i32
      %mul3A_512 = arith.constant 256 : i32
      %mul3A_513 = arith.muli %squeeze3A, %mul3A_512 : i32
      %add3A_514 = arith.constant 240 : i32
      %add3A_515 = arith.addi %mul3A_513, %add3A_514 : i32
      %get3A_516 = arith.index_cast %add3A_515 : i32 to index
      %get3A_517 = tpu.vector_load %arg4[%get3A_516] {strides = array<i32>} : memref<62976xf32, #tpu.memory_space<vmem>>, vector<16xf32>,
      %ge3A_518 = vector.broadcast %sub3A_28 : f32 to vector<16xf32>
      %ge3A_519 = arith.cmpf oge, %get3A_517, %ge3A_518 : vector<16xf32>
      %min3A_520 = arith.constant 512 : i32
      %min3A_521 = arith.minsi %add3A_511, %min3A_520 : i32
      %swap3A_522 = arith.index_cast %min3A_521 : i32 to index
      %swap3A_523 = tpu.vector_load %arg7[%swap3A_522] masked %ge3A_519 {strides = array<i32>} : memref<528xf32, #tpu.memory_space<vmem>>, vector<16xf32>, vector<16xi1>
      tpu.vector_store %arg7[%swap3A_522], %get3A_517 masked %ge3A_519 {strides = array<i32>} : memref<528xf32, #tpu.memory_space<vmem>>, vector<16xf32>, vector<16xi1>
      %all_reduce_population_count3A_524 = tpu.all_reduce %ge3A_519 {dim = 0 : i64, kind = #tpu.reduction_kind<sum>} : vector<16xi1> -> vector<16xi32>
      %slice3A_525 = vector.extract_strided_slice %all_reduce_population_count3A_524 {offsets = [0], sizes = [1], strides = [1]} : vector<16xi32> to vector<1xi32>
      %squeeze3A_526 = vector.extract %slice3A_525[0] : i32 from vector<1xi32>
      %add3A_527 = arith.addi %add3A_511, %squeeze3A_526 : i32
      scf.yield %add3A_527 : i32
    }
    %while3A_111 = arith.constant 1 : i32
    %while3A_112 = scf.for %while3A_271 = %while3A_108 to %while3A_104 step %while3A_111 iter_args(%while3A_272 = %while3A_110) -> (i32)  : i32 {
      %get3A = arith.index_cast %while3A_271 : i32 to index
      %get3A_273 = tpu.vector_load %arg6[%get3A] {strides = array<i32>} : memref<262xi32, #tpu.memory_space<vmem>>, vector<16xi32>,
      %slice3A = vector.extract_strided_slice %get3A_273 {offsets = [0], sizes = [1], strides = [1]} : vector<16xi32> to vector<1xi32>
      %squeeze3A = vector.extract %slice3A[0] : i32 from vector<1xi32>
      %mul3A_274 = arith.constant 256 : i32
      %mul3A_275 = arith.muli %squeeze3A, %mul3A_274 : i32
      %add3A_276 = arith.constant 0 : i32
      %add3A_277 = arith.addi %mul3A_275, %add3A_276 : i32
      %get3A_278 = arith.index_cast %add3A_277 : i32 to index
      %get3A_279 = tpu.vector_load %arg4[%get3A_278] {strides = array<i32>} : memref<62976xf32, #tpu.memory_space<vmem>>, vector<16xf32>,
      %ge3A = vector.broadcast %sub3A_28 : f32 to vector<16xf32>
      %ge3A_280 = arith.cmpf oge, %get3A_279, %ge3A : vector<16xf32>
      %min3A_281 = arith.constant 512 : i32
      %min3A_282 = arith.minsi %while3A_272, %min3A_281 : i32
      %swap3A_283 = arith.index_cast %min3A_282 : i32 to index
      %swap3A_284 = tpu.vector_load %arg7[%swap3A_283] masked %ge3A_280 {strides = array<i32>} : memref<528xf32, #tpu.memory_space<vmem>>, vector<16xf32>, vector<16xi1>
      tpu.vector_store %arg7[%swap3A_283], %get3A_279 masked %ge3A_280 {strides = array<i32>} : memref<528xf32, #tpu.memory_space<vmem>>, vector<16xf32>, vector<16xi1>
      %all_reduce_population_count3A = tpu.all_reduce %ge3A_280 {dim = 0 : i64, kind = #tpu.reduction_kind<sum>} : vector<16xi1> -> vector<16xi32>
      %slice3A_285 = vector.extract_strided_slice %all_reduce_population_count3A {offsets = [0], sizes = [1], strides = [1]} : vector<16xi32> to vector<1xi32>
      %squeeze3A_286 = vector.extract %slice3A_285[0] : i32 from vector<1xi32>
      %add3A_287 = arith.addi %while3A_272, %squeeze3A_286 : i32
      %mul3A_288 = arith.constant 256 : i32
      %mul3A_289 = arith.muli %squeeze3A, %mul3A_288 : i32
      %add3A_290 = arith.constant 16 : i32
      %add3A_291 = arith.addi %mul3A_289, %add3A_290 : i32
      %get3A_292 = arith.index_cast %add3A_291 : i32 to index
      %get3A_293 = tpu.vector_load %arg4[%get3A_292] {strides = array<i32>} : memref<62976xf32, #tpu.memory_space<vmem>>, vector<16xf32>,
      %ge3A_294 = vector.broadcast %sub3A_28 : f32 to vector<16xf32>
      %ge3A_295 = arith.cmpf oge, %get3A_293, %ge3A_294 : vector<16xf32>
      %min3A_296 = arith.constant 512 : i32
      %min3A_297 = arith.minsi %add3A_287, %min3A_296 : i32
      %swap3A_298 = arith.index_cast %min3A_297 : i32 to index
      %swap3A_299 = tpu.vector_load %arg7[%swap3A_298] masked %ge3A_295 {strides = array<i32>} : memref<528xf32, #tpu.memory_space<vmem>>, vector<16xf32>, vector<16xi1>
      tpu.vector_store %arg7[%swap3A_298], %get3A_293 masked %ge3A_295 {strides = array<i32>} : memref<528xf32, #tpu.memory_space<vmem>>, vector<16xf32>, vector<16xi1>
      %all_reduce_population_count3A_300 = tpu.all_reduce %ge3A_295 {dim = 0 : i64, kind = #tpu.reduction_kind<sum>} : vector<16xi1> -> vector<16xi32>
      %slice3A_301 = vector.extract_strided_slice %all_reduce_population_count3A_300 {offsets = [0], sizes = [1], strides = [1]} : vector<16xi32> to vector<1xi32>
      %squeeze3A_302 = vector.extract %slice3A_301[0] : i32 from vector<1xi32>
      %add3A_303 = arith.addi %add3A_287, %squeeze3A_302 : i32
      %mul3A_304 = arith.constant 256 : i32
      %mul3A_305 = arith.muli %squeeze3A, %mul3A_304 : i32
      %add3A_306 = arith.constant 32 : i32
      %add3A_307 = arith.addi %mul3A_305, %add3A_306 : i32
      %get3A_308 = arith.index_cast %add3A_307 : i32 to index
      %get3A_309 = tpu.vector_load %arg4[%get3A_308] {strides = array<i32>} : memref<62976xf32, #tpu.memory_space<vmem>>, vector<16xf32>,
      %ge3A_310 = vector.broadcast %sub3A_28 : f32 to vector<16xf32>
      %ge3A_311 = arith.cmpf oge, %get3A_309, %ge3A_310 : vector<16xf32>
      %min3A_312 = arith.constant 512 : i32
      %min3A_313 = arith.minsi %add3A_303, %min3A_312 : i32
      %swap3A_314 = arith.index_cast %min3A_313 : i32 to index
      %swap3A_315 = tpu.vector_load %arg7[%swap3A_314] masked %ge3A_311 {strides = array<i32>} : memref<528xf32, #tpu.memory_space<vmem>>, vector<16xf32>, vector<16xi1>
      tpu.vector_store %arg7[%swap3A_314], %get3A_309 masked %ge3A_311 {strides = array<i32>} : memref<528xf32, #tpu.memory_space<vmem>>, vector<16xf32>, vector<16xi1>
      %all_reduce_population_count3A_316 = tpu.all_reduce %ge3A_311 {dim = 0 : i64, kind = #tpu.reduction_kind<sum>} : vector<16xi1> -> vector<16xi32>
      %slice3A_317 = vector.extract_strided_slice %all_reduce_population_count3A_316 {offsets = [0], sizes = [1], strides = [1]} : vector<16xi32> to vector<1xi32>
      %squeeze3A_318 = vector.extract %slice3A_317[0] : i32 from vector<1xi32>
      %add3A_319 = arith.addi %add3A_303, %squeeze3A_318 : i32
      %mul3A_320 = arith.constant 256 : i32
      %mul3A_321 = arith.muli %squeeze3A, %mul3A_320 : i32
      %add3A_322 = arith.constant 48 : i32
      %add3A_323 = arith.addi %mul3A_321, %add3A_322 : i32
      %get3A_324 = arith.index_cast %add3A_323 : i32 to index
      %get3A_325 = tpu.vector_load %arg4[%get3A_324] {strides = array<i32>} : memref<62976xf32, #tpu.memory_space<vmem>>, vector<16xf32>,
      %ge3A_326 = vector.broadcast %sub3A_28 : f32 to vector<16xf32>
      %ge3A_327 = arith.cmpf oge, %get3A_325, %ge3A_326 : vector<16xf32>
      %min3A_328 = arith.constant 512 : i32
      %min3A_329 = arith.minsi %add3A_319, %min3A_328 : i32
      %swap3A_330 = arith.index_cast %min3A_329 : i32 to index
      %swap3A_331 = tpu.vector_load %arg7[%swap3A_330] masked %ge3A_327 {strides = array<i32>} : memref<528xf32, #tpu.memory_space<vmem>>, vector<16xf32>, vector<16xi1>
      tpu.vector_store %arg7[%swap3A_330], %get3A_325 masked %ge3A_327 {strides = array<i32>} : memref<528xf32, #tpu.memory_space<vmem>>, vector<16xf32>, vector<16xi1>
      %all_reduce_population_count3A_332 = tpu.all_reduce %ge3A_327 {dim = 0 : i64, kind = #tpu.reduction_kind<sum>} : vector<16xi1> -> vector<16xi32>
      %slice3A_333 = vector.extract_strided_slice %all_reduce_population_count3A_332 {offsets = [0], sizes = [1], strides = [1]} : vector<16xi32> to vector<1xi32>
      %squeeze3A_334 = vector.extract %slice3A_333[0] : i32 from vector<1xi32>
      %add3A_335 = arith.addi %add3A_319, %squeeze3A_334 : i32
      %mul3A_336 = arith.constant 256 : i32
      %mul3A_337 = arith.muli %squeeze3A, %mul3A_336 : i32
      %add3A_338 = arith.constant 64 : i32
      %add3A_339 = arith.addi %mul3A_337, %add3A_338 : i32
      %get3A_340 = arith.index_cast %add3A_339 : i32 to index
      %get3A_341 = tpu.vector_load %arg4[%get3A_340] {strides = array<i32>} : memref<62976xf32, #tpu.memory_space<vmem>>, vector<16xf32>,
      %ge3A_342 = vector.broadcast %sub3A_28 : f32 to vector<16xf32>
      %ge3A_343 = arith.cmpf oge, %get3A_341, %ge3A_342 : vector<16xf32>
      %min3A_344 = arith.constant 512 : i32
      %min3A_345 = arith.minsi %add3A_335, %min3A_344 : i32
      %swap3A_346 = arith.index_cast %min3A_345 : i32 to index
      %swap3A_347 = tpu.vector_load %arg7[%swap3A_346] masked %ge3A_343 {strides = array<i32>} : memref<528xf32, #tpu.memory_space<vmem>>, vector<16xf32>, vector<16xi1>
      tpu.vector_store %arg7[%swap3A_346], %get3A_341 masked %ge3A_343 {strides = array<i32>} : memref<528xf32, #tpu.memory_space<vmem>>, vector<16xf32>, vector<16xi1>
      %all_reduce_population_count3A_348 = tpu.all_reduce %ge3A_343 {dim = 0 : i64, kind = #tpu.reduction_kind<sum>} : vector<16xi1> -> vector<16xi32>
      %slice3A_349 = vector.extract_strided_slice %all_reduce_population_count3A_348 {offsets = [0], sizes = [1], strides = [1]} : vector<16xi32> to vector<1xi32>
      %squeeze3A_350 = vector.extract %slice3A_349[0] : i32 from vector<1xi32>
      %add3A_351 = arith.addi %add3A_335, %squeeze3A_350 : i32
      %mul3A_352 = arith.constant 256 : i32
      %mul3A_353 = arith.muli %squeeze3A, %mul3A_352 : i32
      %add3A_354 = arith.constant 80 : i32
      %add3A_355 = arith.addi %mul3A_353, %add3A_354 : i32
      %get3A_356 = arith.index_cast %add3A_355 : i32 to index
      %get3A_357 = tpu.vector_load %arg4[%get3A_356] {strides = array<i32>} : memref<62976xf32, #tpu.memory_space<vmem>>, vector<16xf32>,
      %ge3A_358 = vector.broadcast %sub3A_28 : f32 to vector<16xf32>
      %ge3A_359 = arith.cmpf oge, %get3A_357, %ge3A_358 : vector<16xf32>
      %min3A_360 = arith.constant 512 : i32
      %min3A_361 = arith.minsi %add3A_351, %min3A_360 : i32
      %swap3A_362 = arith.index_cast %min3A_361 : i32 to index
      %swap3A_363 = tpu.vector_load %arg7[%swap3A_362] masked %ge3A_359 {strides = array<i32>} : memref<528xf32, #tpu.memory_space<vmem>>, vector<16xf32>, vector<16xi1>
      tpu.vector_store %arg7[%swap3A_362], %get3A_357 masked %ge3A_359 {strides = array<i32>} : memref<528xf32, #tpu.memory_space<vmem>>, vector<16xf32>, vector<16xi1>
      %all_reduce_population_count3A_364 = tpu.all_reduce %ge3A_359 {dim = 0 : i64, kind = #tpu.reduction_kind<sum>} : vector<16xi1> -> vector<16xi32>
      %slice3A_365 = vector.extract_strided_slice %all_reduce_population_count3A_364 {offsets = [0], sizes = [1], strides = [1]} : vector<16xi32> to vector<1xi32>
      %squeeze3A_366 = vector.extract %slice3A_365[0] : i32 from vector<1xi32>
      %add3A_367 = arith.addi %add3A_351, %squeeze3A_366 : i32
      %mul3A_368 = arith.constant 256 : i32
      %mul3A_369 = arith.muli %squeeze3A, %mul3A_368 : i32
      %add3A_370 = arith.constant 96 : i32
      %add3A_371 = arith.addi %mul3A_369, %add3A_370 : i32
      %get3A_372 = arith.index_cast %add3A_371 : i32 to index
      %get3A_373 = tpu.vector_load %arg4[%get3A_372] {strides = array<i32>} : memref<62976xf32, #tpu.memory_space<vmem>>, vector<16xf32>,
      %ge3A_374 = vector.broadcast %sub3A_28 : f32 to vector<16xf32>
      %ge3A_375 = arith.cmpf oge, %get3A_373, %ge3A_374 : vector<16xf32>
      %min3A_376 = arith.constant 512 : i32
      %min3A_377 = arith.minsi %add3A_367, %min3A_376 : i32
      %swap3A_378 = arith.index_cast %min3A_377 : i32 to index
      %swap3A_379 = tpu.vector_load %arg7[%swap3A_378] masked %ge3A_375 {strides = array<i32>} : memref<528xf32, #tpu.memory_space<vmem>>, vector<16xf32>, vector<16xi1>
      tpu.vector_store %arg7[%swap3A_378], %get3A_373 masked %ge3A_375 {strides = array<i32>} : memref<528xf32, #tpu.memory_space<vmem>>, vector<16xf32>, vector<16xi1>
      %all_reduce_population_count3A_380 = tpu.all_reduce %ge3A_375 {dim = 0 : i64, kind = #tpu.reduction_kind<sum>} : vector<16xi1> -> vector<16xi32>
      %slice3A_381 = vector.extract_strided_slice %all_reduce_population_count3A_380 {offsets = [0], sizes = [1], strides = [1]} : vector<16xi32> to vector<1xi32>
      %squeeze3A_382 = vector.extract %slice3A_381[0] : i32 from vector<1xi32>
      %add3A_383 = arith.addi %add3A_367, %squeeze3A_382 : i32
      %mul3A_384 = arith.constant 256 : i32
      %mul3A_385 = arith.muli %squeeze3A, %mul3A_384 : i32
      %add3A_386 = arith.constant 112 : i32
      %add3A_387 = arith.addi %mul3A_385, %add3A_386 : i32
      %get3A_388 = arith.index_cast %add3A_387 : i32 to index
      %get3A_389 = tpu.vector_load %arg4[%get3A_388] {strides = array<i32>} : memref<62976xf32, #tpu.memory_space<vmem>>, vector<16xf32>,
      %ge3A_390 = vector.broadcast %sub3A_28 : f32 to vector<16xf32>
      %ge3A_391 = arith.cmpf oge, %get3A_389, %ge3A_390 : vector<16xf32>
      %min3A_392 = arith.constant 512 : i32
      %min3A_393 = arith.minsi %add3A_383, %min3A_392 : i32
      %swap3A_394 = arith.index_cast %min3A_393 : i32 to index
      %swap3A_395 = tpu.vector_load %arg7[%swap3A_394] masked %ge3A_391 {strides = array<i32>} : memref<528xf32, #tpu.memory_space<vmem>>, vector<16xf32>, vector<16xi1>
      tpu.vector_store %arg7[%swap3A_394], %get3A_389 masked %ge3A_391 {strides = array<i32>} : memref<528xf32, #tpu.memory_space<vmem>>, vector<16xf32>, vector<16xi1>
      %all_reduce_population_count3A_396 = tpu.all_reduce %ge3A_391 {dim = 0 : i64, kind = #tpu.reduction_kind<sum>} : vector<16xi1> -> vector<16xi32>
      %slice3A_397 = vector.extract_strided_slice %all_reduce_population_count3A_396 {offsets = [0], sizes = [1], strides = [1]} : vector<16xi32> to vector<1xi32>
      %squeeze3A_398 = vector.extract %slice3A_397[0] : i32 from vector<1xi32>
      %add3A_399 = arith.addi %add3A_383, %squeeze3A_398 : i32
      %mul3A_400 = arith.constant 256 : i32
      %mul3A_401 = arith.muli %squeeze3A, %mul3A_400 : i32
      %add3A_402 = arith.constant 128 : i32
      %add3A_403 = arith.addi %mul3A_401, %add3A_402 : i32
      %get3A_404 = arith.index_cast %add3A_403 : i32 to index
      %get3A_405 = tpu.vector_load %arg4[%get3A_404] {strides = array<i32>} : memref<62976xf32, #tpu.memory_space<vmem>>, vector<16xf32>,
      %ge3A_406 = vector.broadcast %sub3A_28 : f32 to vector<16xf32>
      %ge3A_407 = arith.cmpf oge, %get3A_405, %ge3A_406 : vector<16xf32>
      %min3A_408 = arith.constant 512 : i32
      %min3A_409 = arith.minsi %add3A_399, %min3A_408 : i32
      %swap3A_410 = arith.index_cast %min3A_409 : i32 to index
      %swap3A_411 = tpu.vector_load %arg7[%swap3A_410] masked %ge3A_407 {strides = array<i32>} : memref<528xf32, #tpu.memory_space<vmem>>, vector<16xf32>, vector<16xi1>
      tpu.vector_store %arg7[%swap3A_410], %get3A_405 masked %ge3A_407 {strides = array<i32>} : memref<528xf32, #tpu.memory_space<vmem>>, vector<16xf32>, vector<16xi1>
      %all_reduce_population_count3A_412 = tpu.all_reduce %ge3A_407 {dim = 0 : i64, kind = #tpu.reduction_kind<sum>} : vector<16xi1> -> vector<16xi32>
      %slice3A_413 = vector.extract_strided_slice %all_reduce_population_count3A_412 {offsets = [0], sizes = [1], strides = [1]} : vector<16xi32> to vector<1xi32>
      %squeeze3A_414 = vector.extract %slice3A_413[0] : i32 from vector<1xi32>
      %add3A_415 = arith.addi %add3A_399, %squeeze3A_414 : i32
      %mul3A_416 = arith.constant 256 : i32
      %mul3A_417 = arith.muli %squeeze3A, %mul3A_416 : i32
      %add3A_418 = arith.constant 144 : i32
      %add3A_419 = arith.addi %mul3A_417, %add3A_418 : i32
      %get3A_420 = arith.index_cast %add3A_419 : i32 to index
      %get3A_421 = tpu.vector_load %arg4[%get3A_420] {strides = array<i32>} : memref<62976xf32, #tpu.memory_space<vmem>>, vector<16xf32>,
      %ge3A_422 = vector.broadcast %sub3A_28 : f32 to vector<16xf32>
      %ge3A_423 = arith.cmpf oge, %get3A_421, %ge3A_422 : vector<16xf32>
      %min3A_424 = arith.constant 512 : i32
      %min3A_425 = arith.minsi %add3A_415, %min3A_424 : i32
      %swap3A_426 = arith.index_cast %min3A_425 : i32 to index
      %swap3A_427 = tpu.vector_load %arg7[%swap3A_426] masked %ge3A_423 {strides = array<i32>} : memref<528xf32, #tpu.memory_space<vmem>>, vector<16xf32>, vector<16xi1>
      tpu.vector_store %arg7[%swap3A_426], %get3A_421 masked %ge3A_423 {strides = array<i32>} : memref<528xf32, #tpu.memory_space<vmem>>, vector<16xf32>, vector<16xi1>
      %all_reduce_population_count3A_428 = tpu.all_reduce %ge3A_423 {dim = 0 : i64, kind = #tpu.reduction_kind<sum>} : vector<16xi1> -> vector<16xi32>
      %slice3A_429 = vector.extract_strided_slice %all_reduce_population_count3A_428 {offsets = [0], sizes = [1], strides = [1]} : vector<16xi32> to vector<1xi32>
      %squeeze3A_430 = vector.extract %slice3A_429[0] : i32 from vector<1xi32>
      %add3A_431 = arith.addi %add3A_415, %squeeze3A_430 : i32
      %mul3A_432 = arith.constant 256 : i32
      %mul3A_433 = arith.muli %squeeze3A, %mul3A_432 : i32
      %add3A_434 = arith.constant 160 : i32
      %add3A_435 = arith.addi %mul3A_433, %add3A_434 : i32
      %get3A_436 = arith.index_cast %add3A_435 : i32 to index
      %get3A_437 = tpu.vector_load %arg4[%get3A_436] {strides = array<i32>} : memref<62976xf32, #tpu.memory_space<vmem>>, vector<16xf32>,
      %ge3A_438 = vector.broadcast %sub3A_28 : f32 to vector<16xf32>
      %ge3A_439 = arith.cmpf oge, %get3A_437, %ge3A_438 : vector<16xf32>
      %min3A_440 = arith.constant 512 : i32
      %min3A_441 = arith.minsi %add3A_431, %min3A_440 : i32
      %swap3A_442 = arith.index_cast %min3A_441 : i32 to index
      %swap3A_443 = tpu.vector_load %arg7[%swap3A_442] masked %ge3A_439 {strides = array<i32>} : memref<528xf32, #tpu.memory_space<vmem>>, vector<16xf32>, vector<16xi1>
      tpu.vector_store %arg7[%swap3A_442], %get3A_437 masked %ge3A_439 {strides = array<i32>} : memref<528xf32, #tpu.memory_space<vmem>>, vector<16xf32>, vector<16xi1>
      %all_reduce_population_count3A_444 = tpu.all_reduce %ge3A_439 {dim = 0 : i64, kind = #tpu.reduction_kind<sum>} : vector<16xi1> -> vector<16xi32>
      %slice3A_445 = vector.extract_strided_slice %all_reduce_population_count3A_444 {offsets = [0], sizes = [1], strides = [1]} : vector<16xi32> to vector<1xi32>
      %squeeze3A_446 = vector.extract %slice3A_445[0] : i32 from vector<1xi32>
      %add3A_447 = arith.addi %add3A_431, %squeeze3A_446 : i32
      %mul3A_448 = arith.constant 256 : i32
      %mul3A_449 = arith.muli %squeeze3A, %mul3A_448 : i32
      %add3A_450 = arith.constant 176 : i32
      %add3A_451 = arith.addi %mul3A_449, %add3A_450 : i32
      %get3A_452 = arith.index_cast %add3A_451 : i32 to index
      %get3A_453 = tpu.vector_load %arg4[%get3A_452] {strides = array<i32>} : memref<62976xf32, #tpu.memory_space<vmem>>, vector<16xf32>,
      %ge3A_454 = vector.broadcast %sub3A_28 : f32 to vector<16xf32>
      %ge3A_455 = arith.cmpf oge, %get3A_453, %ge3A_454 : vector<16xf32>
      %min3A_456 = arith.constant 512 : i32
      %min3A_457 = arith.minsi %add3A_447, %min3A_456 : i32
      %swap3A_458 = arith.index_cast %min3A_457 : i32 to index
      %swap3A_459 = tpu.vector_load %arg7[%swap3A_458] masked %ge3A_455 {strides = array<i32>} : memref<528xf32, #tpu.memory_space<vmem>>, vector<16xf32>, vector<16xi1>
      tpu.vector_store %arg7[%swap3A_458], %get3A_453 masked %ge3A_455 {strides = array<i32>} : memref<528xf32, #tpu.memory_space<vmem>>, vector<16xf32>, vector<16xi1>
      %all_reduce_population_count3A_460 = tpu.all_reduce %ge3A_455 {dim = 0 : i64, kind = #tpu.reduction_kind<sum>} : vector<16xi1> -> vector<16xi32>
      %slice3A_461 = vector.extract_strided_slice %all_reduce_population_count3A_460 {offsets = [0], sizes = [1], strides = [1]} : vector<16xi32> to vector<1xi32>
      %squeeze3A_462 = vector.extract %slice3A_461[0] : i32 from vector<1xi32>
      %add3A_463 = arith.addi %add3A_447, %squeeze3A_462 : i32
      %mul3A_464 = arith.constant 256 : i32
      %mul3A_465 = arith.muli %squeeze3A, %mul3A_464 : i32
      %add3A_466 = arith.constant 192 : i32
      %add3A_467 = arith.addi %mul3A_465, %add3A_466 : i32
      %get3A_468 = arith.index_cast %add3A_467 : i32 to index
      %get3A_469 = tpu.vector_load %arg4[%get3A_468] {strides = array<i32>} : memref<62976xf32, #tpu.memory_space<vmem>>, vector<16xf32>,
      %ge3A_470 = vector.broadcast %sub3A_28 : f32 to vector<16xf32>
      %ge3A_471 = arith.cmpf oge, %get3A_469, %ge3A_470 : vector<16xf32>
      %min3A_472 = arith.constant 512 : i32
      %min3A_473 = arith.minsi %add3A_463, %min3A_472 : i32
      %swap3A_474 = arith.index_cast %min3A_473 : i32 to index
      %swap3A_475 = tpu.vector_load %arg7[%swap3A_474] masked %ge3A_471 {strides = array<i32>} : memref<528xf32, #tpu.memory_space<vmem>>, vector<16xf32>, vector<16xi1>
      tpu.vector_store %arg7[%swap3A_474], %get3A_469 masked %ge3A_471 {strides = array<i32>} : memref<528xf32, #tpu.memory_space<vmem>>, vector<16xf32>, vector<16xi1>
      %all_reduce_population_count3A_476 = tpu.all_reduce %ge3A_471 {dim = 0 : i64, kind = #tpu.reduction_kind<sum>} : vector<16xi1> -> vector<16xi32>
      %slice3A_477 = vector.extract_strided_slice %all_reduce_population_count3A_476 {offsets = [0], sizes = [1], strides = [1]} : vector<16xi32> to vector<1xi32>
      %squeeze3A_478 = vector.extract %slice3A_477[0] : i32 from vector<1xi32>
      %add3A_479 = arith.addi %add3A_463, %squeeze3A_478 : i32
      %mul3A_480 = arith.constant 256 : i32
      %mul3A_481 = arith.muli %squeeze3A, %mul3A_480 : i32
      %add3A_482 = arith.constant 208 : i32
      %add3A_483 = arith.addi %mul3A_481, %add3A_482 : i32
      %get3A_484 = arith.index_cast %add3A_483 : i32 to index
      %get3A_485 = tpu.vector_load %arg4[%get3A_484] {strides = array<i32>} : memref<62976xf32, #tpu.memory_space<vmem>>, vector<16xf32>,
      %ge3A_486 = vector.broadcast %sub3A_28 : f32 to vector<16xf32>
      %ge3A_487 = arith.cmpf oge, %get3A_485, %ge3A_486 : vector<16xf32>
      %min3A_488 = arith.constant 512 : i32
      %min3A_489 = arith.minsi %add3A_479, %min3A_488 : i32
      %swap3A_490 = arith.index_cast %min3A_489 : i32 to index
      %swap3A_491 = tpu.vector_load %arg7[%swap3A_490] masked %ge3A_487 {strides = array<i32>} : memref<528xf32, #tpu.memory_space<vmem>>, vector<16xf32>, vector<16xi1>
      tpu.vector_store %arg7[%swap3A_490], %get3A_485 masked %ge3A_487 {strides = array<i32>} : memref<528xf32, #tpu.memory_space<vmem>>, vector<16xf32>, vector<16xi1>
      %all_reduce_population_count3A_492 = tpu.all_reduce %ge3A_487 {dim = 0 : i64, kind = #tpu.reduction_kind<sum>} : vector<16xi1> -> vector<16xi32>
      %slice3A_493 = vector.extract_strided_slice %all_reduce_population_count3A_492 {offsets = [0], sizes = [1], strides = [1]} : vector<16xi32> to vector<1xi32>
      %squeeze3A_494 = vector.extract %slice3A_493[0] : i32 from vector<1xi32>
      %add3A_495 = arith.addi %add3A_479, %squeeze3A_494 : i32
      %mul3A_496 = arith.constant 256 : i32
      %mul3A_497 = arith.muli %squeeze3A, %mul3A_496 : i32
      %add3A_498 = arith.constant 224 : i32
      %add3A_499 = arith.addi %mul3A_497, %add3A_498 : i32
      %get3A_500 = arith.index_cast %add3A_499 : i32 to index
      %get3A_501 = tpu.vector_load %arg4[%get3A_500] {strides = array<i32>} : memref<62976xf32, #tpu.memory_space<vmem>>, vector<16xf32>,
      %ge3A_502 = vector.broadcast %sub3A_28 : f32 to vector<16xf32>
      %ge3A_503 = arith.cmpf oge, %get3A_501, %ge3A_502 : vector<16xf32>
      %min3A_504 = arith.constant 512 : i32
      %min3A_505 = arith.minsi %add3A_495, %min3A_504 : i32
      %swap3A_506 = arith.index_cast %min3A_505 : i32 to index
      %swap3A_507 = tpu.vector_load %arg7[%swap3A_506] masked %ge3A_503 {strides = array<i32>} : memref<528xf32, #tpu.memory_space<vmem>>, vector<16xf32>, vector<16xi1>
      tpu.vector_store %arg7[%swap3A_506], %get3A_501 masked %ge3A_503 {strides = array<i32>} : memref<528xf32, #tpu.memory_space<vmem>>, vector<16xf32>, vector<16xi1>
      %all_reduce_population_count3A_508 = tpu.all_reduce %ge3A_503 {dim = 0 : i64, kind = #tpu.reduction_kind<sum>} : vector<16xi1> -> vector<16xi32>
      %slice3A_509 = vector.extract_strided_slice %all_reduce_population_count3A_508 {offsets = [0], sizes = [1], strides = [1]} : vector<16xi32> to vector<1xi32>
      %squeeze3A_510 = vector.extract %slice3A_509[0] : i32 from vector<1xi32>
      %add3A_511 = arith.addi %add3A_495, %squeeze3A_510 : i32
      %mul3A_512 = arith.constant 256 : i32
      %mul3A_513 = arith.muli %squeeze3A, %mul3A_512 : i32
      %add3A_514 = arith.constant 240 : i32
      %add3A_515 = arith.addi %mul3A_513, %add3A_514 : i32
      %get3A_516 = arith.index_cast %add3A_515 : i32 to index
      %get3A_517 = tpu.vector_load %arg4[%get3A_516] {strides = array<i32>} : memref<62976xf32, #tpu.memory_space<vmem>>, vector<16xf32>,
      %ge3A_518 = vector.broadcast %sub3A_28 : f32 to vector<16xf32>
      %ge3A_519 = arith.cmpf oge, %get3A_517, %ge3A_518 : vector<16xf32>
      %min3A_520 = arith.constant 512 : i32
      %min3A_521 = arith.minsi %add3A_511, %min3A_520 : i32
      %swap3A_522 = arith.index_cast %min3A_521 : i32 to index
      %swap3A_523 = tpu.vector_load %arg7[%swap3A_522] masked %ge3A_519 {strides = array<i32>} : memref<528xf32, #tpu.memory_space<vmem>>, vector<16xf32>, vector<16xi1>
      tpu.vector_store %arg7[%swap3A_522], %get3A_517 masked %ge3A_519 {strides = array<i32>} : memref<528xf32, #tpu.memory_space<vmem>>, vector<16xf32>, vector<16xi1>
      %all_reduce_population_count3A_524 = tpu.all_reduce %ge3A_519 {dim = 0 : i64, kind = #tpu.reduction_kind<sum>} : vector<16xi1> -> vector<16xi32>
      %slice3A_525 = vector.extract_strided_slice %all_reduce_population_count3A_524 {offsets = [0], sizes = [1], strides = [1]} : vector<16xi32> to vector<1xi32>
      %squeeze3A_526 = vector.extract %slice3A_525[0] : i32 from vector<1xi32>
      %add3A_527 = arith.addi %add3A_511, %squeeze3A_526 : i32
      scf.yield %add3A_527 : i32
    }
    "tpu.trace_stop"() : () -> ()
    %min3A_113 = arith.constant 512 : i32
    %min3A_114 = arith.minsi %while3A_112, %min3A_113 : i32
    "tpu.trace_start"() <{level = 10 : i32, message = "publish"}> : () -> ()
    "tpu.region"() ({
      %run_scoped3A = tpu.sem_alloc : memref<!tpu.dma_semaphore, #tpu.memory_space<semaphore_mem>>
      %dma_start3A = arith.constant 0 : i32
      %dma_start3A_271 = tpu.memref_slice %arg7[%dma_start3A] : memref<528xf32, #tpu.memory_space<vmem>> -> memref<512xf32, #tpu.memory_space<vmem>>
      %dma_start3A_272 = arith.constant 0 : i32
      %dma_start3A_273 = tpu.memref_slice %arg10[%arg1, %dma_start3A_272] : memref<16x512xf32, #tpu.memory_space<vmem_shared>> -> memref<1x512xf32, #tpu.memory_space<vmem_shared>>
      %dma_start3A_274 = tpu.memref_squeeze %dma_start3A_273 : memref<1x512xf32, #tpu.memory_space<vmem_shared>> -> memref<512xf32, #tpu.memory_space<vmem_shared>>
      %dma_start3A_275 = arith.constant 0 : i32
      %dma_start3A_276 = tpu.memref_slice %arg10[%arg1, %dma_start3A_275] : memref<16x512xf32, #tpu.memory_space<vmem_shared>> -> memref<1x512xf32, #tpu.memory_space<vmem_shared>>
      %dma_start3A_277 = tpu.memref_squeeze %dma_start3A_276 : memref<1x512xf32, #tpu.memory_space<vmem_shared>> -> memref<512xf32, #tpu.memory_space<vmem_shared>>
      %dma_start3A_278 = arith.constant 0 : i32
      %dma_start3A_279 = tpu.memref_slice %arg7[%dma_start3A_278] : memref<528xf32, #tpu.memory_space<vmem>> -> memref<512xf32, #tpu.memory_space<vmem>>
      tpu.enqueue_dma source(%dma_start3A_279 : memref<512xf32, #tpu.memory_space<vmem>>) target(%dma_start3A_277 : memref<512xf32, #tpu.memory_space<vmem_shared>>) target_semaphore(%run_scoped3A : memref<!tpu.dma_semaphore, #tpu.memory_space<semaphore_mem>>)
      %dma_wait3A = arith.constant 0 : i32
      %dma_wait3A_280 = tpu.memref_slice %arg7[%dma_wait3A] : memref<528xf32, #tpu.memory_space<vmem>> -> memref<512xf32, #tpu.memory_space<vmem>>
      %dma_wait3A_281 = arith.constant 0 : i32
      %dma_wait3A_282 = tpu.memref_slice %arg10[%arg1, %dma_wait3A_281] : memref<16x512xf32, #tpu.memory_space<vmem_shared>> -> memref<1x512xf32, #tpu.memory_space<vmem_shared>>
      %dma_wait3A_283 = tpu.memref_squeeze %dma_wait3A_282 : memref<1x512xf32, #tpu.memory_space<vmem_shared>> -> memref<512xf32, #tpu.memory_space<vmem_shared>>
      %dma_wait3A_284 = arith.constant 0 : i32
      %dma_wait3A_285 = tpu.memref_slice %arg10[%arg1, %dma_wait3A_284] : memref<16x512xf32, #tpu.memory_space<vmem_shared>> -> memref<1x512xf32, #tpu.memory_space<vmem_shared>>
      %dma_wait3A_286 = tpu.memref_squeeze %dma_wait3A_285 : memref<1x512xf32, #tpu.memory_space<vmem_shared>> -> memref<512xf32, #tpu.memory_space<vmem_shared>>
      %dma_wait3A_287 = arith.constant 0 : i32
      %dma_wait3A_288 = tpu.memref_slice %arg7[%dma_wait3A_287] : memref<528xf32, #tpu.memory_space<vmem>> -> memref<512xf32, #tpu.memory_space<vmem>>
      tpu.wait_dma2 semaphore(%run_scoped3A : memref<!tpu.dma_semaphore, #tpu.memory_space<semaphore_mem>>) src(%dma_wait3A_288 : memref<512xf32, #tpu.memory_space<vmem>>) dst(%dma_wait3A_286 : memref<512xf32, #tpu.memory_space<vmem_shared>>)
      tpu.yield
    }) : () -> ()
    %barrier3A = arith.constant 0 : index
    tpu.barrier barrier_id(%barrier3A)
    "tpu.region"() ({
      %run_scoped3A = tpu.sem_alloc : memref<!tpu.dma_semaphore, #tpu.memory_space<semaphore_mem>>
      tpu.enqueue_dma source(%arg10 : memref<16x512xf32, #tpu.memory_space<vmem_shared>>) target(%arg8 : memref<16x512xf32, #tpu.memory_space<vmem>>) target_semaphore(%run_scoped3A : memref<!tpu.dma_semaphore, #tpu.memory_space<semaphore_mem>>)
      tpu.wait_dma2 semaphore(%run_scoped3A : memref<!tpu.dma_semaphore, #tpu.memory_space<semaphore_mem>>) src(%arg10 : memref<16x512xf32, #tpu.memory_space<vmem_shared>>) dst(%arg8 : memref<16x512xf32, #tpu.memory_space<vmem>>)
      tpu.yield
    }) : () -> ()
    %while3A_115 = arith.constant 0xFF800000 : f32
    %while3A_116 = arith.constant 0 : i32
    %while3A_117 = arith.constant true
    "tpu.trace_stop"() : () -> ()
    %while3A_118:3 = scf.while (%while3A_271 = %while3A_116, %while3A_272 = %while3A_117, %while3A_273 = %broadcast_in_dim3A_6) : (i32, i1, vector<16xf32>) -> (i32, i1, vector<16xf32>) {
      %lt3A = arith.constant 32 : i32
      %lt3A_274 = arith.cmpi slt, %while3A_271, %lt3A : i32
      %and3A = arith.andi %lt3A_274, %while3A_272 : i1
      scf.condition(%and3A) %while3A_271, %while3A_272, %while3A_273 : i32, i1, vector<16xf32>
    } do {
    ^bb0(%while3A_271: i32, %while3A_272: i1, %while3A_273: vector<16xf32>):
      %mul3A_274 = arith.constant 16 : i32
      %mul3A_275 = arith.muli %while3A_271, %mul3A_274 : i32
      %get3A = arith.constant 0 : i32
      %get3A_276 = arith.index_cast %get3A : i32 to index
      %get3A_277 = arith.index_cast %mul3A_275 : i32 to index
      %get3A_278 = tpu.vector_load %arg8[%get3A_276, %get3A_277] {strides = array<i32>} : memref<16x512xf32, #tpu.memory_space<vmem>>, vector<16xf32>,
      %gt3A = arith.constant 0xFF800000 : f32
      %gt3A_279 = vector.broadcast %gt3A : f32 to vector<16xf32>
      %gt3A_280 = arith.cmpf ogt, %get3A_278, %gt3A_279 : vector<16xf32>
      %all_reduce_population_count3A = tpu.all_reduce %gt3A_280 {dim = 0 : i64, kind = #tpu.reduction_kind<sum>} : vector<16xi1> -> vector<16xi32>
      %slice3A = vector.extract_strided_slice %all_reduce_population_count3A {offsets = [0], sizes = [1], strides = [1]} : vector<16xi32> to vector<1xi32>
      %squeeze3A = vector.extract %slice3A[0] : i32 from vector<1xi32>
      %gt3A_281 = arith.constant 0 : i32
      %gt3A_282 = arith.cmpi sgt, %squeeze3A, %gt3A_281 : i32
      %ge3A = vector.broadcast %while3A_115 : f32 to vector<16xf32>
      %ge3A_283 = arith.cmpf oge, %get3A_278, %ge3A : vector<16xf32>
      %add3A_284 = arith.constant 1 : i32
      %add3A_285 = arith.addi %while3A_271, %add3A_284 : i32
      %max3A = arith.maximumf %while3A_273, %get3A_278 : vector<16xf32>
      scf.yield %add3A_285, %gt3A_282, %max3A : i32, i1, vector<16xf32>
    }
    %while3A_119 = arith.constant 0xFF800000 : f32
    %while3A_120 = arith.constant 0 : i32
    %while3A_121 = arith.constant true
    %while3A_122:3 = scf.while (%while3A_271 = %while3A_120, %while3A_272 = %while3A_121, %while3A_273 = %while3A_118#2) : (i32, i1, vector<16xf32>) -> (i32, i1, vector<16xf32>) {
      %lt3A = arith.constant 32 : i32
      %lt3A_274 = arith.cmpi slt, %while3A_271, %lt3A : i32
      %and3A = arith.andi %lt3A_274, %while3A_272 : i1
      scf.condition(%and3A) %while3A_271, %while3A_272, %while3A_273 : i32, i1, vector<16xf32>
    } do {
    ^bb0(%while3A_271: i32, %while3A_272: i1, %while3A_273: vector<16xf32>):
      %mul3A_274 = arith.constant 16 : i32
      %mul3A_275 = arith.muli %while3A_271, %mul3A_274 : i32
      %get3A = arith.constant 1 : i32
      %get3A_276 = arith.index_cast %get3A : i32 to index
      %get3A_277 = arith.index_cast %mul3A_275 : i32 to index
      %get3A_278 = tpu.vector_load %arg8[%get3A_276, %get3A_277] {strides = array<i32>} : memref<16x512xf32, #tpu.memory_space<vmem>>, vector<16xf32>,
      %gt3A = arith.constant 0xFF800000 : f32
      %gt3A_279 = vector.broadcast %gt3A : f32 to vector<16xf32>
      %gt3A_280 = arith.cmpf ogt, %get3A_278, %gt3A_279 : vector<16xf32>
      %all_reduce_population_count3A = tpu.all_reduce %gt3A_280 {dim = 0 : i64, kind = #tpu.reduction_kind<sum>} : vector<16xi1> -> vector<16xi32>
      %slice3A = vector.extract_strided_slice %all_reduce_population_count3A {offsets = [0], sizes = [1], strides = [1]} : vector<16xi32> to vector<1xi32>
      %squeeze3A = vector.extract %slice3A[0] : i32 from vector<1xi32>
      %gt3A_281 = arith.constant 0 : i32
      %gt3A_282 = arith.cmpi sgt, %squeeze3A, %gt3A_281 : i32
      %ge3A = vector.broadcast %while3A_119 : f32 to vector<16xf32>
      %ge3A_283 = arith.cmpf oge, %get3A_278, %ge3A : vector<16xf32>
      %add3A_284 = arith.constant 1 : i32
      %add3A_285 = arith.addi %while3A_271, %add3A_284 : i32
      %max3A = arith.maximumf %while3A_273, %get3A_278 : vector<16xf32>
      scf.yield %add3A_285, %gt3A_282, %max3A : i32, i1, vector<16xf32>
    }
    %while3A_123 = arith.constant 0xFF800000 : f32
    %while3A_124 = arith.constant 0 : i32
    %while3A_125 = arith.constant true
    %while3A_126:3 = scf.while (%while3A_271 = %while3A_124, %while3A_272 = %while3A_125, %while3A_273 = %while3A_122#2) : (i32, i1, vector<16xf32>) -> (i32, i1, vector<16xf32>) {
      %lt3A = arith.constant 32 : i32
      %lt3A_274 = arith.cmpi slt, %while3A_271, %lt3A : i32
      %and3A = arith.andi %lt3A_274, %while3A_272 : i1
      scf.condition(%and3A) %while3A_271, %while3A_272, %while3A_273 : i32, i1, vector<16xf32>
    } do {
    ^bb0(%while3A_271: i32, %while3A_272: i1, %while3A_273: vector<16xf32>):
      %mul3A_274 = arith.constant 16 : i32
      %mul3A_275 = arith.muli %while3A_271, %mul3A_274 : i32
      %get3A = arith.constant 2 : i32
      %get3A_276 = arith.index_cast %get3A : i32 to index
      %get3A_277 = arith.index_cast %mul3A_275 : i32 to index
      %get3A_278 = tpu.vector_load %arg8[%get3A_276, %get3A_277] {strides = array<i32>} : memref<16x512xf32, #tpu.memory_space<vmem>>, vector<16xf32>,
      %gt3A = arith.constant 0xFF800000 : f32
      %gt3A_279 = vector.broadcast %gt3A : f32 to vector<16xf32>
      %gt3A_280 = arith.cmpf ogt, %get3A_278, %gt3A_279 : vector<16xf32>
      %all_reduce_population_count3A = tpu.all_reduce %gt3A_280 {dim = 0 : i64, kind = #tpu.reduction_kind<sum>} : vector<16xi1> -> vector<16xi32>
      %slice3A = vector.extract_strided_slice %all_reduce_population_count3A {offsets = [0], sizes = [1], strides = [1]} : vector<16xi32> to vector<1xi32>
      %squeeze3A = vector.extract %slice3A[0] : i32 from vector<1xi32>
      %gt3A_281 = arith.constant 0 : i32
      %gt3A_282 = arith.cmpi sgt, %squeeze3A, %gt3A_281 : i32
      %ge3A = vector.broadcast %while3A_123 : f32 to vector<16xf32>
      %ge3A_283 = arith.cmpf oge, %get3A_278, %ge3A : vector<16xf32>
      %add3A_284 = arith.constant 1 : i32
      %add3A_285 = arith.addi %while3A_271, %add3A_284 : i32
      %max3A = arith.maximumf %while3A_273, %get3A_278 : vector<16xf32>
      scf.yield %add3A_285, %gt3A_282, %max3A : i32, i1, vector<16xf32>
    }
    %while3A_127 = arith.constant 0xFF800000 : f32
    %while3A_128 = arith.constant 0 : i32
    %while3A_129 = arith.constant true
    %while3A_130:3 = scf.while (%while3A_271 = %while3A_128, %while3A_272 = %while3A_129, %while3A_273 = %while3A_126#2) : (i32, i1, vector<16xf32>) -> (i32, i1, vector<16xf32>) {
      %lt3A = arith.constant 32 : i32
      %lt3A_274 = arith.cmpi slt, %while3A_271, %lt3A : i32
      %and3A = arith.andi %lt3A_274, %while3A_272 : i1
      scf.condition(%and3A) %while3A_271, %while3A_272, %while3A_273 : i32, i1, vector<16xf32>
    } do {
    ^bb0(%while3A_271: i32, %while3A_272: i1, %while3A_273: vector<16xf32>):
      %mul3A_274 = arith.constant 16 : i32
      %mul3A_275 = arith.muli %while3A_271, %mul3A_274 : i32
      %get3A = arith.constant 3 : i32
      %get3A_276 = arith.index_cast %get3A : i32 to index
      %get3A_277 = arith.index_cast %mul3A_275 : i32 to index
      %get3A_278 = tpu.vector_load %arg8[%get3A_276, %get3A_277] {strides = array<i32>} : memref<16x512xf32, #tpu.memory_space<vmem>>, vector<16xf32>,
      %gt3A = arith.constant 0xFF800000 : f32
      %gt3A_279 = vector.broadcast %gt3A : f32 to vector<16xf32>
      %gt3A_280 = arith.cmpf ogt, %get3A_278, %gt3A_279 : vector<16xf32>
      %all_reduce_population_count3A = tpu.all_reduce %gt3A_280 {dim = 0 : i64, kind = #tpu.reduction_kind<sum>} : vector<16xi1> -> vector<16xi32>
      %slice3A = vector.extract_strided_slice %all_reduce_population_count3A {offsets = [0], sizes = [1], strides = [1]} : vector<16xi32> to vector<1xi32>
      %squeeze3A = vector.extract %slice3A[0] : i32 from vector<1xi32>
      %gt3A_281 = arith.constant 0 : i32
      %gt3A_282 = arith.cmpi sgt, %squeeze3A, %gt3A_281 : i32
      %ge3A = vector.broadcast %while3A_127 : f32 to vector<16xf32>
      %ge3A_283 = arith.cmpf oge, %get3A_278, %ge3A : vector<16xf32>
      %add3A_284 = arith.constant 1 : i32
      %add3A_285 = arith.addi %while3A_271, %add3A_284 : i32
      %max3A = arith.maximumf %while3A_273, %get3A_278 : vector<16xf32>
      scf.yield %add3A_285, %gt3A_282, %max3A : i32, i1, vector<16xf32>
    }
    %while3A_131 = arith.constant 0xFF800000 : f32
    %while3A_132 = arith.constant 0 : i32
    %while3A_133 = arith.constant true
    %while3A_134:3 = scf.while (%while3A_271 = %while3A_132, %while3A_272 = %while3A_133, %while3A_273 = %while3A_130#2) : (i32, i1, vector<16xf32>) -> (i32, i1, vector<16xf32>) {
      %lt3A = arith.constant 32 : i32
      %lt3A_274 = arith.cmpi slt, %while3A_271, %lt3A : i32
      %and3A = arith.andi %lt3A_274, %while3A_272 : i1
      scf.condition(%and3A) %while3A_271, %while3A_272, %while3A_273 : i32, i1, vector<16xf32>
    } do {
    ^bb0(%while3A_271: i32, %while3A_272: i1, %while3A_273: vector<16xf32>):
      %mul3A_274 = arith.constant 16 : i32
      %mul3A_275 = arith.muli %while3A_271, %mul3A_274 : i32
      %get3A = arith.constant 4 : i32
      %get3A_276 = arith.index_cast %get3A : i32 to index
      %get3A_277 = arith.index_cast %mul3A_275 : i32 to index
      %get3A_278 = tpu.vector_load %arg8[%get3A_276, %get3A_277] {strides = array<i32>} : memref<16x512xf32, #tpu.memory_space<vmem>>, vector<16xf32>,
      %gt3A = arith.constant 0xFF800000 : f32
      %gt3A_279 = vector.broadcast %gt3A : f32 to vector<16xf32>
      %gt3A_280 = arith.cmpf ogt, %get3A_278, %gt3A_279 : vector<16xf32>
      %all_reduce_population_count3A = tpu.all_reduce %gt3A_280 {dim = 0 : i64, kind = #tpu.reduction_kind<sum>} : vector<16xi1> -> vector<16xi32>
      %slice3A = vector.extract_strided_slice %all_reduce_population_count3A {offsets = [0], sizes = [1], strides = [1]} : vector<16xi32> to vector<1xi32>
      %squeeze3A = vector.extract %slice3A[0] : i32 from vector<1xi32>
      %gt3A_281 = arith.constant 0 : i32
      %gt3A_282 = arith.cmpi sgt, %squeeze3A, %gt3A_281 : i32
      %ge3A = vector.broadcast %while3A_131 : f32 to vector<16xf32>
      %ge3A_283 = arith.cmpf oge, %get3A_278, %ge3A : vector<16xf32>
      %add3A_284 = arith.constant 1 : i32
      %add3A_285 = arith.addi %while3A_271, %add3A_284 : i32
      %max3A = arith.maximumf %while3A_273, %get3A_278 : vector<16xf32>
      scf.yield %add3A_285, %gt3A_282, %max3A : i32, i1, vector<16xf32>
    }
    %while3A_135 = arith.constant 0xFF800000 : f32
    %while3A_136 = arith.constant 0 : i32
    %while3A_137 = arith.constant true
    %while3A_138:3 = scf.while (%while3A_271 = %while3A_136, %while3A_272 = %while3A_137, %while3A_273 = %while3A_134#2) : (i32, i1, vector<16xf32>) -> (i32, i1, vector<16xf32>) {
      %lt3A = arith.constant 32 : i32
      %lt3A_274 = arith.cmpi slt, %while3A_271, %lt3A : i32
      %and3A = arith.andi %lt3A_274, %while3A_272 : i1
      scf.condition(%and3A) %while3A_271, %while3A_272, %while3A_273 : i32, i1, vector<16xf32>
    } do {
    ^bb0(%while3A_271: i32, %while3A_272: i1, %while3A_273: vector<16xf32>):
      %mul3A_274 = arith.constant 16 : i32
      %mul3A_275 = arith.muli %while3A_271, %mul3A_274 : i32
      %get3A = arith.constant 5 : i32
      %get3A_276 = arith.index_cast %get3A : i32 to index
      %get3A_277 = arith.index_cast %mul3A_275 : i32 to index
      %get3A_278 = tpu.vector_load %arg8[%get3A_276, %get3A_277] {strides = array<i32>} : memref<16x512xf32, #tpu.memory_space<vmem>>, vector<16xf32>,
      %gt3A = arith.constant 0xFF800000 : f32
      %gt3A_279 = vector.broadcast %gt3A : f32 to vector<16xf32>
      %gt3A_280 = arith.cmpf ogt, %get3A_278, %gt3A_279 : vector<16xf32>
      %all_reduce_population_count3A = tpu.all_reduce %gt3A_280 {dim = 0 : i64, kind = #tpu.reduction_kind<sum>} : vector<16xi1> -> vector<16xi32>
      %slice3A = vector.extract_strided_slice %all_reduce_population_count3A {offsets = [0], sizes = [1], strides = [1]} : vector<16xi32> to vector<1xi32>
      %squeeze3A = vector.extract %slice3A[0] : i32 from vector<1xi32>
      %gt3A_281 = arith.constant 0 : i32
      %gt3A_282 = arith.cmpi sgt, %squeeze3A, %gt3A_281 : i32
      %ge3A = vector.broadcast %while3A_135 : f32 to vector<16xf32>
      %ge3A_283 = arith.cmpf oge, %get3A_278, %ge3A : vector<16xf32>
      %add3A_284 = arith.constant 1 : i32
      %add3A_285 = arith.addi %while3A_271, %add3A_284 : i32
      %max3A = arith.maximumf %while3A_273, %get3A_278 : vector<16xf32>
      scf.yield %add3A_285, %gt3A_282, %max3A : i32, i1, vector<16xf32>
    }
    %while3A_139 = arith.constant 0xFF800000 : f32
    %while3A_140 = arith.constant 0 : i32
    %while3A_141 = arith.constant true
    %while3A_142:3 = scf.while (%while3A_271 = %while3A_140, %while3A_272 = %while3A_141, %while3A_273 = %while3A_138#2) : (i32, i1, vector<16xf32>) -> (i32, i1, vector<16xf32>) {
      %lt3A = arith.constant 32 : i32
      %lt3A_274 = arith.cmpi slt, %while3A_271, %lt3A : i32
      %and3A = arith.andi %lt3A_274, %while3A_272 : i1
      scf.condition(%and3A) %while3A_271, %while3A_272, %while3A_273 : i32, i1, vector<16xf32>
    } do {
    ^bb0(%while3A_271: i32, %while3A_272: i1, %while3A_273: vector<16xf32>):
      %mul3A_274 = arith.constant 16 : i32
      %mul3A_275 = arith.muli %while3A_271, %mul3A_274 : i32
      %get3A = arith.constant 6 : i32
      %get3A_276 = arith.index_cast %get3A : i32 to index
      %get3A_277 = arith.index_cast %mul3A_275 : i32 to index
      %get3A_278 = tpu.vector_load %arg8[%get3A_276, %get3A_277] {strides = array<i32>} : memref<16x512xf32, #tpu.memory_space<vmem>>, vector<16xf32>,
      %gt3A = arith.constant 0xFF800000 : f32
      %gt3A_279 = vector.broadcast %gt3A : f32 to vector<16xf32>
      %gt3A_280 = arith.cmpf ogt, %get3A_278, %gt3A_279 : vector<16xf32>
      %all_reduce_population_count3A = tpu.all_reduce %gt3A_280 {dim = 0 : i64, kind = #tpu.reduction_kind<sum>} : vector<16xi1> -> vector<16xi32>
      %slice3A = vector.extract_strided_slice %all_reduce_population_count3A {offsets = [0], sizes = [1], strides = [1]} : vector<16xi32> to vector<1xi32>
      %squeeze3A = vector.extract %slice3A[0] : i32 from vector<1xi32>
      %gt3A_281 = arith.constant 0 : i32
      %gt3A_282 = arith.cmpi sgt, %squeeze3A, %gt3A_281 : i32
      %ge3A = vector.broadcast %while3A_139 : f32 to vector<16xf32>
      %ge3A_283 = arith.cmpf oge, %get3A_278, %ge3A : vector<16xf32>
      %add3A_284 = arith.constant 1 : i32
      %add3A_285 = arith.addi %while3A_271, %add3A_284 : i32
      %max3A = arith.maximumf %while3A_273, %get3A_278 : vector<16xf32>
      scf.yield %add3A_285, %gt3A_282, %max3A : i32, i1, vector<16xf32>
    }
    %while3A_143 = arith.constant 0xFF800000 : f32
    %while3A_144 = arith.constant 0 : i32
    %while3A_145 = arith.constant true
    %while3A_146:3 = scf.while (%while3A_271 = %while3A_144, %while3A_272 = %while3A_145, %while3A_273 = %while3A_142#2) : (i32, i1, vector<16xf32>) -> (i32, i1, vector<16xf32>) {
      %lt3A = arith.constant 32 : i32
      %lt3A_274 = arith.cmpi slt, %while3A_271, %lt3A : i32
      %and3A = arith.andi %lt3A_274, %while3A_272 : i1
      scf.condition(%and3A) %while3A_271, %while3A_272, %while3A_273 : i32, i1, vector<16xf32>
    } do {
    ^bb0(%while3A_271: i32, %while3A_272: i1, %while3A_273: vector<16xf32>):
      %mul3A_274 = arith.constant 16 : i32
      %mul3A_275 = arith.muli %while3A_271, %mul3A_274 : i32
      %get3A = arith.constant 7 : i32
      %get3A_276 = arith.index_cast %get3A : i32 to index
      %get3A_277 = arith.index_cast %mul3A_275 : i32 to index
      %get3A_278 = tpu.vector_load %arg8[%get3A_276, %get3A_277] {strides = array<i32>} : memref<16x512xf32, #tpu.memory_space<vmem>>, vector<16xf32>,
      %gt3A = arith.constant 0xFF800000 : f32
      %gt3A_279 = vector.broadcast %gt3A : f32 to vector<16xf32>
      %gt3A_280 = arith.cmpf ogt, %get3A_278, %gt3A_279 : vector<16xf32>
      %all_reduce_population_count3A = tpu.all_reduce %gt3A_280 {dim = 0 : i64, kind = #tpu.reduction_kind<sum>} : vector<16xi1> -> vector<16xi32>
      %slice3A = vector.extract_strided_slice %all_reduce_population_count3A {offsets = [0], sizes = [1], strides = [1]} : vector<16xi32> to vector<1xi32>
      %squeeze3A = vector.extract %slice3A[0] : i32 from vector<1xi32>
      %gt3A_281 = arith.constant 0 : i32
      %gt3A_282 = arith.cmpi sgt, %squeeze3A, %gt3A_281 : i32
      %ge3A = vector.broadcast %while3A_143 : f32 to vector<16xf32>
      %ge3A_283 = arith.cmpf oge, %get3A_278, %ge3A : vector<16xf32>
      %add3A_284 = arith.constant 1 : i32
      %add3A_285 = arith.addi %while3A_271, %add3A_284 : i32
      %max3A = arith.maximumf %while3A_273, %get3A_278 : vector<16xf32>
      scf.yield %add3A_285, %gt3A_282, %max3A : i32, i1, vector<16xf32>
    }
    %while3A_147 = arith.constant 0xFF800000 : f32
    %while3A_148 = arith.constant 0 : i32
    %while3A_149 = arith.constant true
    %while3A_150:3 = scf.while (%while3A_271 = %while3A_148, %while3A_272 = %while3A_149, %while3A_273 = %while3A_146#2) : (i32, i1, vector<16xf32>) -> (i32, i1, vector<16xf32>) {
      %lt3A = arith.constant 32 : i32
      %lt3A_274 = arith.cmpi slt, %while3A_271, %lt3A : i32
      %and3A = arith.andi %lt3A_274, %while3A_272 : i1
      scf.condition(%and3A) %while3A_271, %while3A_272, %while3A_273 : i32, i1, vector<16xf32>
    } do {
    ^bb0(%while3A_271: i32, %while3A_272: i1, %while3A_273: vector<16xf32>):
      %mul3A_274 = arith.constant 16 : i32
      %mul3A_275 = arith.muli %while3A_271, %mul3A_274 : i32
      %get3A = arith.constant 8 : i32
      %get3A_276 = arith.index_cast %get3A : i32 to index
      %get3A_277 = arith.index_cast %mul3A_275 : i32 to index
      %get3A_278 = tpu.vector_load %arg8[%get3A_276, %get3A_277] {strides = array<i32>} : memref<16x512xf32, #tpu.memory_space<vmem>>, vector<16xf32>,
      %gt3A = arith.constant 0xFF800000 : f32
      %gt3A_279 = vector.broadcast %gt3A : f32 to vector<16xf32>
      %gt3A_280 = arith.cmpf ogt, %get3A_278, %gt3A_279 : vector<16xf32>
      %all_reduce_population_count3A = tpu.all_reduce %gt3A_280 {dim = 0 : i64, kind = #tpu.reduction_kind<sum>} : vector<16xi1> -> vector<16xi32>
      %slice3A = vector.extract_strided_slice %all_reduce_population_count3A {offsets = [0], sizes = [1], strides = [1]} : vector<16xi32> to vector<1xi32>
      %squeeze3A = vector.extract %slice3A[0] : i32 from vector<1xi32>
      %gt3A_281 = arith.constant 0 : i32
      %gt3A_282 = arith.cmpi sgt, %squeeze3A, %gt3A_281 : i32
      %ge3A = vector.broadcast %while3A_147 : f32 to vector<16xf32>
      %ge3A_283 = arith.cmpf oge, %get3A_278, %ge3A : vector<16xf32>
      %add3A_284 = arith.constant 1 : i32
      %add3A_285 = arith.addi %while3A_271, %add3A_284 : i32
      %max3A = arith.maximumf %while3A_273, %get3A_278 : vector<16xf32>
      scf.yield %add3A_285, %gt3A_282, %max3A : i32, i1, vector<16xf32>
    }
    %while3A_151 = arith.constant 0xFF800000 : f32
    %while3A_152 = arith.constant 0 : i32
    %while3A_153 = arith.constant true
    %while3A_154:3 = scf.while (%while3A_271 = %while3A_152, %while3A_272 = %while3A_153, %while3A_273 = %while3A_150#2) : (i32, i1, vector<16xf32>) -> (i32, i1, vector<16xf32>) {
      %lt3A = arith.constant 32 : i32
      %lt3A_274 = arith.cmpi slt, %while3A_271, %lt3A : i32
      %and3A = arith.andi %lt3A_274, %while3A_272 : i1
      scf.condition(%and3A) %while3A_271, %while3A_272, %while3A_273 : i32, i1, vector<16xf32>
    } do {
    ^bb0(%while3A_271: i32, %while3A_272: i1, %while3A_273: vector<16xf32>):
      %mul3A_274 = arith.constant 16 : i32
      %mul3A_275 = arith.muli %while3A_271, %mul3A_274 : i32
      %get3A = arith.constant 9 : i32
      %get3A_276 = arith.index_cast %get3A : i32 to index
      %get3A_277 = arith.index_cast %mul3A_275 : i32 to index
      %get3A_278 = tpu.vector_load %arg8[%get3A_276, %get3A_277] {strides = array<i32>} : memref<16x512xf32, #tpu.memory_space<vmem>>, vector<16xf32>,
      %gt3A = arith.constant 0xFF800000 : f32
      %gt3A_279 = vector.broadcast %gt3A : f32 to vector<16xf32>
      %gt3A_280 = arith.cmpf ogt, %get3A_278, %gt3A_279 : vector<16xf32>
      %all_reduce_population_count3A = tpu.all_reduce %gt3A_280 {dim = 0 : i64, kind = #tpu.reduction_kind<sum>} : vector<16xi1> -> vector<16xi32>
      %slice3A = vector.extract_strided_slice %all_reduce_population_count3A {offsets = [0], sizes = [1], strides = [1]} : vector<16xi32> to vector<1xi32>
      %squeeze3A = vector.extract %slice3A[0] : i32 from vector<1xi32>
      %gt3A_281 = arith.constant 0 : i32
      %gt3A_282 = arith.cmpi sgt, %squeeze3A, %gt3A_281 : i32
      %ge3A = vector.broadcast %while3A_151 : f32 to vector<16xf32>
      %ge3A_283 = arith.cmpf oge, %get3A_278, %ge3A : vector<16xf32>
      %add3A_284 = arith.constant 1 : i32
      %add3A_285 = arith.addi %while3A_271, %add3A_284 : i32
      %max3A = arith.maximumf %while3A_273, %get3A_278 : vector<16xf32>
      scf.yield %add3A_285, %gt3A_282, %max3A : i32, i1, vector<16xf32>
    }
    %while3A_155 = arith.constant 0xFF800000 : f32
    %while3A_156 = arith.constant 0 : i32
    %while3A_157 = arith.constant true
    %while3A_158:3 = scf.while (%while3A_271 = %while3A_156, %while3A_272 = %while3A_157, %while3A_273 = %while3A_154#2) : (i32, i1, vector<16xf32>) -> (i32, i1, vector<16xf32>) {
      %lt3A = arith.constant 32 : i32
      %lt3A_274 = arith.cmpi slt, %while3A_271, %lt3A : i32
      %and3A = arith.andi %lt3A_274, %while3A_272 : i1
      scf.condition(%and3A) %while3A_271, %while3A_272, %while3A_273 : i32, i1, vector<16xf32>
    } do {
    ^bb0(%while3A_271: i32, %while3A_272: i1, %while3A_273: vector<16xf32>):
      %mul3A_274 = arith.constant 16 : i32
      %mul3A_275 = arith.muli %while3A_271, %mul3A_274 : i32
      %get3A = arith.constant 10 : i32
      %get3A_276 = arith.index_cast %get3A : i32 to index
      %get3A_277 = arith.index_cast %mul3A_275 : i32 to index
      %get3A_278 = tpu.vector_load %arg8[%get3A_276, %get3A_277] {strides = array<i32>} : memref<16x512xf32, #tpu.memory_space<vmem>>, vector<16xf32>,
      %gt3A = arith.constant 0xFF800000 : f32
      %gt3A_279 = vector.broadcast %gt3A : f32 to vector<16xf32>
      %gt3A_280 = arith.cmpf ogt, %get3A_278, %gt3A_279 : vector<16xf32>
      %all_reduce_population_count3A = tpu.all_reduce %gt3A_280 {dim = 0 : i64, kind = #tpu.reduction_kind<sum>} : vector<16xi1> -> vector<16xi32>
      %slice3A = vector.extract_strided_slice %all_reduce_population_count3A {offsets = [0], sizes = [1], strides = [1]} : vector<16xi32> to vector<1xi32>
      %squeeze3A = vector.extract %slice3A[0] : i32 from vector<1xi32>
      %gt3A_281 = arith.constant 0 : i32
      %gt3A_282 = arith.cmpi sgt, %squeeze3A, %gt3A_281 : i32
      %ge3A = vector.broadcast %while3A_155 : f32 to vector<16xf32>
      %ge3A_283 = arith.cmpf oge, %get3A_278, %ge3A : vector<16xf32>
      %add3A_284 = arith.constant 1 : i32
      %add3A_285 = arith.addi %while3A_271, %add3A_284 : i32
      %max3A = arith.maximumf %while3A_273, %get3A_278 : vector<16xf32>
      scf.yield %add3A_285, %gt3A_282, %max3A : i32, i1, vector<16xf32>
    }
    %while3A_159 = arith.constant 0xFF800000 : f32
    %while3A_160 = arith.constant 0 : i32
    %while3A_161 = arith.constant true
    %while3A_162:3 = scf.while (%while3A_271 = %while3A_160, %while3A_272 = %while3A_161, %while3A_273 = %while3A_158#2) : (i32, i1, vector<16xf32>) -> (i32, i1, vector<16xf32>) {
      %lt3A = arith.constant 32 : i32
      %lt3A_274 = arith.cmpi slt, %while3A_271, %lt3A : i32
      %and3A = arith.andi %lt3A_274, %while3A_272 : i1
      scf.condition(%and3A) %while3A_271, %while3A_272, %while3A_273 : i32, i1, vector<16xf32>
    } do {
    ^bb0(%while3A_271: i32, %while3A_272: i1, %while3A_273: vector<16xf32>):
      %mul3A_274 = arith.constant 16 : i32
      %mul3A_275 = arith.muli %while3A_271, %mul3A_274 : i32
      %get3A = arith.constant 11 : i32
      %get3A_276 = arith.index_cast %get3A : i32 to index
      %get3A_277 = arith.index_cast %mul3A_275 : i32 to index
      %get3A_278 = tpu.vector_load %arg8[%get3A_276, %get3A_277] {strides = array<i32>} : memref<16x512xf32, #tpu.memory_space<vmem>>, vector<16xf32>,
      %gt3A = arith.constant 0xFF800000 : f32
      %gt3A_279 = vector.broadcast %gt3A : f32 to vector<16xf32>
      %gt3A_280 = arith.cmpf ogt, %get3A_278, %gt3A_279 : vector<16xf32>
      %all_reduce_population_count3A = tpu.all_reduce %gt3A_280 {dim = 0 : i64, kind = #tpu.reduction_kind<sum>} : vector<16xi1> -> vector<16xi32>
      %slice3A = vector.extract_strided_slice %all_reduce_population_count3A {offsets = [0], sizes = [1], strides = [1]} : vector<16xi32> to vector<1xi32>
      %squeeze3A = vector.extract %slice3A[0] : i32 from vector<1xi32>
      %gt3A_281 = arith.constant 0 : i32
      %gt3A_282 = arith.cmpi sgt, %squeeze3A, %gt3A_281 : i32
      %ge3A = vector.broadcast %while3A_159 : f32 to vector<16xf32>
      %ge3A_283 = arith.cmpf oge, %get3A_278, %ge3A : vector<16xf32>
      %add3A_284 = arith.constant 1 : i32
      %add3A_285 = arith.addi %while3A_271, %add3A_284 : i32
      %max3A = arith.maximumf %while3A_273, %get3A_278 : vector<16xf32>
      scf.yield %add3A_285, %gt3A_282, %max3A : i32, i1, vector<16xf32>
    }
    %while3A_163 = arith.constant 0xFF800000 : f32
    %while3A_164 = arith.constant 0 : i32
    %while3A_165 = arith.constant true
    %while3A_166:3 = scf.while (%while3A_271 = %while3A_164, %while3A_272 = %while3A_165, %while3A_273 = %while3A_162#2) : (i32, i1, vector<16xf32>) -> (i32, i1, vector<16xf32>) {
      %lt3A = arith.constant 32 : i32
      %lt3A_274 = arith.cmpi slt, %while3A_271, %lt3A : i32
      %and3A = arith.andi %lt3A_274, %while3A_272 : i1
      scf.condition(%and3A) %while3A_271, %while3A_272, %while3A_273 : i32, i1, vector<16xf32>
    } do {
    ^bb0(%while3A_271: i32, %while3A_272: i1, %while3A_273: vector<16xf32>):
      %mul3A_274 = arith.constant 16 : i32
      %mul3A_275 = arith.muli %while3A_271, %mul3A_274 : i32
      %get3A = arith.constant 12 : i32
      %get3A_276 = arith.index_cast %get3A : i32 to index
      %get3A_277 = arith.index_cast %mul3A_275 : i32 to index
      %get3A_278 = tpu.vector_load %arg8[%get3A_276, %get3A_277] {strides = array<i32>} : memref<16x512xf32, #tpu.memory_space<vmem>>, vector<16xf32>,
      %gt3A = arith.constant 0xFF800000 : f32
      %gt3A_279 = vector.broadcast %gt3A : f32 to vector<16xf32>
      %gt3A_280 = arith.cmpf ogt, %get3A_278, %gt3A_279 : vector<16xf32>
      %all_reduce_population_count3A = tpu.all_reduce %gt3A_280 {dim = 0 : i64, kind = #tpu.reduction_kind<sum>} : vector<16xi1> -> vector<16xi32>
      %slice3A = vector.extract_strided_slice %all_reduce_population_count3A {offsets = [0], sizes = [1], strides = [1]} : vector<16xi32> to vector<1xi32>
      %squeeze3A = vector.extract %slice3A[0] : i32 from vector<1xi32>
      %gt3A_281 = arith.constant 0 : i32
      %gt3A_282 = arith.cmpi sgt, %squeeze3A, %gt3A_281 : i32
      %ge3A = vector.broadcast %while3A_163 : f32 to vector<16xf32>
      %ge3A_283 = arith.cmpf oge, %get3A_278, %ge3A : vector<16xf32>
      %add3A_284 = arith.constant 1 : i32
      %add3A_285 = arith.addi %while3A_271, %add3A_284 : i32
      %max3A = arith.maximumf %while3A_273, %get3A_278 : vector<16xf32>
      scf.yield %add3A_285, %gt3A_282, %max3A : i32, i1, vector<16xf32>
    }
    %while3A_167 = arith.constant 0xFF800000 : f32
    %while3A_168 = arith.constant 0 : i32
    %while3A_169 = arith.constant true
    %while3A_170:3 = scf.while (%while3A_271 = %while3A_168, %while3A_272 = %while3A_169, %while3A_273 = %while3A_166#2) : (i32, i1, vector<16xf32>) -> (i32, i1, vector<16xf32>) {
      %lt3A = arith.constant 32 : i32
      %lt3A_274 = arith.cmpi slt, %while3A_271, %lt3A : i32
      %and3A = arith.andi %lt3A_274, %while3A_272 : i1
      scf.condition(%and3A) %while3A_271, %while3A_272, %while3A_273 : i32, i1, vector<16xf32>
    } do {
    ^bb0(%while3A_271: i32, %while3A_272: i1, %while3A_273: vector<16xf32>):
      %mul3A_274 = arith.constant 16 : i32
      %mul3A_275 = arith.muli %while3A_271, %mul3A_274 : i32
      %get3A = arith.constant 13 : i32
      %get3A_276 = arith.index_cast %get3A : i32 to index
      %get3A_277 = arith.index_cast %mul3A_275 : i32 to index
      %get3A_278 = tpu.vector_load %arg8[%get3A_276, %get3A_277] {strides = array<i32>} : memref<16x512xf32, #tpu.memory_space<vmem>>, vector<16xf32>,
      %gt3A = arith.constant 0xFF800000 : f32
      %gt3A_279 = vector.broadcast %gt3A : f32 to vector<16xf32>
      %gt3A_280 = arith.cmpf ogt, %get3A_278, %gt3A_279 : vector<16xf32>
      %all_reduce_population_count3A = tpu.all_reduce %gt3A_280 {dim = 0 : i64, kind = #tpu.reduction_kind<sum>} : vector<16xi1> -> vector<16xi32>
      %slice3A = vector.extract_strided_slice %all_reduce_population_count3A {offsets = [0], sizes = [1], strides = [1]} : vector<16xi32> to vector<1xi32>
      %squeeze3A = vector.extract %slice3A[0] : i32 from vector<1xi32>
      %gt3A_281 = arith.constant 0 : i32
      %gt3A_282 = arith.cmpi sgt, %squeeze3A, %gt3A_281 : i32
      %ge3A = vector.broadcast %while3A_167 : f32 to vector<16xf32>
      %ge3A_283 = arith.cmpf oge, %get3A_278, %ge3A : vector<16xf32>
      %add3A_284 = arith.constant 1 : i32
      %add3A_285 = arith.addi %while3A_271, %add3A_284 : i32
      %max3A = arith.maximumf %while3A_273, %get3A_278 : vector<16xf32>
      scf.yield %add3A_285, %gt3A_282, %max3A : i32, i1, vector<16xf32>
    }
    %while3A_171 = arith.constant 0xFF800000 : f32
    %while3A_172 = arith.constant 0 : i32
    %while3A_173 = arith.constant true
    %while3A_174:3 = scf.while (%while3A_271 = %while3A_172, %while3A_272 = %while3A_173, %while3A_273 = %while3A_170#2) : (i32, i1, vector<16xf32>) -> (i32, i1, vector<16xf32>) {
      %lt3A = arith.constant 32 : i32
      %lt3A_274 = arith.cmpi slt, %while3A_271, %lt3A : i32
      %and3A = arith.andi %lt3A_274, %while3A_272 : i1
      scf.condition(%and3A) %while3A_271, %while3A_272, %while3A_273 : i32, i1, vector<16xf32>
    } do {
    ^bb0(%while3A_271: i32, %while3A_272: i1, %while3A_273: vector<16xf32>):
      %mul3A_274 = arith.constant 16 : i32
      %mul3A_275 = arith.muli %while3A_271, %mul3A_274 : i32
      %get3A = arith.constant 14 : i32
      %get3A_276 = arith.index_cast %get3A : i32 to index
      %get3A_277 = arith.index_cast %mul3A_275 : i32 to index
      %get3A_278 = tpu.vector_load %arg8[%get3A_276, %get3A_277] {strides = array<i32>} : memref<16x512xf32, #tpu.memory_space<vmem>>, vector<16xf32>,
      %gt3A = arith.constant 0xFF800000 : f32
      %gt3A_279 = vector.broadcast %gt3A : f32 to vector<16xf32>
      %gt3A_280 = arith.cmpf ogt, %get3A_278, %gt3A_279 : vector<16xf32>
      %all_reduce_population_count3A = tpu.all_reduce %gt3A_280 {dim = 0 : i64, kind = #tpu.reduction_kind<sum>} : vector<16xi1> -> vector<16xi32>
      %slice3A = vector.extract_strided_slice %all_reduce_population_count3A {offsets = [0], sizes = [1], strides = [1]} : vector<16xi32> to vector<1xi32>
      %squeeze3A = vector.extract %slice3A[0] : i32 from vector<1xi32>
      %gt3A_281 = arith.constant 0 : i32
      %gt3A_282 = arith.cmpi sgt, %squeeze3A, %gt3A_281 : i32
      %ge3A = vector.broadcast %while3A_171 : f32 to vector<16xf32>
      %ge3A_283 = arith.cmpf oge, %get3A_278, %ge3A : vector<16xf32>
      %add3A_284 = arith.constant 1 : i32
      %add3A_285 = arith.addi %while3A_271, %add3A_284 : i32
      %max3A = arith.maximumf %while3A_273, %get3A_278 : vector<16xf32>
      scf.yield %add3A_285, %gt3A_282, %max3A : i32, i1, vector<16xf32>
    }
    %while3A_175 = arith.constant 0xFF800000 : f32
    %while3A_176 = arith.constant 0 : i32
    %while3A_177 = arith.constant true
    %while3A_178:3 = scf.while (%while3A_271 = %while3A_176, %while3A_272 = %while3A_177, %while3A_273 = %while3A_174#2) : (i32, i1, vector<16xf32>) -> (i32, i1, vector<16xf32>) {
      %lt3A = arith.constant 32 : i32
      %lt3A_274 = arith.cmpi slt, %while3A_271, %lt3A : i32
      %and3A = arith.andi %lt3A_274, %while3A_272 : i1
      scf.condition(%and3A) %while3A_271, %while3A_272, %while3A_273 : i32, i1, vector<16xf32>
    } do {
    ^bb0(%while3A_271: i32, %while3A_272: i1, %while3A_273: vector<16xf32>):
      %mul3A_274 = arith.constant 16 : i32
      %mul3A_275 = arith.muli %while3A_271, %mul3A_274 : i32
      %get3A = arith.constant 15 : i32
      %get3A_276 = arith.index_cast %get3A : i32 to index
      %get3A_277 = arith.index_cast %mul3A_275 : i32 to index
      %get3A_278 = tpu.vector_load %arg8[%get3A_276, %get3A_277] {strides = array<i32>} : memref<16x512xf32, #tpu.memory_space<vmem>>, vector<16xf32>,
      %gt3A = arith.constant 0xFF800000 : f32
      %gt3A_279 = vector.broadcast %gt3A : f32 to vector<16xf32>
      %gt3A_280 = arith.cmpf ogt, %get3A_278, %gt3A_279 : vector<16xf32>
      %all_reduce_population_count3A = tpu.all_reduce %gt3A_280 {dim = 0 : i64, kind = #tpu.reduction_kind<sum>} : vector<16xi1> -> vector<16xi32>
      %slice3A = vector.extract_strided_slice %all_reduce_population_count3A {offsets = [0], sizes = [1], strides = [1]} : vector<16xi32> to vector<1xi32>
      %squeeze3A = vector.extract %slice3A[0] : i32 from vector<1xi32>
      %gt3A_281 = arith.constant 0 : i32
      %gt3A_282 = arith.cmpi sgt, %squeeze3A, %gt3A_281 : i32
      %ge3A = vector.broadcast %while3A_175 : f32 to vector<16xf32>
      %ge3A_283 = arith.cmpf oge, %get3A_278, %ge3A : vector<16xf32>
      %add3A_284 = arith.constant 1 : i32
      %add3A_285 = arith.addi %while3A_271, %add3A_284 : i32
      %max3A = arith.maximumf %while3A_273, %get3A_278 : vector<16xf32>
      scf.yield %add3A_285, %gt3A_282, %max3A : i32, i1, vector<16xf32>
    }
    %reduce_max3A_179 = arith.constant true
    %reduce_max3A_180 = vector.broadcast %reduce_max3A_179 : i1 to vector<16xi1>
    %reduce_max3A_181 = tpu.scan <max>, %while3A_178#2 masked %reduce_max3A_180 : vector<16xf32>, vector<16xi1> -> vector<16xf32>
    %reduce_max3A_182 = vector.extract %reduce_max3A_181[15] : f32 from vector<16xf32>
    %sub3A_183 = arith.constant 1.000000e+00 : f32
    %sub3A_184 = arith.subf %reduce_max3A_182, %sub3A_183 : f32
    %while3A_185 = arith.constant 0 : i32
    %while3A_186 = arith.constant true
    %while3A_187 = arith.constant 0 : i32
    %while3A_188:4 = scf.while (%while3A_271 = %while3A_185, %while3A_272 = %while3A_186, %while3A_273 = %broadcast_in_dim3A_6, %while3A_274 = %while3A_187) : (i32, i1, vector<16xf32>, i32) -> (i32, i1, vector<16xf32>, i32) {
      %lt3A = arith.constant 32 : i32
      %lt3A_275 = arith.cmpi slt, %while3A_271, %lt3A : i32
      %and3A = arith.andi %lt3A_275, %while3A_272 : i1
      scf.condition(%and3A) %while3A_271, %while3A_272, %while3A_273, %while3A_274 : i32, i1, vector<16xf32>, i32
    } do {
    ^bb0(%while3A_271: i32, %while3A_272: i1, %while3A_273: vector<16xf32>, %while3A_274: i32):
      %mul3A_275 = arith.constant 16 : i32
      %mul3A_276 = arith.muli %while3A_271, %mul3A_275 : i32
      %get3A = arith.constant 0 : i32
      %get3A_277 = arith.index_cast %get3A : i32 to index
      %get3A_278 = arith.index_cast %mul3A_276 : i32 to index
      %get3A_279 = tpu.vector_load %arg8[%get3A_277, %get3A_278] {strides = array<i32>} : memref<16x512xf32, #tpu.memory_space<vmem>>, vector<16xf32>,
      %gt3A = arith.constant 0xFF800000 : f32
      %gt3A_280 = vector.broadcast %gt3A : f32 to vector<16xf32>
      %gt3A_281 = arith.cmpf ogt, %get3A_279, %gt3A_280 : vector<16xf32>
      %all_reduce_population_count3A = tpu.all_reduce %gt3A_281 {dim = 0 : i64, kind = #tpu.reduction_kind<sum>} : vector<16xi1> -> vector<16xi32>
      %slice3A = vector.extract_strided_slice %all_reduce_population_count3A {offsets = [0], sizes = [1], strides = [1]} : vector<16xi32> to vector<1xi32>
      %squeeze3A = vector.extract %slice3A[0] : i32 from vector<1xi32>
      %gt3A_282 = arith.constant 0 : i32
      %gt3A_283 = arith.cmpi sgt, %squeeze3A, %gt3A_282 : i32
      %ge3A = vector.broadcast %sub3A_184 : f32 to vector<16xf32>
      %ge3A_284 = arith.cmpf oge, %get3A_279, %ge3A : vector<16xf32>
      %swap3A_285 = arith.index_cast %while3A_274 : i32 to index
      %swap3A_286 = tpu.vector_load %arg9[%swap3A_285] masked %ge3A_284 {strides = array<i32>} : memref<8208xf32, #tpu.memory_space<vmem>>, vector<16xf32>, vector<16xi1>
      tpu.vector_store %arg9[%swap3A_285], %get3A_279 masked %ge3A_284 {strides = array<i32>} : memref<8208xf32, #tpu.memory_space<vmem>>, vector<16xf32>, vector<16xi1>
      %all_reduce_population_count3A_287 = tpu.all_reduce %ge3A_284 {dim = 0 : i64, kind = #tpu.reduction_kind<sum>} : vector<16xi1> -> vector<16xi32>
      %slice3A_288 = vector.extract_strided_slice %all_reduce_population_count3A_287 {offsets = [0], sizes = [1], strides = [1]} : vector<16xi32> to vector<1xi32>
      %squeeze3A_289 = vector.extract %slice3A_288[0] : i32 from vector<1xi32>
      %add3A_290 = arith.addi %while3A_274, %squeeze3A_289 : i32
      %add3A_291 = arith.constant 1 : i32
      %add3A_292 = arith.addi %while3A_271, %add3A_291 : i32
      %max3A = arith.maximumf %while3A_273, %get3A_279 : vector<16xf32>
      scf.yield %add3A_292, %gt3A_283, %max3A, %add3A_290 : i32, i1, vector<16xf32>, i32
    }
    %while3A_189 = arith.constant 0 : i32
    %while3A_190 = arith.constant true
    %while3A_191:4 = scf.while (%while3A_271 = %while3A_189, %while3A_272 = %while3A_190, %while3A_273 = %while3A_188#2, %while3A_274 = %while3A_188#3) : (i32, i1, vector<16xf32>, i32) -> (i32, i1, vector<16xf32>, i32) {
      %lt3A = arith.constant 32 : i32
      %lt3A_275 = arith.cmpi slt, %while3A_271, %lt3A : i32
      %and3A = arith.andi %lt3A_275, %while3A_272 : i1
      scf.condition(%and3A) %while3A_271, %while3A_272, %while3A_273, %while3A_274 : i32, i1, vector<16xf32>, i32
    } do {
    ^bb0(%while3A_271: i32, %while3A_272: i1, %while3A_273: vector<16xf32>, %while3A_274: i32):
      %mul3A_275 = arith.constant 16 : i32
      %mul3A_276 = arith.muli %while3A_271, %mul3A_275 : i32
      %get3A = arith.constant 1 : i32
      %get3A_277 = arith.index_cast %get3A : i32 to index
      %get3A_278 = arith.index_cast %mul3A_276 : i32 to index
      %get3A_279 = tpu.vector_load %arg8[%get3A_277, %get3A_278] {strides = array<i32>} : memref<16x512xf32, #tpu.memory_space<vmem>>, vector<16xf32>,
      %gt3A = arith.constant 0xFF800000 : f32
      %gt3A_280 = vector.broadcast %gt3A : f32 to vector<16xf32>
      %gt3A_281 = arith.cmpf ogt, %get3A_279, %gt3A_280 : vector<16xf32>
      %all_reduce_population_count3A = tpu.all_reduce %gt3A_281 {dim = 0 : i64, kind = #tpu.reduction_kind<sum>} : vector<16xi1> -> vector<16xi32>
      %slice3A = vector.extract_strided_slice %all_reduce_population_count3A {offsets = [0], sizes = [1], strides = [1]} : vector<16xi32> to vector<1xi32>
      %squeeze3A = vector.extract %slice3A[0] : i32 from vector<1xi32>
      %gt3A_282 = arith.constant 0 : i32
      %gt3A_283 = arith.cmpi sgt, %squeeze3A, %gt3A_282 : i32
      %ge3A = vector.broadcast %sub3A_184 : f32 to vector<16xf32>
      %ge3A_284 = arith.cmpf oge, %get3A_279, %ge3A : vector<16xf32>
      %swap3A_285 = arith.index_cast %while3A_274 : i32 to index
      %swap3A_286 = tpu.vector_load %arg9[%swap3A_285] masked %ge3A_284 {strides = array<i32>} : memref<8208xf32, #tpu.memory_space<vmem>>, vector<16xf32>, vector<16xi1>
      tpu.vector_store %arg9[%swap3A_285], %get3A_279 masked %ge3A_284 {strides = array<i32>} : memref<8208xf32, #tpu.memory_space<vmem>>, vector<16xf32>, vector<16xi1>
      %all_reduce_population_count3A_287 = tpu.all_reduce %ge3A_284 {dim = 0 : i64, kind = #tpu.reduction_kind<sum>} : vector<16xi1> -> vector<16xi32>
      %slice3A_288 = vector.extract_strided_slice %all_reduce_population_count3A_287 {offsets = [0], sizes = [1], strides = [1]} : vector<16xi32> to vector<1xi32>
      %squeeze3A_289 = vector.extract %slice3A_288[0] : i32 from vector<1xi32>
      %add3A_290 = arith.addi %while3A_274, %squeeze3A_289 : i32
      %add3A_291 = arith.constant 1 : i32
      %add3A_292 = arith.addi %while3A_271, %add3A_291 : i32
      %max3A = arith.maximumf %while3A_273, %get3A_279 : vector<16xf32>
      scf.yield %add3A_292, %gt3A_283, %max3A, %add3A_290 : i32, i1, vector<16xf32>, i32
    }
    %while3A_192 = arith.constant 0 : i32
    %while3A_193 = arith.constant true
    %while3A_194:4 = scf.while (%while3A_271 = %while3A_192, %while3A_272 = %while3A_193, %while3A_273 = %while3A_191#2, %while3A_274 = %while3A_191#3) : (i32, i1, vector<16xf32>, i32) -> (i32, i1, vector<16xf32>, i32) {
      %lt3A = arith.constant 32 : i32
      %lt3A_275 = arith.cmpi slt, %while3A_271, %lt3A : i32
      %and3A = arith.andi %lt3A_275, %while3A_272 : i1
      scf.condition(%and3A) %while3A_271, %while3A_272, %while3A_273, %while3A_274 : i32, i1, vector<16xf32>, i32
    } do {
    ^bb0(%while3A_271: i32, %while3A_272: i1, %while3A_273: vector<16xf32>, %while3A_274: i32):
      %mul3A_275 = arith.constant 16 : i32
      %mul3A_276 = arith.muli %while3A_271, %mul3A_275 : i32
      %get3A = arith.constant 2 : i32
      %get3A_277 = arith.index_cast %get3A : i32 to index
      %get3A_278 = arith.index_cast %mul3A_276 : i32 to index
      %get3A_279 = tpu.vector_load %arg8[%get3A_277, %get3A_278] {strides = array<i32>} : memref<16x512xf32, #tpu.memory_space<vmem>>, vector<16xf32>,
      %gt3A = arith.constant 0xFF800000 : f32
      %gt3A_280 = vector.broadcast %gt3A : f32 to vector<16xf32>
      %gt3A_281 = arith.cmpf ogt, %get3A_279, %gt3A_280 : vector<16xf32>
      %all_reduce_population_count3A = tpu.all_reduce %gt3A_281 {dim = 0 : i64, kind = #tpu.reduction_kind<sum>} : vector<16xi1> -> vector<16xi32>
      %slice3A = vector.extract_strided_slice %all_reduce_population_count3A {offsets = [0], sizes = [1], strides = [1]} : vector<16xi32> to vector<1xi32>
      %squeeze3A = vector.extract %slice3A[0] : i32 from vector<1xi32>
      %gt3A_282 = arith.constant 0 : i32
      %gt3A_283 = arith.cmpi sgt, %squeeze3A, %gt3A_282 : i32
      %ge3A = vector.broadcast %sub3A_184 : f32 to vector<16xf32>
      %ge3A_284 = arith.cmpf oge, %get3A_279, %ge3A : vector<16xf32>
      %swap3A_285 = arith.index_cast %while3A_274 : i32 to index
      %swap3A_286 = tpu.vector_load %arg9[%swap3A_285] masked %ge3A_284 {strides = array<i32>} : memref<8208xf32, #tpu.memory_space<vmem>>, vector<16xf32>, vector<16xi1>
      tpu.vector_store %arg9[%swap3A_285], %get3A_279 masked %ge3A_284 {strides = array<i32>} : memref<8208xf32, #tpu.memory_space<vmem>>, vector<16xf32>, vector<16xi1>
      %all_reduce_population_count3A_287 = tpu.all_reduce %ge3A_284 {dim = 0 : i64, kind = #tpu.reduction_kind<sum>} : vector<16xi1> -> vector<16xi32>
      %slice3A_288 = vector.extract_strided_slice %all_reduce_population_count3A_287 {offsets = [0], sizes = [1], strides = [1]} : vector<16xi32> to vector<1xi32>
      %squeeze3A_289 = vector.extract %slice3A_288[0] : i32 from vector<1xi32>
      %add3A_290 = arith.addi %while3A_274, %squeeze3A_289 : i32
      %add3A_291 = arith.constant 1 : i32
      %add3A_292 = arith.addi %while3A_271, %add3A_291 : i32
      %max3A = arith.maximumf %while3A_273, %get3A_279 : vector<16xf32>
      scf.yield %add3A_292, %gt3A_283, %max3A, %add3A_290 : i32, i1, vector<16xf32>, i32
    }
    %while3A_195 = arith.constant 0 : i32
    %while3A_196 = arith.constant true
    %while3A_197:4 = scf.while (%while3A_271 = %while3A_195, %while3A_272 = %while3A_196, %while3A_273 = %while3A_194#2, %while3A_274 = %while3A_194#3) : (i32, i1, vector<16xf32>, i32) -> (i32, i1, vector<16xf32>, i32) {
      %lt3A = arith.constant 32 : i32
      %lt3A_275 = arith.cmpi slt, %while3A_271, %lt3A : i32
      %and3A = arith.andi %lt3A_275, %while3A_272 : i1
      scf.condition(%and3A) %while3A_271, %while3A_272, %while3A_273, %while3A_274 : i32, i1, vector<16xf32>, i32
    } do {
    ^bb0(%while3A_271: i32, %while3A_272: i1, %while3A_273: vector<16xf32>, %while3A_274: i32):
      %mul3A_275 = arith.constant 16 : i32
      %mul3A_276 = arith.muli %while3A_271, %mul3A_275 : i32
      %get3A = arith.constant 3 : i32
      %get3A_277 = arith.index_cast %get3A : i32 to index
      %get3A_278 = arith.index_cast %mul3A_276 : i32 to index
      %get3A_279 = tpu.vector_load %arg8[%get3A_277, %get3A_278] {strides = array<i32>} : memref<16x512xf32, #tpu.memory_space<vmem>>, vector<16xf32>,
      %gt3A = arith.constant 0xFF800000 : f32
      %gt3A_280 = vector.broadcast %gt3A : f32 to vector<16xf32>
      %gt3A_281 = arith.cmpf ogt, %get3A_279, %gt3A_280 : vector<16xf32>
      %all_reduce_population_count3A = tpu.all_reduce %gt3A_281 {dim = 0 : i64, kind = #tpu.reduction_kind<sum>} : vector<16xi1> -> vector<16xi32>
      %slice3A = vector.extract_strided_slice %all_reduce_population_count3A {offsets = [0], sizes = [1], strides = [1]} : vector<16xi32> to vector<1xi32>
      %squeeze3A = vector.extract %slice3A[0] : i32 from vector<1xi32>
      %gt3A_282 = arith.constant 0 : i32
      %gt3A_283 = arith.cmpi sgt, %squeeze3A, %gt3A_282 : i32
      %ge3A = vector.broadcast %sub3A_184 : f32 to vector<16xf32>
      %ge3A_284 = arith.cmpf oge, %get3A_279, %ge3A : vector<16xf32>
      %swap3A_285 = arith.index_cast %while3A_274 : i32 to index
      %swap3A_286 = tpu.vector_load %arg9[%swap3A_285] masked %ge3A_284 {strides = array<i32>} : memref<8208xf32, #tpu.memory_space<vmem>>, vector<16xf32>, vector<16xi1>
      tpu.vector_store %arg9[%swap3A_285], %get3A_279 masked %ge3A_284 {strides = array<i32>} : memref<8208xf32, #tpu.memory_space<vmem>>, vector<16xf32>, vector<16xi1>
      %all_reduce_population_count3A_287 = tpu.all_reduce %ge3A_284 {dim = 0 : i64, kind = #tpu.reduction_kind<sum>} : vector<16xi1> -> vector<16xi32>
      %slice3A_288 = vector.extract_strided_slice %all_reduce_population_count3A_287 {offsets = [0], sizes = [1], strides = [1]} : vector<16xi32> to vector<1xi32>
      %squeeze3A_289 = vector.extract %slice3A_288[0] : i32 from vector<1xi32>
      %add3A_290 = arith.addi %while3A_274, %squeeze3A_289 : i32
      %add3A_291 = arith.constant 1 : i32
      %add3A_292 = arith.addi %while3A_271, %add3A_291 : i32
      %max3A = arith.maximumf %while3A_273, %get3A_279 : vector<16xf32>
      scf.yield %add3A_292, %gt3A_283, %max3A, %add3A_290 : i32, i1, vector<16xf32>, i32
    }
    %while3A_198 = arith.constant 0 : i32
    %while3A_199 = arith.constant true
    %while3A_200:4 = scf.while (%while3A_271 = %while3A_198, %while3A_272 = %while3A_199, %while3A_273 = %while3A_197#2, %while3A_274 = %while3A_197#3) : (i32, i1, vector<16xf32>, i32) -> (i32, i1, vector<16xf32>, i32) {
      %lt3A = arith.constant 32 : i32
      %lt3A_275 = arith.cmpi slt, %while3A_271, %lt3A : i32
      %and3A = arith.andi %lt3A_275, %while3A_272 : i1
      scf.condition(%and3A) %while3A_271, %while3A_272, %while3A_273, %while3A_274 : i32, i1, vector<16xf32>, i32
    } do {
    ^bb0(%while3A_271: i32, %while3A_272: i1, %while3A_273: vector<16xf32>, %while3A_274: i32):
      %mul3A_275 = arith.constant 16 : i32
      %mul3A_276 = arith.muli %while3A_271, %mul3A_275 : i32
      %get3A = arith.constant 4 : i32
      %get3A_277 = arith.index_cast %get3A : i32 to index
      %get3A_278 = arith.index_cast %mul3A_276 : i32 to index
      %get3A_279 = tpu.vector_load %arg8[%get3A_277, %get3A_278] {strides = array<i32>} : memref<16x512xf32, #tpu.memory_space<vmem>>, vector<16xf32>,
      %gt3A = arith.constant 0xFF800000 : f32
      %gt3A_280 = vector.broadcast %gt3A : f32 to vector<16xf32>
      %gt3A_281 = arith.cmpf ogt, %get3A_279, %gt3A_280 : vector<16xf32>
      %all_reduce_population_count3A = tpu.all_reduce %gt3A_281 {dim = 0 : i64, kind = #tpu.reduction_kind<sum>} : vector<16xi1> -> vector<16xi32>
      %slice3A = vector.extract_strided_slice %all_reduce_population_count3A {offsets = [0], sizes = [1], strides = [1]} : vector<16xi32> to vector<1xi32>
      %squeeze3A = vector.extract %slice3A[0] : i32 from vector<1xi32>
      %gt3A_282 = arith.constant 0 : i32
      %gt3A_283 = arith.cmpi sgt, %squeeze3A, %gt3A_282 : i32
      %ge3A = vector.broadcast %sub3A_184 : f32 to vector<16xf32>
      %ge3A_284 = arith.cmpf oge, %get3A_279, %ge3A : vector<16xf32>
      %swap3A_285 = arith.index_cast %while3A_274 : i32 to index
      %swap3A_286 = tpu.vector_load %arg9[%swap3A_285] masked %ge3A_284 {strides = array<i32>} : memref<8208xf32, #tpu.memory_space<vmem>>, vector<16xf32>, vector<16xi1>
      tpu.vector_store %arg9[%swap3A_285], %get3A_279 masked %ge3A_284 {strides = array<i32>} : memref<8208xf32, #tpu.memory_space<vmem>>, vector<16xf32>, vector<16xi1>
      %all_reduce_population_count3A_287 = tpu.all_reduce %ge3A_284 {dim = 0 : i64, kind = #tpu.reduction_kind<sum>} : vector<16xi1> -> vector<16xi32>
      %slice3A_288 = vector.extract_strided_slice %all_reduce_population_count3A_287 {offsets = [0], sizes = [1], strides = [1]} : vector<16xi32> to vector<1xi32>
      %squeeze3A_289 = vector.extract %slice3A_288[0] : i32 from vector<1xi32>
      %add3A_290 = arith.addi %while3A_274, %squeeze3A_289 : i32
      %add3A_291 = arith.constant 1 : i32
      %add3A_292 = arith.addi %while3A_271, %add3A_291 : i32
      %max3A = arith.maximumf %while3A_273, %get3A_279 : vector<16xf32>
      scf.yield %add3A_292, %gt3A_283, %max3A, %add3A_290 : i32, i1, vector<16xf32>, i32
    }
    %while3A_201 = arith.constant 0 : i32
    %while3A_202 = arith.constant true
    %while3A_203:4 = scf.while (%while3A_271 = %while3A_201, %while3A_272 = %while3A_202, %while3A_273 = %while3A_200#2, %while3A_274 = %while3A_200#3) : (i32, i1, vector<16xf32>, i32) -> (i32, i1, vector<16xf32>, i32) {
      %lt3A = arith.constant 32 : i32
      %lt3A_275 = arith.cmpi slt, %while3A_271, %lt3A : i32
      %and3A = arith.andi %lt3A_275, %while3A_272 : i1
      scf.condition(%and3A) %while3A_271, %while3A_272, %while3A_273, %while3A_274 : i32, i1, vector<16xf32>, i32
    } do {
    ^bb0(%while3A_271: i32, %while3A_272: i1, %while3A_273: vector<16xf32>, %while3A_274: i32):
      %mul3A_275 = arith.constant 16 : i32
      %mul3A_276 = arith.muli %while3A_271, %mul3A_275 : i32
      %get3A = arith.constant 5 : i32
      %get3A_277 = arith.index_cast %get3A : i32 to index
      %get3A_278 = arith.index_cast %mul3A_276 : i32 to index
      %get3A_279 = tpu.vector_load %arg8[%get3A_277, %get3A_278] {strides = array<i32>} : memref<16x512xf32, #tpu.memory_space<vmem>>, vector<16xf32>,
      %gt3A = arith.constant 0xFF800000 : f32
      %gt3A_280 = vector.broadcast %gt3A : f32 to vector<16xf32>
      %gt3A_281 = arith.cmpf ogt, %get3A_279, %gt3A_280 : vector<16xf32>
      %all_reduce_population_count3A = tpu.all_reduce %gt3A_281 {dim = 0 : i64, kind = #tpu.reduction_kind<sum>} : vector<16xi1> -> vector<16xi32>
      %slice3A = vector.extract_strided_slice %all_reduce_population_count3A {offsets = [0], sizes = [1], strides = [1]} : vector<16xi32> to vector<1xi32>
      %squeeze3A = vector.extract %slice3A[0] : i32 from vector<1xi32>
      %gt3A_282 = arith.constant 0 : i32
      %gt3A_283 = arith.cmpi sgt, %squeeze3A, %gt3A_282 : i32
      %ge3A = vector.broadcast %sub3A_184 : f32 to vector<16xf32>
      %ge3A_284 = arith.cmpf oge, %get3A_279, %ge3A : vector<16xf32>
      %swap3A_285 = arith.index_cast %while3A_274 : i32 to index
      %swap3A_286 = tpu.vector_load %arg9[%swap3A_285] masked %ge3A_284 {strides = array<i32>} : memref<8208xf32, #tpu.memory_space<vmem>>, vector<16xf32>, vector<16xi1>
      tpu.vector_store %arg9[%swap3A_285], %get3A_279 masked %ge3A_284 {strides = array<i32>} : memref<8208xf32, #tpu.memory_space<vmem>>, vector<16xf32>, vector<16xi1>
      %all_reduce_population_count3A_287 = tpu.all_reduce %ge3A_284 {dim = 0 : i64, kind = #tpu.reduction_kind<sum>} : vector<16xi1> -> vector<16xi32>
      %slice3A_288 = vector.extract_strided_slice %all_reduce_population_count3A_287 {offsets = [0], sizes = [1], strides = [1]} : vector<16xi32> to vector<1xi32>
      %squeeze3A_289 = vector.extract %slice3A_288[0] : i32 from vector<1xi32>
      %add3A_290 = arith.addi %while3A_274, %squeeze3A_289 : i32
      %add3A_291 = arith.constant 1 : i32
      %add3A_292 = arith.addi %while3A_271, %add3A_291 : i32
      %max3A = arith.maximumf %while3A_273, %get3A_279 : vector<16xf32>
      scf.yield %add3A_292, %gt3A_283, %max3A, %add3A_290 : i32, i1, vector<16xf32>, i32
    }
    %while3A_204 = arith.constant 0 : i32
    %while3A_205 = arith.constant true
    %while3A_206:4 = scf.while (%while3A_271 = %while3A_204, %while3A_272 = %while3A_205, %while3A_273 = %while3A_203#2, %while3A_274 = %while3A_203#3) : (i32, i1, vector<16xf32>, i32) -> (i32, i1, vector<16xf32>, i32) {
      %lt3A = arith.constant 32 : i32
      %lt3A_275 = arith.cmpi slt, %while3A_271, %lt3A : i32
      %and3A = arith.andi %lt3A_275, %while3A_272 : i1
      scf.condition(%and3A) %while3A_271, %while3A_272, %while3A_273, %while3A_274 : i32, i1, vector<16xf32>, i32
    } do {
    ^bb0(%while3A_271: i32, %while3A_272: i1, %while3A_273: vector<16xf32>, %while3A_274: i32):
      %mul3A_275 = arith.constant 16 : i32
      %mul3A_276 = arith.muli %while3A_271, %mul3A_275 : i32
      %get3A = arith.constant 6 : i32
      %get3A_277 = arith.index_cast %get3A : i32 to index
      %get3A_278 = arith.index_cast %mul3A_276 : i32 to index
      %get3A_279 = tpu.vector_load %arg8[%get3A_277, %get3A_278] {strides = array<i32>} : memref<16x512xf32, #tpu.memory_space<vmem>>, vector<16xf32>,
      %gt3A = arith.constant 0xFF800000 : f32
      %gt3A_280 = vector.broadcast %gt3A : f32 to vector<16xf32>
      %gt3A_281 = arith.cmpf ogt, %get3A_279, %gt3A_280 : vector<16xf32>
      %all_reduce_population_count3A = tpu.all_reduce %gt3A_281 {dim = 0 : i64, kind = #tpu.reduction_kind<sum>} : vector<16xi1> -> vector<16xi32>
      %slice3A = vector.extract_strided_slice %all_reduce_population_count3A {offsets = [0], sizes = [1], strides = [1]} : vector<16xi32> to vector<1xi32>
      %squeeze3A = vector.extract %slice3A[0] : i32 from vector<1xi32>
      %gt3A_282 = arith.constant 0 : i32
      %gt3A_283 = arith.cmpi sgt, %squeeze3A, %gt3A_282 : i32
      %ge3A = vector.broadcast %sub3A_184 : f32 to vector<16xf32>
      %ge3A_284 = arith.cmpf oge, %get3A_279, %ge3A : vector<16xf32>
      %swap3A_285 = arith.index_cast %while3A_274 : i32 to index
      %swap3A_286 = tpu.vector_load %arg9[%swap3A_285] masked %ge3A_284 {strides = array<i32>} : memref<8208xf32, #tpu.memory_space<vmem>>, vector<16xf32>, vector<16xi1>
      tpu.vector_store %arg9[%swap3A_285], %get3A_279 masked %ge3A_284 {strides = array<i32>} : memref<8208xf32, #tpu.memory_space<vmem>>, vector<16xf32>, vector<16xi1>
      %all_reduce_population_count3A_287 = tpu.all_reduce %ge3A_284 {dim = 0 : i64, kind = #tpu.reduction_kind<sum>} : vector<16xi1> -> vector<16xi32>
      %slice3A_288 = vector.extract_strided_slice %all_reduce_population_count3A_287 {offsets = [0], sizes = [1], strides = [1]} : vector<16xi32> to vector<1xi32>
      %squeeze3A_289 = vector.extract %slice3A_288[0] : i32 from vector<1xi32>
      %add3A_290 = arith.addi %while3A_274, %squeeze3A_289 : i32
      %add3A_291 = arith.constant 1 : i32
      %add3A_292 = arith.addi %while3A_271, %add3A_291 : i32
      %max3A = arith.maximumf %while3A_273, %get3A_279 : vector<16xf32>
      scf.yield %add3A_292, %gt3A_283, %max3A, %add3A_290 : i32, i1, vector<16xf32>, i32
    }
    %while3A_207 = arith.constant 0 : i32
    %while3A_208 = arith.constant true
    %while3A_209:4 = scf.while (%while3A_271 = %while3A_207, %while3A_272 = %while3A_208, %while3A_273 = %while3A_206#2, %while3A_274 = %while3A_206#3) : (i32, i1, vector<16xf32>, i32) -> (i32, i1, vector<16xf32>, i32) {
      %lt3A = arith.constant 32 : i32
      %lt3A_275 = arith.cmpi slt, %while3A_271, %lt3A : i32
      %and3A = arith.andi %lt3A_275, %while3A_272 : i1
      scf.condition(%and3A) %while3A_271, %while3A_272, %while3A_273, %while3A_274 : i32, i1, vector<16xf32>, i32
    } do {
    ^bb0(%while3A_271: i32, %while3A_272: i1, %while3A_273: vector<16xf32>, %while3A_274: i32):
      %mul3A_275 = arith.constant 16 : i32
      %mul3A_276 = arith.muli %while3A_271, %mul3A_275 : i32
      %get3A = arith.constant 7 : i32
      %get3A_277 = arith.index_cast %get3A : i32 to index
      %get3A_278 = arith.index_cast %mul3A_276 : i32 to index
      %get3A_279 = tpu.vector_load %arg8[%get3A_277, %get3A_278] {strides = array<i32>} : memref<16x512xf32, #tpu.memory_space<vmem>>, vector<16xf32>,
      %gt3A = arith.constant 0xFF800000 : f32
      %gt3A_280 = vector.broadcast %gt3A : f32 to vector<16xf32>
      %gt3A_281 = arith.cmpf ogt, %get3A_279, %gt3A_280 : vector<16xf32>
      %all_reduce_population_count3A = tpu.all_reduce %gt3A_281 {dim = 0 : i64, kind = #tpu.reduction_kind<sum>} : vector<16xi1> -> vector<16xi32>
      %slice3A = vector.extract_strided_slice %all_reduce_population_count3A {offsets = [0], sizes = [1], strides = [1]} : vector<16xi32> to vector<1xi32>
      %squeeze3A = vector.extract %slice3A[0] : i32 from vector<1xi32>
      %gt3A_282 = arith.constant 0 : i32
      %gt3A_283 = arith.cmpi sgt, %squeeze3A, %gt3A_282 : i32
      %ge3A = vector.broadcast %sub3A_184 : f32 to vector<16xf32>
      %ge3A_284 = arith.cmpf oge, %get3A_279, %ge3A : vector<16xf32>
      %swap3A_285 = arith.index_cast %while3A_274 : i32 to index
      %swap3A_286 = tpu.vector_load %arg9[%swap3A_285] masked %ge3A_284 {strides = array<i32>} : memref<8208xf32, #tpu.memory_space<vmem>>, vector<16xf32>, vector<16xi1>
      tpu.vector_store %arg9[%swap3A_285], %get3A_279 masked %ge3A_284 {strides = array<i32>} : memref<8208xf32, #tpu.memory_space<vmem>>, vector<16xf32>, vector<16xi1>
      %all_reduce_population_count3A_287 = tpu.all_reduce %ge3A_284 {dim = 0 : i64, kind = #tpu.reduction_kind<sum>} : vector<16xi1> -> vector<16xi32>
      %slice3A_288 = vector.extract_strided_slice %all_reduce_population_count3A_287 {offsets = [0], sizes = [1], strides = [1]} : vector<16xi32> to vector<1xi32>
      %squeeze3A_289 = vector.extract %slice3A_288[0] : i32 from vector<1xi32>
      %add3A_290 = arith.addi %while3A_274, %squeeze3A_289 : i32
      %add3A_291 = arith.constant 1 : i32
      %add3A_292 = arith.addi %while3A_271, %add3A_291 : i32
      %max3A = arith.maximumf %while3A_273, %get3A_279 : vector<16xf32>
      scf.yield %add3A_292, %gt3A_283, %max3A, %add3A_290 : i32, i1, vector<16xf32>, i32
    }
    %while3A_210 = arith.constant 0 : i32
    %while3A_211 = arith.constant true
    %while3A_212:4 = scf.while (%while3A_271 = %while3A_210, %while3A_272 = %while3A_211, %while3A_273 = %while3A_209#2, %while3A_274 = %while3A_209#3) : (i32, i1, vector<16xf32>, i32) -> (i32, i1, vector<16xf32>, i32) {
      %lt3A = arith.constant 32 : i32
      %lt3A_275 = arith.cmpi slt, %while3A_271, %lt3A : i32
      %and3A = arith.andi %lt3A_275, %while3A_272 : i1
      scf.condition(%and3A) %while3A_271, %while3A_272, %while3A_273, %while3A_274 : i32, i1, vector<16xf32>, i32
    } do {
    ^bb0(%while3A_271: i32, %while3A_272: i1, %while3A_273: vector<16xf32>, %while3A_274: i32):
      %mul3A_275 = arith.constant 16 : i32
      %mul3A_276 = arith.muli %while3A_271, %mul3A_275 : i32
      %get3A = arith.constant 8 : i32
      %get3A_277 = arith.index_cast %get3A : i32 to index
      %get3A_278 = arith.index_cast %mul3A_276 : i32 to index
      %get3A_279 = tpu.vector_load %arg8[%get3A_277, %get3A_278] {strides = array<i32>} : memref<16x512xf32, #tpu.memory_space<vmem>>, vector<16xf32>,
      %gt3A = arith.constant 0xFF800000 : f32
      %gt3A_280 = vector.broadcast %gt3A : f32 to vector<16xf32>
      %gt3A_281 = arith.cmpf ogt, %get3A_279, %gt3A_280 : vector<16xf32>
      %all_reduce_population_count3A = tpu.all_reduce %gt3A_281 {dim = 0 : i64, kind = #tpu.reduction_kind<sum>} : vector<16xi1> -> vector<16xi32>
      %slice3A = vector.extract_strided_slice %all_reduce_population_count3A {offsets = [0], sizes = [1], strides = [1]} : vector<16xi32> to vector<1xi32>
      %squeeze3A = vector.extract %slice3A[0] : i32 from vector<1xi32>
      %gt3A_282 = arith.constant 0 : i32
      %gt3A_283 = arith.cmpi sgt, %squeeze3A, %gt3A_282 : i32
      %ge3A = vector.broadcast %sub3A_184 : f32 to vector<16xf32>
      %ge3A_284 = arith.cmpf oge, %get3A_279, %ge3A : vector<16xf32>
      %swap3A_285 = arith.index_cast %while3A_274 : i32 to index
      %swap3A_286 = tpu.vector_load %arg9[%swap3A_285] masked %ge3A_284 {strides = array<i32>} : memref<8208xf32, #tpu.memory_space<vmem>>, vector<16xf32>, vector<16xi1>
      tpu.vector_store %arg9[%swap3A_285], %get3A_279 masked %ge3A_284 {strides = array<i32>} : memref<8208xf32, #tpu.memory_space<vmem>>, vector<16xf32>, vector<16xi1>
      %all_reduce_population_count3A_287 = tpu.all_reduce %ge3A_284 {dim = 0 : i64, kind = #tpu.reduction_kind<sum>} : vector<16xi1> -> vector<16xi32>
      %slice3A_288 = vector.extract_strided_slice %all_reduce_population_count3A_287 {offsets = [0], sizes = [1], strides = [1]} : vector<16xi32> to vector<1xi32>
      %squeeze3A_289 = vector.extract %slice3A_288[0] : i32 from vector<1xi32>
      %add3A_290 = arith.addi %while3A_274, %squeeze3A_289 : i32
      %add3A_291 = arith.constant 1 : i32
      %add3A_292 = arith.addi %while3A_271, %add3A_291 : i32
      %max3A = arith.maximumf %while3A_273, %get3A_279 : vector<16xf32>
      scf.yield %add3A_292, %gt3A_283, %max3A, %add3A_290 : i32, i1, vector<16xf32>, i32
    }
    %while3A_213 = arith.constant 0 : i32
    %while3A_214 = arith.constant true
    %while3A_215:4 = scf.while (%while3A_271 = %while3A_213, %while3A_272 = %while3A_214, %while3A_273 = %while3A_212#2, %while3A_274 = %while3A_212#3) : (i32, i1, vector<16xf32>, i32) -> (i32, i1, vector<16xf32>, i32) {
      %lt3A = arith.constant 32 : i32
      %lt3A_275 = arith.cmpi slt, %while3A_271, %lt3A : i32
      %and3A = arith.andi %lt3A_275, %while3A_272 : i1
      scf.condition(%and3A) %while3A_271, %while3A_272, %while3A_273, %while3A_274 : i32, i1, vector<16xf32>, i32
    } do {
    ^bb0(%while3A_271: i32, %while3A_272: i1, %while3A_273: vector<16xf32>, %while3A_274: i32):
      %mul3A_275 = arith.constant 16 : i32
      %mul3A_276 = arith.muli %while3A_271, %mul3A_275 : i32
      %get3A = arith.constant 9 : i32
      %get3A_277 = arith.index_cast %get3A : i32 to index
      %get3A_278 = arith.index_cast %mul3A_276 : i32 to index
      %get3A_279 = tpu.vector_load %arg8[%get3A_277, %get3A_278] {strides = array<i32>} : memref<16x512xf32, #tpu.memory_space<vmem>>, vector<16xf32>,
      %gt3A = arith.constant 0xFF800000 : f32
      %gt3A_280 = vector.broadcast %gt3A : f32 to vector<16xf32>
      %gt3A_281 = arith.cmpf ogt, %get3A_279, %gt3A_280 : vector<16xf32>
      %all_reduce_population_count3A = tpu.all_reduce %gt3A_281 {dim = 0 : i64, kind = #tpu.reduction_kind<sum>} : vector<16xi1> -> vector<16xi32>
      %slice3A = vector.extract_strided_slice %all_reduce_population_count3A {offsets = [0], sizes = [1], strides = [1]} : vector<16xi32> to vector<1xi32>
      %squeeze3A = vector.extract %slice3A[0] : i32 from vector<1xi32>
      %gt3A_282 = arith.constant 0 : i32
      %gt3A_283 = arith.cmpi sgt, %squeeze3A, %gt3A_282 : i32
      %ge3A = vector.broadcast %sub3A_184 : f32 to vector<16xf32>
      %ge3A_284 = arith.cmpf oge, %get3A_279, %ge3A : vector<16xf32>
      %swap3A_285 = arith.index_cast %while3A_274 : i32 to index
      %swap3A_286 = tpu.vector_load %arg9[%swap3A_285] masked %ge3A_284 {strides = array<i32>} : memref<8208xf32, #tpu.memory_space<vmem>>, vector<16xf32>, vector<16xi1>
      tpu.vector_store %arg9[%swap3A_285], %get3A_279 masked %ge3A_284 {strides = array<i32>} : memref<8208xf32, #tpu.memory_space<vmem>>, vector<16xf32>, vector<16xi1>
      %all_reduce_population_count3A_287 = tpu.all_reduce %ge3A_284 {dim = 0 : i64, kind = #tpu.reduction_kind<sum>} : vector<16xi1> -> vector<16xi32>
      %slice3A_288 = vector.extract_strided_slice %all_reduce_population_count3A_287 {offsets = [0], sizes = [1], strides = [1]} : vector<16xi32> to vector<1xi32>
      %squeeze3A_289 = vector.extract %slice3A_288[0] : i32 from vector<1xi32>
      %add3A_290 = arith.addi %while3A_274, %squeeze3A_289 : i32
      %add3A_291 = arith.constant 1 : i32
      %add3A_292 = arith.addi %while3A_271, %add3A_291 : i32
      %max3A = arith.maximumf %while3A_273, %get3A_279 : vector<16xf32>
      scf.yield %add3A_292, %gt3A_283, %max3A, %add3A_290 : i32, i1, vector<16xf32>, i32
    }
    %while3A_216 = arith.constant 0 : i32
    %while3A_217 = arith.constant true
    %while3A_218:4 = scf.while (%while3A_271 = %while3A_216, %while3A_272 = %while3A_217, %while3A_273 = %while3A_215#2, %while3A_274 = %while3A_215#3) : (i32, i1, vector<16xf32>, i32) -> (i32, i1, vector<16xf32>, i32) {
      %lt3A = arith.constant 32 : i32
      %lt3A_275 = arith.cmpi slt, %while3A_271, %lt3A : i32
      %and3A = arith.andi %lt3A_275, %while3A_272 : i1
      scf.condition(%and3A) %while3A_271, %while3A_272, %while3A_273, %while3A_274 : i32, i1, vector<16xf32>, i32
    } do {
    ^bb0(%while3A_271: i32, %while3A_272: i1, %while3A_273: vector<16xf32>, %while3A_274: i32):
      %mul3A_275 = arith.constant 16 : i32
      %mul3A_276 = arith.muli %while3A_271, %mul3A_275 : i32
      %get3A = arith.constant 10 : i32
      %get3A_277 = arith.index_cast %get3A : i32 to index
      %get3A_278 = arith.index_cast %mul3A_276 : i32 to index
      %get3A_279 = tpu.vector_load %arg8[%get3A_277, %get3A_278] {strides = array<i32>} : memref<16x512xf32, #tpu.memory_space<vmem>>, vector<16xf32>,
      %gt3A = arith.constant 0xFF800000 : f32
      %gt3A_280 = vector.broadcast %gt3A : f32 to vector<16xf32>
      %gt3A_281 = arith.cmpf ogt, %get3A_279, %gt3A_280 : vector<16xf32>
      %all_reduce_population_count3A = tpu.all_reduce %gt3A_281 {dim = 0 : i64, kind = #tpu.reduction_kind<sum>} : vector<16xi1> -> vector<16xi32>
      %slice3A = vector.extract_strided_slice %all_reduce_population_count3A {offsets = [0], sizes = [1], strides = [1]} : vector<16xi32> to vector<1xi32>
      %squeeze3A = vector.extract %slice3A[0] : i32 from vector<1xi32>
      %gt3A_282 = arith.constant 0 : i32
      %gt3A_283 = arith.cmpi sgt, %squeeze3A, %gt3A_282 : i32
      %ge3A = vector.broadcast %sub3A_184 : f32 to vector<16xf32>
      %ge3A_284 = arith.cmpf oge, %get3A_279, %ge3A : vector<16xf32>
      %swap3A_285 = arith.index_cast %while3A_274 : i32 to index
      %swap3A_286 = tpu.vector_load %arg9[%swap3A_285] masked %ge3A_284 {strides = array<i32>} : memref<8208xf32, #tpu.memory_space<vmem>>, vector<16xf32>, vector<16xi1>
      tpu.vector_store %arg9[%swap3A_285], %get3A_279 masked %ge3A_284 {strides = array<i32>} : memref<8208xf32, #tpu.memory_space<vmem>>, vector<16xf32>, vector<16xi1>
      %all_reduce_population_count3A_287 = tpu.all_reduce %ge3A_284 {dim = 0 : i64, kind = #tpu.reduction_kind<sum>} : vector<16xi1> -> vector<16xi32>
      %slice3A_288 = vector.extract_strided_slice %all_reduce_population_count3A_287 {offsets = [0], sizes = [1], strides = [1]} : vector<16xi32> to vector<1xi32>
      %squeeze3A_289 = vector.extract %slice3A_288[0] : i32 from vector<1xi32>
      %add3A_290 = arith.addi %while3A_274, %squeeze3A_289 : i32
      %add3A_291 = arith.constant 1 : i32
      %add3A_292 = arith.addi %while3A_271, %add3A_291 : i32
      %max3A = arith.maximumf %while3A_273, %get3A_279 : vector<16xf32>
      scf.yield %add3A_292, %gt3A_283, %max3A, %add3A_290 : i32, i1, vector<16xf32>, i32
    }
    %while3A_219 = arith.constant 0 : i32
    %while3A_220 = arith.constant true
    %while3A_221:4 = scf.while (%while3A_271 = %while3A_219, %while3A_272 = %while3A_220, %while3A_273 = %while3A_218#2, %while3A_274 = %while3A_218#3) : (i32, i1, vector<16xf32>, i32) -> (i32, i1, vector<16xf32>, i32) {
      %lt3A = arith.constant 32 : i32
      %lt3A_275 = arith.cmpi slt, %while3A_271, %lt3A : i32
      %and3A = arith.andi %lt3A_275, %while3A_272 : i1
      scf.condition(%and3A) %while3A_271, %while3A_272, %while3A_273, %while3A_274 : i32, i1, vector<16xf32>, i32
    } do {
    ^bb0(%while3A_271: i32, %while3A_272: i1, %while3A_273: vector<16xf32>, %while3A_274: i32):
      %mul3A_275 = arith.constant 16 : i32
      %mul3A_276 = arith.muli %while3A_271, %mul3A_275 : i32
      %get3A = arith.constant 11 : i32
      %get3A_277 = arith.index_cast %get3A : i32 to index
      %get3A_278 = arith.index_cast %mul3A_276 : i32 to index
      %get3A_279 = tpu.vector_load %arg8[%get3A_277, %get3A_278] {strides = array<i32>} : memref<16x512xf32, #tpu.memory_space<vmem>>, vector<16xf32>,
      %gt3A = arith.constant 0xFF800000 : f32
      %gt3A_280 = vector.broadcast %gt3A : f32 to vector<16xf32>
      %gt3A_281 = arith.cmpf ogt, %get3A_279, %gt3A_280 : vector<16xf32>
      %all_reduce_population_count3A = tpu.all_reduce %gt3A_281 {dim = 0 : i64, kind = #tpu.reduction_kind<sum>} : vector<16xi1> -> vector<16xi32>
      %slice3A = vector.extract_strided_slice %all_reduce_population_count3A {offsets = [0], sizes = [1], strides = [1]} : vector<16xi32> to vector<1xi32>
      %squeeze3A = vector.extract %slice3A[0] : i32 from vector<1xi32>
      %gt3A_282 = arith.constant 0 : i32
      %gt3A_283 = arith.cmpi sgt, %squeeze3A, %gt3A_282 : i32
      %ge3A = vector.broadcast %sub3A_184 : f32 to vector<16xf32>
      %ge3A_284 = arith.cmpf oge, %get3A_279, %ge3A : vector<16xf32>
      %swap3A_285 = arith.index_cast %while3A_274 : i32 to index
      %swap3A_286 = tpu.vector_load %arg9[%swap3A_285] masked %ge3A_284 {strides = array<i32>} : memref<8208xf32, #tpu.memory_space<vmem>>, vector<16xf32>, vector<16xi1>
      tpu.vector_store %arg9[%swap3A_285], %get3A_279 masked %ge3A_284 {strides = array<i32>} : memref<8208xf32, #tpu.memory_space<vmem>>, vector<16xf32>, vector<16xi1>
      %all_reduce_population_count3A_287 = tpu.all_reduce %ge3A_284 {dim = 0 : i64, kind = #tpu.reduction_kind<sum>} : vector<16xi1> -> vector<16xi32>
      %slice3A_288 = vector.extract_strided_slice %all_reduce_population_count3A_287 {offsets = [0], sizes = [1], strides = [1]} : vector<16xi32> to vector<1xi32>
      %squeeze3A_289 = vector.extract %slice3A_288[0] : i32 from vector<1xi32>
      %add3A_290 = arith.addi %while3A_274, %squeeze3A_289 : i32
      %add3A_291 = arith.constant 1 : i32
      %add3A_292 = arith.addi %while3A_271, %add3A_291 : i32
      %max3A = arith.maximumf %while3A_273, %get3A_279 : vector<16xf32>
      scf.yield %add3A_292, %gt3A_283, %max3A, %add3A_290 : i32, i1, vector<16xf32>, i32
    }
    %while3A_222 = arith.constant 0 : i32
    %while3A_223 = arith.constant true
    %while3A_224:4 = scf.while (%while3A_271 = %while3A_222, %while3A_272 = %while3A_223, %while3A_273 = %while3A_221#2, %while3A_274 = %while3A_221#3) : (i32, i1, vector<16xf32>, i32) -> (i32, i1, vector<16xf32>, i32) {
      %lt3A = arith.constant 32 : i32
      %lt3A_275 = arith.cmpi slt, %while3A_271, %lt3A : i32
      %and3A = arith.andi %lt3A_275, %while3A_272 : i1
      scf.condition(%and3A) %while3A_271, %while3A_272, %while3A_273, %while3A_274 : i32, i1, vector<16xf32>, i32
    } do {
    ^bb0(%while3A_271: i32, %while3A_272: i1, %while3A_273: vector<16xf32>, %while3A_274: i32):
      %mul3A_275 = arith.constant 16 : i32
      %mul3A_276 = arith.muli %while3A_271, %mul3A_275 : i32
      %get3A = arith.constant 12 : i32
      %get3A_277 = arith.index_cast %get3A : i32 to index
      %get3A_278 = arith.index_cast %mul3A_276 : i32 to index
      %get3A_279 = tpu.vector_load %arg8[%get3A_277, %get3A_278] {strides = array<i32>} : memref<16x512xf32, #tpu.memory_space<vmem>>, vector<16xf32>,
      %gt3A = arith.constant 0xFF800000 : f32
      %gt3A_280 = vector.broadcast %gt3A : f32 to vector<16xf32>
      %gt3A_281 = arith.cmpf ogt, %get3A_279, %gt3A_280 : vector<16xf32>
      %all_reduce_population_count3A = tpu.all_reduce %gt3A_281 {dim = 0 : i64, kind = #tpu.reduction_kind<sum>} : vector<16xi1> -> vector<16xi32>
      %slice3A = vector.extract_strided_slice %all_reduce_population_count3A {offsets = [0], sizes = [1], strides = [1]} : vector<16xi32> to vector<1xi32>
      %squeeze3A = vector.extract %slice3A[0] : i32 from vector<1xi32>
      %gt3A_282 = arith.constant 0 : i32
      %gt3A_283 = arith.cmpi sgt, %squeeze3A, %gt3A_282 : i32
      %ge3A = vector.broadcast %sub3A_184 : f32 to vector<16xf32>
      %ge3A_284 = arith.cmpf oge, %get3A_279, %ge3A : vector<16xf32>
      %swap3A_285 = arith.index_cast %while3A_274 : i32 to index
      %swap3A_286 = tpu.vector_load %arg9[%swap3A_285] masked %ge3A_284 {strides = array<i32>} : memref<8208xf32, #tpu.memory_space<vmem>>, vector<16xf32>, vector<16xi1>
      tpu.vector_store %arg9[%swap3A_285], %get3A_279 masked %ge3A_284 {strides = array<i32>} : memref<8208xf32, #tpu.memory_space<vmem>>, vector<16xf32>, vector<16xi1>
      %all_reduce_population_count3A_287 = tpu.all_reduce %ge3A_284 {dim = 0 : i64, kind = #tpu.reduction_kind<sum>} : vector<16xi1> -> vector<16xi32>
      %slice3A_288 = vector.extract_strided_slice %all_reduce_population_count3A_287 {offsets = [0], sizes = [1], strides = [1]} : vector<16xi32> to vector<1xi32>
      %squeeze3A_289 = vector.extract %slice3A_288[0] : i32 from vector<1xi32>
      %add3A_290 = arith.addi %while3A_274, %squeeze3A_289 : i32
      %add3A_291 = arith.constant 1 : i32
      %add3A_292 = arith.addi %while3A_271, %add3A_291 : i32
      %max3A = arith.maximumf %while3A_273, %get3A_279 : vector<16xf32>
      scf.yield %add3A_292, %gt3A_283, %max3A, %add3A_290 : i32, i1, vector<16xf32>, i32
    }
    %while3A_225 = arith.constant 0 : i32
    %while3A_226 = arith.constant true
    %while3A_227:4 = scf.while (%while3A_271 = %while3A_225, %while3A_272 = %while3A_226, %while3A_273 = %while3A_224#2, %while3A_274 = %while3A_224#3) : (i32, i1, vector<16xf32>, i32) -> (i32, i1, vector<16xf32>, i32) {
      %lt3A = arith.constant 32 : i32
      %lt3A_275 = arith.cmpi slt, %while3A_271, %lt3A : i32
      %and3A = arith.andi %lt3A_275, %while3A_272 : i1
      scf.condition(%and3A) %while3A_271, %while3A_272, %while3A_273, %while3A_274 : i32, i1, vector<16xf32>, i32
    } do {
    ^bb0(%while3A_271: i32, %while3A_272: i1, %while3A_273: vector<16xf32>, %while3A_274: i32):
      %mul3A_275 = arith.constant 16 : i32
      %mul3A_276 = arith.muli %while3A_271, %mul3A_275 : i32
      %get3A = arith.constant 13 : i32
      %get3A_277 = arith.index_cast %get3A : i32 to index
      %get3A_278 = arith.index_cast %mul3A_276 : i32 to index
      %get3A_279 = tpu.vector_load %arg8[%get3A_277, %get3A_278] {strides = array<i32>} : memref<16x512xf32, #tpu.memory_space<vmem>>, vector<16xf32>,
      %gt3A = arith.constant 0xFF800000 : f32
      %gt3A_280 = vector.broadcast %gt3A : f32 to vector<16xf32>
      %gt3A_281 = arith.cmpf ogt, %get3A_279, %gt3A_280 : vector<16xf32>
      %all_reduce_population_count3A = tpu.all_reduce %gt3A_281 {dim = 0 : i64, kind = #tpu.reduction_kind<sum>} : vector<16xi1> -> vector<16xi32>
      %slice3A = vector.extract_strided_slice %all_reduce_population_count3A {offsets = [0], sizes = [1], strides = [1]} : vector<16xi32> to vector<1xi32>
      %squeeze3A = vector.extract %slice3A[0] : i32 from vector<1xi32>
      %gt3A_282 = arith.constant 0 : i32
      %gt3A_283 = arith.cmpi sgt, %squeeze3A, %gt3A_282 : i32
      %ge3A = vector.broadcast %sub3A_184 : f32 to vector<16xf32>
      %ge3A_284 = arith.cmpf oge, %get3A_279, %ge3A : vector<16xf32>
      %swap3A_285 = arith.index_cast %while3A_274 : i32 to index
      %swap3A_286 = tpu.vector_load %arg9[%swap3A_285] masked %ge3A_284 {strides = array<i32>} : memref<8208xf32, #tpu.memory_space<vmem>>, vector<16xf32>, vector<16xi1>
      tpu.vector_store %arg9[%swap3A_285], %get3A_279 masked %ge3A_284 {strides = array<i32>} : memref<8208xf32, #tpu.memory_space<vmem>>, vector<16xf32>, vector<16xi1>
      %all_reduce_population_count3A_287 = tpu.all_reduce %ge3A_284 {dim = 0 : i64, kind = #tpu.reduction_kind<sum>} : vector<16xi1> -> vector<16xi32>
      %slice3A_288 = vector.extract_strided_slice %all_reduce_population_count3A_287 {offsets = [0], sizes = [1], strides = [1]} : vector<16xi32> to vector<1xi32>
      %squeeze3A_289 = vector.extract %slice3A_288[0] : i32 from vector<1xi32>
      %add3A_290 = arith.addi %while3A_274, %squeeze3A_289 : i32
      %add3A_291 = arith.constant 1 : i32
      %add3A_292 = arith.addi %while3A_271, %add3A_291 : i32
      %max3A = arith.maximumf %while3A_273, %get3A_279 : vector<16xf32>
      scf.yield %add3A_292, %gt3A_283, %max3A, %add3A_290 : i32, i1, vector<16xf32>, i32
    }
    %while3A_228 = arith.constant 0 : i32
    %while3A_229 = arith.constant true
    %while3A_230:4 = scf.while (%while3A_271 = %while3A_228, %while3A_272 = %while3A_229, %while3A_273 = %while3A_227#2, %while3A_274 = %while3A_227#3) : (i32, i1, vector<16xf32>, i32) -> (i32, i1, vector<16xf32>, i32) {
      %lt3A = arith.constant 32 : i32
      %lt3A_275 = arith.cmpi slt, %while3A_271, %lt3A : i32
      %and3A = arith.andi %lt3A_275, %while3A_272 : i1
      scf.condition(%and3A) %while3A_271, %while3A_272, %while3A_273, %while3A_274 : i32, i1, vector<16xf32>, i32
    } do {
    ^bb0(%while3A_271: i32, %while3A_272: i1, %while3A_273: vector<16xf32>, %while3A_274: i32):
      %mul3A_275 = arith.constant 16 : i32
      %mul3A_276 = arith.muli %while3A_271, %mul3A_275 : i32
      %get3A = arith.constant 14 : i32
      %get3A_277 = arith.index_cast %get3A : i32 to index
      %get3A_278 = arith.index_cast %mul3A_276 : i32 to index
      %get3A_279 = tpu.vector_load %arg8[%get3A_277, %get3A_278] {strides = array<i32>} : memref<16x512xf32, #tpu.memory_space<vmem>>, vector<16xf32>,
      %gt3A = arith.constant 0xFF800000 : f32
      %gt3A_280 = vector.broadcast %gt3A : f32 to vector<16xf32>
      %gt3A_281 = arith.cmpf ogt, %get3A_279, %gt3A_280 : vector<16xf32>
      %all_reduce_population_count3A = tpu.all_reduce %gt3A_281 {dim = 0 : i64, kind = #tpu.reduction_kind<sum>} : vector<16xi1> -> vector<16xi32>
      %slice3A = vector.extract_strided_slice %all_reduce_population_count3A {offsets = [0], sizes = [1], strides = [1]} : vector<16xi32> to vector<1xi32>
      %squeeze3A = vector.extract %slice3A[0] : i32 from vector<1xi32>
      %gt3A_282 = arith.constant 0 : i32
      %gt3A_283 = arith.cmpi sgt, %squeeze3A, %gt3A_282 : i32
      %ge3A = vector.broadcast %sub3A_184 : f32 to vector<16xf32>
      %ge3A_284 = arith.cmpf oge, %get3A_279, %ge3A : vector<16xf32>
      %swap3A_285 = arith.index_cast %while3A_274 : i32 to index
      %swap3A_286 = tpu.vector_load %arg9[%swap3A_285] masked %ge3A_284 {strides = array<i32>} : memref<8208xf32, #tpu.memory_space<vmem>>, vector<16xf32>, vector<16xi1>
      tpu.vector_store %arg9[%swap3A_285], %get3A_279 masked %ge3A_284 {strides = array<i32>} : memref<8208xf32, #tpu.memory_space<vmem>>, vector<16xf32>, vector<16xi1>
      %all_reduce_population_count3A_287 = tpu.all_reduce %ge3A_284 {dim = 0 : i64, kind = #tpu.reduction_kind<sum>} : vector<16xi1> -> vector<16xi32>
      %slice3A_288 = vector.extract_strided_slice %all_reduce_population_count3A_287 {offsets = [0], sizes = [1], strides = [1]} : vector<16xi32> to vector<1xi32>
      %squeeze3A_289 = vector.extract %slice3A_288[0] : i32 from vector<1xi32>
      %add3A_290 = arith.addi %while3A_274, %squeeze3A_289 : i32
      %add3A_291 = arith.constant 1 : i32
      %add3A_292 = arith.addi %while3A_271, %add3A_291 : i32
      %max3A = arith.maximumf %while3A_273, %get3A_279 : vector<16xf32>
      scf.yield %add3A_292, %gt3A_283, %max3A, %add3A_290 : i32, i1, vector<16xf32>, i32
    }
    %while3A_231 = arith.constant 0 : i32
    %while3A_232 = arith.constant true
    %while3A_233:4 = scf.while (%while3A_271 = %while3A_231, %while3A_272 = %while3A_232, %while3A_273 = %while3A_230#2, %while3A_274 = %while3A_230#3) : (i32, i1, vector<16xf32>, i32) -> (i32, i1, vector<16xf32>, i32) {
      %lt3A = arith.constant 32 : i32
      %lt3A_275 = arith.cmpi slt, %while3A_271, %lt3A : i32
      %and3A = arith.andi %lt3A_275, %while3A_272 : i1
      scf.condition(%and3A) %while3A_271, %while3A_272, %while3A_273, %while3A_274 : i32, i1, vector<16xf32>, i32
    } do {
    ^bb0(%while3A_271: i32, %while3A_272: i1, %while3A_273: vector<16xf32>, %while3A_274: i32):
      %mul3A_275 = arith.constant 16 : i32
      %mul3A_276 = arith.muli %while3A_271, %mul3A_275 : i32
      %get3A = arith.constant 15 : i32
      %get3A_277 = arith.index_cast %get3A : i32 to index
      %get3A_278 = arith.index_cast %mul3A_276 : i32 to index
      %get3A_279 = tpu.vector_load %arg8[%get3A_277, %get3A_278] {strides = array<i32>} : memref<16x512xf32, #tpu.memory_space<vmem>>, vector<16xf32>,
      %gt3A = arith.constant 0xFF800000 : f32
      %gt3A_280 = vector.broadcast %gt3A : f32 to vector<16xf32>
      %gt3A_281 = arith.cmpf ogt, %get3A_279, %gt3A_280 : vector<16xf32>
      %all_reduce_population_count3A = tpu.all_reduce %gt3A_281 {dim = 0 : i64, kind = #tpu.reduction_kind<sum>} : vector<16xi1> -> vector<16xi32>
      %slice3A = vector.extract_strided_slice %all_reduce_population_count3A {offsets = [0], sizes = [1], strides = [1]} : vector<16xi32> to vector<1xi32>
      %squeeze3A = vector.extract %slice3A[0] : i32 from vector<1xi32>
      %gt3A_282 = arith.constant 0 : i32
      %gt3A_283 = arith.cmpi sgt, %squeeze3A, %gt3A_282 : i32
      %ge3A = vector.broadcast %sub3A_184 : f32 to vector<16xf32>
      %ge3A_284 = arith.cmpf oge, %get3A_279, %ge3A : vector<16xf32>
      %swap3A_285 = arith.index_cast %while3A_274 : i32 to index
      %swap3A_286 = tpu.vector_load %arg9[%swap3A_285] masked %ge3A_284 {strides = array<i32>} : memref<8208xf32, #tpu.memory_space<vmem>>, vector<16xf32>, vector<16xi1>
      tpu.vector_store %arg9[%swap3A_285], %get3A_279 masked %ge3A_284 {strides = array<i32>} : memref<8208xf32, #tpu.memory_space<vmem>>, vector<16xf32>, vector<16xi1>
      %all_reduce_population_count3A_287 = tpu.all_reduce %ge3A_284 {dim = 0 : i64, kind = #tpu.reduction_kind<sum>} : vector<16xi1> -> vector<16xi32>
      %slice3A_288 = vector.extract_strided_slice %all_reduce_population_count3A_287 {offsets = [0], sizes = [1], strides = [1]} : vector<16xi32> to vector<1xi32>
      %squeeze3A_289 = vector.extract %slice3A_288[0] : i32 from vector<1xi32>
      %add3A_290 = arith.addi %while3A_274, %squeeze3A_289 : i32
      %add3A_291 = arith.constant 1 : i32
      %add3A_292 = arith.addi %while3A_271, %add3A_291 : i32
      %max3A = arith.maximumf %while3A_273, %get3A_279 : vector<16xf32>
      scf.yield %add3A_292, %gt3A_283, %max3A, %add3A_290 : i32, i1, vector<16xf32>, i32
    }
    %swap3A_234 = arith.index_cast %while3A_233#3 : i32 to index
    %swap3A_235 = tpu.vector_load %arg9[%swap3A_234] {strides = array<i32>} : memref<8208xf32, #tpu.memory_space<vmem>>, vector<16xf32>,
    tpu.vector_store %arg9[%swap3A_234], %broadcast_in_dim3A_6 {strides = array<i32>} : memref<8208xf32, #tpu.memory_space<vmem>>, vector<16xf32>,
    %add3A = arith.constant 15 : i32
    %add3A_236 = arith.addi %while3A_233#3, %add3A : i32
    %shift_right_arithmetic3A_237 = arith.constant 4 : i32
    %shift_right_arithmetic3A_238 = arith.shrsi %add3A_236, %shift_right_arithmetic3A_237 : i32
    %while3A_239 = arith.constant 0 : i32
    %while3A_240 = arith.constant 0.000000e+00 : f32
    %while3A_241 = arith.constant 0 : i32
    %while3A_242 = arith.constant 0 : i32
    %while3A_243 = arith.subi %shift_right_arithmetic3A_238, %while3A_239 : i32
    %while3A_244 = arith.addi %while3A_239, %while3A_243 : i32
    %while3A_245 = arith.constant 1 : i32
    %while3A_246 = arith.divsi %while3A_243, %while3A_245 : i32
    %while3A_247 = arith.muli %while3A_246, %while3A_245 : i32
    %while3A_248 = arith.addi %while3A_239, %while3A_247 : i32
    %while3A_249 = arith.constant 1 : i32
    %while3A_250:3 = scf.for %while3A_271 = %while3A_239 to %while3A_248 step %while3A_249 iter_args(%while3A_272 = %while3A_240, %while3A_273 = %while3A_241, %while3A_274 = %while3A_242) -> (f32, i32, i32)  : i32 {
      %mul3A_275 = arith.constant 16 : i32
      %mul3A_276 = arith.muli %while3A_271, %mul3A_275 : i32
      %get3A = arith.index_cast %mul3A_276 : i32 to index
      %get3A_277 = tpu.vector_load %arg9[%get3A] {strides = array<i32>} : memref<8208xf32, #tpu.memory_space<vmem>>, vector<16xf32>,
      %gt3A = vector.broadcast %sub3A_184 : f32 to vector<16xf32>
      %gt3A_278 = arith.cmpf ogt, %get3A_277, %gt3A : vector<16xf32>
      %sub3A_279 = vector.broadcast %sub3A_184 : f32 to vector<16xf32>
      %sub3A_280 = arith.subf %get3A_277, %sub3A_279 : vector<16xf32>
      %jit3A = arith.constant 0.000000e+00 : f32
      %broadcast_in_dim3A_281 = vector.broadcast %jit3A : f32 to vector<16xf32>
      %select_n3A = arith.select %gt3A_278, %sub3A_280, %broadcast_in_dim3A_281 : vector<16xi1>, vector<16xf32>
      %reduce_sum3A = arith.constant true
      %reduce_sum3A_282 = vector.broadcast %reduce_sum3A : i1 to vector<16xi1>
      %reduce_sum3A_283 = tpu.scan <sum>, %select_n3A masked %reduce_sum3A_282 : vector<16xf32>, vector<16xi1> -> vector<16xf32>
      %reduce_sum3A_284 = vector.extract %reduce_sum3A_283[15] : f32 from vector<16xf32>
      %add3A_285 = arith.addf %while3A_272, %reduce_sum3A_284 : f32
      %all_reduce_population_count3A = tpu.all_reduce %gt3A_278 {dim = 0 : i64, kind = #tpu.reduction_kind<sum>} : vector<16xi1> -> vector<16xi32>
      %slice3A = vector.extract_strided_slice %all_reduce_population_count3A {offsets = [0], sizes = [1], strides = [1]} : vector<16xi32> to vector<1xi32>
      %squeeze3A = vector.extract %slice3A[0] : i32 from vector<1xi32>
      %add3A_286 = arith.addi %while3A_273, %squeeze3A : i32
      %add3A_287 = arith.addi %while3A_274, %squeeze3A : i32
      scf.yield %add3A_285, %add3A_286, %add3A_287 : f32, i32, i32
    }
    %while3A_251 = arith.constant 1 : i32
    %while3A_252:3 = scf.for %while3A_271 = %while3A_248 to %while3A_244 step %while3A_251 iter_args(%while3A_272 = %while3A_250#0, %while3A_273 = %while3A_250#1, %while3A_274 = %while3A_250#2) -> (f32, i32, i32)  : i32 {
      %mul3A_275 = arith.constant 16 : i32
      %mul3A_276 = arith.muli %while3A_271, %mul3A_275 : i32
      %get3A = arith.index_cast %mul3A_276 : i32 to index
      %get3A_277 = tpu.vector_load %arg9[%get3A] {strides = array<i32>} : memref<8208xf32, #tpu.memory_space<vmem>>, vector<16xf32>,
      %gt3A = vector.broadcast %sub3A_184 : f32 to vector<16xf32>
      %gt3A_278 = arith.cmpf ogt, %get3A_277, %gt3A : vector<16xf32>
      %sub3A_279 = vector.broadcast %sub3A_184 : f32 to vector<16xf32>
      %sub3A_280 = arith.subf %get3A_277, %sub3A_279 : vector<16xf32>
      %jit3A = arith.constant 0.000000e+00 : f32
      %broadcast_in_dim3A_281 = vector.broadcast %jit3A : f32 to vector<16xf32>
      %select_n3A = arith.select %gt3A_278, %sub3A_280, %broadcast_in_dim3A_281 : vector<16xi1>, vector<16xf32>
      %reduce_sum3A = arith.constant true
      %reduce_sum3A_282 = vector.broadcast %reduce_sum3A : i1 to vector<16xi1>
      %reduce_sum3A_283 = tpu.scan <sum>, %select_n3A masked %reduce_sum3A_282 : vector<16xf32>, vector<16xi1> -> vector<16xf32>
      %reduce_sum3A_284 = vector.extract %reduce_sum3A_283[15] : f32 from vector<16xf32>
      %add3A_285 = arith.addf %while3A_272, %reduce_sum3A_284 : f32
      %all_reduce_population_count3A = tpu.all_reduce %gt3A_278 {dim = 0 : i64, kind = #tpu.reduction_kind<sum>} : vector<16xi1> -> vector<16xi32>
      %slice3A = vector.extract_strided_slice %all_reduce_population_count3A {offsets = [0], sizes = [1], strides = [1]} : vector<16xi32> to vector<1xi32>
      %squeeze3A = vector.extract %slice3A[0] : i32 from vector<1xi32>
      %add3A_286 = arith.addi %while3A_273, %squeeze3A : i32
      %add3A_287 = arith.addi %while3A_274, %squeeze3A : i32
      scf.yield %add3A_285, %add3A_286, %add3A_287 : f32, i32, i32
    }
    %sub3A_253 = arith.constant 1.000000e+00 : f32
    %sub3A_254 = arith.subf %while3A_252#0, %sub3A_253 : f32
    %broadcast_in_dim3A_255 = vector.broadcast %sub3A_254 : f32 to vector<16xf32>
    %convert_element_type3A = arith.sitofp %while3A_252#1 : i32 to f32
    %broadcast_in_dim3A_256 = vector.broadcast %convert_element_type3A : f32 to vector<16xf32>
    %div3A = arith.divf %broadcast_in_dim3A_255, %broadcast_in_dim3A_256 : vector<16xf32>
    %reduce_max3A_257 = arith.constant true
    %reduce_max3A_258 = vector.broadcast %reduce_max3A_257 : i1 to vector<16xi1>
    %reduce_max3A_259 = tpu.scan <max>, %div3A masked %reduce_max3A_258 : vector<16xf32>, vector<16xi1> -> vector<16xf32>
    %reduce_max3A_260 = vector.extract %reduce_max3A_259[15] : f32 from vector<16xf32>
    %add3A_261 = arith.addf %sub3A_184, %reduce_max3A_260 : f32
    %while3A_262 = arith.constant 0 : i32
    "tpu.trace_start"() <{level = 10 : i32, message = "newton"}> : () -> ()
    %while3A_263:4 = scf.while (%while3A_271 = %while3A_262, %while3A_272 = %sub3A_184, %while3A_273 = %add3A_261, %while3A_274 = %while3A_233#3) : (i32, f32, f32, i32) -> (i32, f32, f32, i32) {
      %lt3A = arith.constant 24 : i32
      %lt3A_275 = arith.cmpi slt, %while3A_271, %lt3A : i32
      %ne3A = arith.cmpf one, %while3A_273, %while3A_272 : f32
      %and3A = arith.andi %lt3A_275, %ne3A : i1
      scf.condition(%and3A) %while3A_271, %while3A_272, %while3A_273, %while3A_274 : i32, f32, f32, i32
    } do {
    ^bb0(%while3A_271: i32, %while3A_272: f32, %while3A_273: f32, %while3A_274: i32):
      %add3A_275 = arith.constant 15 : i32
      %add3A_276 = arith.addi %while3A_274, %add3A_275 : i32
      %shift_right_arithmetic3A_277 = arith.constant 4 : i32
      %shift_right_arithmetic3A_278 = arith.shrsi %add3A_276, %shift_right_arithmetic3A_277 : i32
      %while3A_279 = arith.constant 0 : i32
      %while3A_280 = arith.constant 0.000000e+00 : f32
      %while3A_281 = arith.constant 0 : i32
      %while3A_282 = arith.constant 0 : i32
      %while3A_283 = arith.subi %shift_right_arithmetic3A_278, %while3A_279 : i32
      %while3A_284 = arith.addi %while3A_279, %while3A_283 : i32
      %while3A_285 = arith.constant 1 : i32
      %while3A_286 = arith.divsi %while3A_283, %while3A_285 : i32
      %while3A_287 = arith.muli %while3A_286, %while3A_285 : i32
      %while3A_288 = arith.addi %while3A_279, %while3A_287 : i32
      %while3A_289 = arith.constant 1 : i32
      %while3A_290:3 = scf.for %while3A_308 = %while3A_279 to %while3A_288 step %while3A_289 iter_args(%while3A_309 = %while3A_280, %while3A_310 = %while3A_281, %while3A_311 = %while3A_282) -> (f32, i32, i32)  : i32 {
        %mul3A_312 = arith.constant 16 : i32
        %mul3A_313 = arith.muli %while3A_308, %mul3A_312 : i32
        %get3A = arith.index_cast %mul3A_313 : i32 to index
        %get3A_314 = tpu.vector_load %arg9[%get3A] {strides = array<i32>} : memref<8208xf32, #tpu.memory_space<vmem>>, vector<16xf32>,
        %gt3A = vector.broadcast %while3A_273 : f32 to vector<16xf32>
        %gt3A_315 = arith.cmpf ogt, %get3A_314, %gt3A : vector<16xf32>
        %sub3A_316 = vector.broadcast %while3A_273 : f32 to vector<16xf32>
        %sub3A_317 = arith.subf %get3A_314, %sub3A_316 : vector<16xf32>
        %jit3A = arith.constant 0.000000e+00 : f32
        %broadcast_in_dim3A_318 = vector.broadcast %jit3A : f32 to vector<16xf32>
        %select_n3A = arith.select %gt3A_315, %sub3A_317, %broadcast_in_dim3A_318 : vector<16xi1>, vector<16xf32>
        %reduce_sum3A = arith.constant true
        %reduce_sum3A_319 = vector.broadcast %reduce_sum3A : i1 to vector<16xi1>
        %reduce_sum3A_320 = tpu.scan <sum>, %select_n3A masked %reduce_sum3A_319 : vector<16xf32>, vector<16xi1> -> vector<16xf32>
        %reduce_sum3A_321 = vector.extract %reduce_sum3A_320[15] : f32 from vector<16xf32>
        %add3A_322 = arith.addf %while3A_309, %reduce_sum3A_321 : f32
        %all_reduce_population_count3A = tpu.all_reduce %gt3A_315 {dim = 0 : i64, kind = #tpu.reduction_kind<sum>} : vector<16xi1> -> vector<16xi32>
        %slice3A = vector.extract_strided_slice %all_reduce_population_count3A {offsets = [0], sizes = [1], strides = [1]} : vector<16xi32> to vector<1xi32>
        %squeeze3A = vector.extract %slice3A[0] : i32 from vector<1xi32>
        %swap3A_323 = arith.index_cast %while3A_311 : i32 to index
        %swap3A_324 = tpu.vector_load %arg9[%swap3A_323] masked %gt3A_315 {strides = array<i32>} : memref<8208xf32, #tpu.memory_space<vmem>>, vector<16xf32>, vector<16xi1>
        tpu.vector_store %arg9[%swap3A_323], %get3A_314 masked %gt3A_315 {strides = array<i32>} : memref<8208xf32, #tpu.memory_space<vmem>>, vector<16xf32>, vector<16xi1>
        %add3A_325 = arith.addi %while3A_310, %squeeze3A : i32
        %add3A_326 = arith.addi %while3A_311, %squeeze3A : i32
        scf.yield %add3A_322, %add3A_325, %add3A_326 : f32, i32, i32
      }
      %while3A_291 = arith.constant 1 : i32
      %while3A_292:3 = scf.for %while3A_308 = %while3A_288 to %while3A_284 step %while3A_291 iter_args(%while3A_309 = %while3A_290#0, %while3A_310 = %while3A_290#1, %while3A_311 = %while3A_290#2) -> (f32, i32, i32)  : i32 {
        %mul3A_312 = arith.constant 16 : i32
        %mul3A_313 = arith.muli %while3A_308, %mul3A_312 : i32
        %get3A = arith.index_cast %mul3A_313 : i32 to index
        %get3A_314 = tpu.vector_load %arg9[%get3A] {strides = array<i32>} : memref<8208xf32, #tpu.memory_space<vmem>>, vector<16xf32>,
        %gt3A = vector.broadcast %while3A_273 : f32 to vector<16xf32>
        %gt3A_315 = arith.cmpf ogt, %get3A_314, %gt3A : vector<16xf32>
        %sub3A_316 = vector.broadcast %while3A_273 : f32 to vector<16xf32>
        %sub3A_317 = arith.subf %get3A_314, %sub3A_316 : vector<16xf32>
        %jit3A = arith.constant 0.000000e+00 : f32
        %broadcast_in_dim3A_318 = vector.broadcast %jit3A : f32 to vector<16xf32>
        %select_n3A = arith.select %gt3A_315, %sub3A_317, %broadcast_in_dim3A_318 : vector<16xi1>, vector<16xf32>
        %reduce_sum3A = arith.constant true
        %reduce_sum3A_319 = vector.broadcast %reduce_sum3A : i1 to vector<16xi1>
        %reduce_sum3A_320 = tpu.scan <sum>, %select_n3A masked %reduce_sum3A_319 : vector<16xf32>, vector<16xi1> -> vector<16xf32>
        %reduce_sum3A_321 = vector.extract %reduce_sum3A_320[15] : f32 from vector<16xf32>
        %add3A_322 = arith.addf %while3A_309, %reduce_sum3A_321 : f32
        %all_reduce_population_count3A = tpu.all_reduce %gt3A_315 {dim = 0 : i64, kind = #tpu.reduction_kind<sum>} : vector<16xi1> -> vector<16xi32>
        %slice3A = vector.extract_strided_slice %all_reduce_population_count3A {offsets = [0], sizes = [1], strides = [1]} : vector<16xi32> to vector<1xi32>
        %squeeze3A = vector.extract %slice3A[0] : i32 from vector<1xi32>
        %swap3A_323 = arith.index_cast %while3A_311 : i32 to index
        %swap3A_324 = tpu.vector_load %arg9[%swap3A_323] masked %gt3A_315 {strides = array<i32>} : memref<8208xf32, #tpu.memory_space<vmem>>, vector<16xf32>, vector<16xi1>
        tpu.vector_store %arg9[%swap3A_323], %get3A_314 masked %gt3A_315 {strides = array<i32>} : memref<8208xf32, #tpu.memory_space<vmem>>, vector<16xf32>, vector<16xi1>
        %add3A_325 = arith.addi %while3A_310, %squeeze3A : i32
        %add3A_326 = arith.addi %while3A_311, %squeeze3A : i32
        scf.yield %add3A_322, %add3A_325, %add3A_326 : f32, i32, i32
      }
      %swap3A_293 = arith.index_cast %while3A_292#2 : i32 to index
      %swap3A_294 = tpu.vector_load %arg9[%swap3A_293] {strides = array<i32>} : memref<8208xf32, #tpu.memory_space<vmem>>, vector<16xf32>,
      tpu.vector_store %arg9[%swap3A_293], %broadcast_in_dim3A_6 {strides = array<i32>} : memref<8208xf32, #tpu.memory_space<vmem>>, vector<16xf32>,
      %add3A_295 = arith.constant 1 : i32
      %add3A_296 = arith.addi %while3A_271, %add3A_295 : i32
      %sub3A_297 = arith.constant 1.000000e+00 : f32
      %sub3A_298 = arith.subf %while3A_292#0, %sub3A_297 : f32
      %broadcast_in_dim3A_299 = vector.broadcast %sub3A_298 : f32 to vector<16xf32>
      %convert_element_type3A_300 = arith.sitofp %while3A_292#1 : i32 to f32
      %broadcast_in_dim3A_301 = vector.broadcast %convert_element_type3A_300 : f32 to vector<16xf32>
      %div3A_302 = arith.divf %broadcast_in_dim3A_299, %broadcast_in_dim3A_301 : vector<16xf32>
      %reduce_max3A_303 = arith.constant true
      %reduce_max3A_304 = vector.broadcast %reduce_max3A_303 : i1 to vector<16xi1>
      %reduce_max3A_305 = tpu.scan <max>, %div3A_302 masked %reduce_max3A_304 : vector<16xf32>, vector<16xi1> -> vector<16xf32>
      %reduce_max3A_306 = vector.extract %reduce_max3A_305[15] : f32 from vector<16xf32>
      %add3A_307 = arith.addf %while3A_273, %reduce_max3A_306 : f32
      scf.yield %add3A_296, %while3A_273, %add3A_307, %while3A_292#2 : i32, f32, f32, i32
    }
    "tpu.trace_stop"() : () -> ()
    "tpu.trace_start"() <{level = 10 : i32, message = "restore"}> : () -> ()
    "tpu.region"() ({
      %run_scoped3A = tpu.sem_alloc : memref<!tpu.dma_semaphore, #tpu.memory_space<semaphore_mem>>
      %dma_start3A = arith.constant 0 : i32
      %dma_start3A_271 = tpu.memref_slice %arg4[%dma_start3A] : memref<62976xf32, #tpu.memory_space<vmem>> -> memref<7616xf32, #tpu.memory_space<vmem>>
      %dma_start3A_272 = tpu.memref_slice %arg2[%min3A_1] : memref<1000000xf32, #tpu.memory_space<hbm>> -> memref<7616xf32, #tpu.memory_space<hbm>>
      %dma_start3A_273 = arith.constant 0 : i32
      %dma_start3A_274 = tpu.memref_slice %arg4[%dma_start3A_273] : memref<62976xf32, #tpu.memory_space<vmem>> -> memref<7616xf32, #tpu.memory_space<vmem>>
      %dma_start3A_275 = tpu.memref_slice %arg2[%min3A_1] : memref<1000000xf32, #tpu.memory_space<hbm>> -> memref<7616xf32, #tpu.memory_space<hbm>>
      tpu.enqueue_dma source(%dma_start3A_275 : memref<7616xf32, #tpu.memory_space<hbm>>) target(%dma_start3A_274 : memref<7616xf32, #tpu.memory_space<vmem>>) target_semaphore(%run_scoped3A : memref<!tpu.dma_semaphore, #tpu.memory_space<semaphore_mem>>)
      %dma_wait3A = arith.constant 0 : i32
      %dma_wait3A_276 = tpu.memref_slice %arg4[%dma_wait3A] : memref<62976xf32, #tpu.memory_space<vmem>> -> memref<7616xf32, #tpu.memory_space<vmem>>
      %dma_wait3A_277 = tpu.memref_slice %arg2[%min3A_1] : memref<1000000xf32, #tpu.memory_space<hbm>> -> memref<7616xf32, #tpu.memory_space<hbm>>
      %dma_wait3A_278 = arith.constant 0 : i32
      %dma_wait3A_279 = tpu.memref_slice %arg4[%dma_wait3A_278] : memref<62976xf32, #tpu.memory_space<vmem>> -> memref<7616xf32, #tpu.memory_space<vmem>>
      %dma_wait3A_280 = tpu.memref_slice %arg2[%min3A_1] : memref<1000000xf32, #tpu.memory_space<hbm>> -> memref<7616xf32, #tpu.memory_space<hbm>>
      tpu.wait_dma2 semaphore(%run_scoped3A : memref<!tpu.dma_semaphore, #tpu.memory_space<semaphore_mem>>) src(%dma_wait3A_280 : memref<7616xf32, #tpu.memory_space<hbm>>) dst(%dma_wait3A_279 : memref<7616xf32, #tpu.memory_space<vmem>>)
      tpu.yield
    }) : () -> ()
    "tpu.trace_stop"() : () -> ()
    "tpu.trace_start"() <{level = 10 : i32, message = "relu"}> : () -> ()
    %scan3A_264 = arith.constant 0 : i32
    %scan3A_265 = arith.constant 0 : i32
    %scan3A_266 = arith.constant 492 : i32
    %scan3A_267 = arith.addi %scan3A_265, %scan3A_266 : i32
    %scan3A_268 = arith.constant 1 : i32
    %scan3A_269 = scf.for %scan3A_271 = %scan3A_265 to %scan3A_267 step %scan3A_268 iter_args(%scan3A_272 = %scan3A_264) -> (i32)  : i32 {
      %mul3A_273 = arith.constant 8 : i32
      %mul3A_274 = arith.muli %scan3A_271, %mul3A_273 : i32
      %add3A_275 = arith.constant 0 : i32
      %add3A_276 = arith.addi %mul3A_274, %add3A_275 : i32
      %mul3A_277 = arith.constant 16 : i32
      %mul3A_278 = arith.muli %add3A_276, %mul3A_277 : i32
      %get3A = arith.index_cast %mul3A_278 : i32 to index
      %get3A_279 = tpu.vector_load %arg4[%get3A] {strides = array<i32>} : memref<62976xf32, #tpu.memory_space<vmem>>, vector<16xf32>,
      %sub3A_280 = vector.broadcast %while3A_263#2 : f32 to vector<16xf32>
      %sub3A_281 = arith.subf %get3A_279, %sub3A_280 : vector<16xf32>
      %max3A = arith.constant 0.000000e+00 : f32
      %max3A_282 = vector.broadcast %max3A : f32 to vector<16xf32>
      %max3A_283 = arith.maximumf %sub3A_281, %max3A_282 : vector<16xf32>
      %swap3A_284 = arith.index_cast %mul3A_278 : i32 to index
      %swap3A_285 = tpu.vector_load %arg4[%swap3A_284] {strides = array<i32>} : memref<62976xf32, #tpu.memory_space<vmem>>, vector<16xf32>,
      tpu.vector_store %arg4[%swap3A_284], %max3A_283 {strides = array<i32>} : memref<62976xf32, #tpu.memory_space<vmem>>, vector<16xf32>,
      %mul3A_286 = arith.constant 8 : i32
      %mul3A_287 = arith.muli %scan3A_271, %mul3A_286 : i32
      %add3A_288 = arith.constant 1 : i32
      %add3A_289 = arith.addi %mul3A_287, %add3A_288 : i32
      %mul3A_290 = arith.constant 16 : i32
      %mul3A_291 = arith.muli %add3A_289, %mul3A_290 : i32
      %get3A_292 = arith.index_cast %mul3A_291 : i32 to index
      %get3A_293 = tpu.vector_load %arg4[%get3A_292] {strides = array<i32>} : memref<62976xf32, #tpu.memory_space<vmem>>, vector<16xf32>,
      %sub3A_294 = vector.broadcast %while3A_263#2 : f32 to vector<16xf32>
      %sub3A_295 = arith.subf %get3A_293, %sub3A_294 : vector<16xf32>
      %max3A_296 = arith.constant 0.000000e+00 : f32
      %max3A_297 = vector.broadcast %max3A_296 : f32 to vector<16xf32>
      %max3A_298 = arith.maximumf %sub3A_295, %max3A_297 : vector<16xf32>
      %swap3A_299 = arith.index_cast %mul3A_291 : i32 to index
      %swap3A_300 = tpu.vector_load %arg4[%swap3A_299] {strides = array<i32>} : memref<62976xf32, #tpu.memory_space<vmem>>, vector<16xf32>,
      tpu.vector_store %arg4[%swap3A_299], %max3A_298 {strides = array<i32>} : memref<62976xf32, #tpu.memory_space<vmem>>, vector<16xf32>,
      %mul3A_301 = arith.constant 8 : i32
      %mul3A_302 = arith.muli %scan3A_271, %mul3A_301 : i32
      %add3A_303 = arith.constant 2 : i32
      %add3A_304 = arith.addi %mul3A_302, %add3A_303 : i32
      %mul3A_305 = arith.constant 16 : i32
      %mul3A_306 = arith.muli %add3A_304, %mul3A_305 : i32
      %get3A_307 = arith.index_cast %mul3A_306 : i32 to index
      %get3A_308 = tpu.vector_load %arg4[%get3A_307] {strides = array<i32>} : memref<62976xf32, #tpu.memory_space<vmem>>, vector<16xf32>,
      %sub3A_309 = vector.broadcast %while3A_263#2 : f32 to vector<16xf32>
      %sub3A_310 = arith.subf %get3A_308, %sub3A_309 : vector<16xf32>
      %max3A_311 = arith.constant 0.000000e+00 : f32
      %max3A_312 = vector.broadcast %max3A_311 : f32 to vector<16xf32>
      %max3A_313 = arith.maximumf %sub3A_310, %max3A_312 : vector<16xf32>
      %swap3A_314 = arith.index_cast %mul3A_306 : i32 to index
      %swap3A_315 = tpu.vector_load %arg4[%swap3A_314] {strides = array<i32>} : memref<62976xf32, #tpu.memory_space<vmem>>, vector<16xf32>,
      tpu.vector_store %arg4[%swap3A_314], %max3A_313 {strides = array<i32>} : memref<62976xf32, #tpu.memory_space<vmem>>, vector<16xf32>,
      %mul3A_316 = arith.constant 8 : i32
      %mul3A_317 = arith.muli %scan3A_271, %mul3A_316 : i32
      %add3A_318 = arith.constant 3 : i32
      %add3A_319 = arith.addi %mul3A_317, %add3A_318 : i32
      %mul3A_320 = arith.constant 16 : i32
      %mul3A_321 = arith.muli %add3A_319, %mul3A_320 : i32
      %get3A_322 = arith.index_cast %mul3A_321 : i32 to index
      %get3A_323 = tpu.vector_load %arg4[%get3A_322] {strides = array<i32>} : memref<62976xf32, #tpu.memory_space<vmem>>, vector<16xf32>,
      %sub3A_324 = vector.broadcast %while3A_263#2 : f32 to vector<16xf32>
      %sub3A_325 = arith.subf %get3A_323, %sub3A_324 : vector<16xf32>
      %max3A_326 = arith.constant 0.000000e+00 : f32
      %max3A_327 = vector.broadcast %max3A_326 : f32 to vector<16xf32>
      %max3A_328 = arith.maximumf %sub3A_325, %max3A_327 : vector<16xf32>
      %swap3A_329 = arith.index_cast %mul3A_321 : i32 to index
      %swap3A_330 = tpu.vector_load %arg4[%swap3A_329] {strides = array<i32>} : memref<62976xf32, #tpu.memory_space<vmem>>, vector<16xf32>,
      tpu.vector_store %arg4[%swap3A_329], %max3A_328 {strides = array<i32>} : memref<62976xf32, #tpu.memory_space<vmem>>, vector<16xf32>,
      %mul3A_331 = arith.constant 8 : i32
      %mul3A_332 = arith.muli %scan3A_271, %mul3A_331 : i32
      %add3A_333 = arith.constant 4 : i32
      %add3A_334 = arith.addi %mul3A_332, %add3A_333 : i32
      %mul3A_335 = arith.constant 16 : i32
      %mul3A_336 = arith.muli %add3A_334, %mul3A_335 : i32
      %get3A_337 = arith.index_cast %mul3A_336 : i32 to index
      %get3A_338 = tpu.vector_load %arg4[%get3A_337] {strides = array<i32>} : memref<62976xf32, #tpu.memory_space<vmem>>, vector<16xf32>,
      %sub3A_339 = vector.broadcast %while3A_263#2 : f32 to vector<16xf32>
      %sub3A_340 = arith.subf %get3A_338, %sub3A_339 : vector<16xf32>
      %max3A_341 = arith.constant 0.000000e+00 : f32
      %max3A_342 = vector.broadcast %max3A_341 : f32 to vector<16xf32>
      %max3A_343 = arith.maximumf %sub3A_340, %max3A_342 : vector<16xf32>
      %swap3A_344 = arith.index_cast %mul3A_336 : i32 to index
      %swap3A_345 = tpu.vector_load %arg4[%swap3A_344] {strides = array<i32>} : memref<62976xf32, #tpu.memory_space<vmem>>, vector<16xf32>,
      tpu.vector_store %arg4[%swap3A_344], %max3A_343 {strides = array<i32>} : memref<62976xf32, #tpu.memory_space<vmem>>, vector<16xf32>,
      %mul3A_346 = arith.constant 8 : i32
      %mul3A_347 = arith.muli %scan3A_271, %mul3A_346 : i32
      %add3A_348 = arith.constant 5 : i32
      %add3A_349 = arith.addi %mul3A_347, %add3A_348 : i32
      %mul3A_350 = arith.constant 16 : i32
      %mul3A_351 = arith.muli %add3A_349, %mul3A_350 : i32
      %get3A_352 = arith.index_cast %mul3A_351 : i32 to index
      %get3A_353 = tpu.vector_load %arg4[%get3A_352] {strides = array<i32>} : memref<62976xf32, #tpu.memory_space<vmem>>, vector<16xf32>,
      %sub3A_354 = vector.broadcast %while3A_263#2 : f32 to vector<16xf32>
      %sub3A_355 = arith.subf %get3A_353, %sub3A_354 : vector<16xf32>
      %max3A_356 = arith.constant 0.000000e+00 : f32
      %max3A_357 = vector.broadcast %max3A_356 : f32 to vector<16xf32>
      %max3A_358 = arith.maximumf %sub3A_355, %max3A_357 : vector<16xf32>
      %swap3A_359 = arith.index_cast %mul3A_351 : i32 to index
      %swap3A_360 = tpu.vector_load %arg4[%swap3A_359] {strides = array<i32>} : memref<62976xf32, #tpu.memory_space<vmem>>, vector<16xf32>,
      tpu.vector_store %arg4[%swap3A_359], %max3A_358 {strides = array<i32>} : memref<62976xf32, #tpu.memory_space<vmem>>, vector<16xf32>,
      %mul3A_361 = arith.constant 8 : i32
      %mul3A_362 = arith.muli %scan3A_271, %mul3A_361 : i32
      %add3A_363 = arith.constant 6 : i32
      %add3A_364 = arith.addi %mul3A_362, %add3A_363 : i32
      %mul3A_365 = arith.constant 16 : i32
      %mul3A_366 = arith.muli %add3A_364, %mul3A_365 : i32
      %get3A_367 = arith.index_cast %mul3A_366 : i32 to index
      %get3A_368 = tpu.vector_load %arg4[%get3A_367] {strides = array<i32>} : memref<62976xf32, #tpu.memory_space<vmem>>, vector<16xf32>,
      %sub3A_369 = vector.broadcast %while3A_263#2 : f32 to vector<16xf32>
      %sub3A_370 = arith.subf %get3A_368, %sub3A_369 : vector<16xf32>
      %max3A_371 = arith.constant 0.000000e+00 : f32
      %max3A_372 = vector.broadcast %max3A_371 : f32 to vector<16xf32>
      %max3A_373 = arith.maximumf %sub3A_370, %max3A_372 : vector<16xf32>
      %swap3A_374 = arith.index_cast %mul3A_366 : i32 to index
      %swap3A_375 = tpu.vector_load %arg4[%swap3A_374] {strides = array<i32>} : memref<62976xf32, #tpu.memory_space<vmem>>, vector<16xf32>,
      tpu.vector_store %arg4[%swap3A_374], %max3A_373 {strides = array<i32>} : memref<62976xf32, #tpu.memory_space<vmem>>, vector<16xf32>,
      %mul3A_376 = arith.constant 8 : i32
      %mul3A_377 = arith.muli %scan3A_271, %mul3A_376 : i32
      %add3A_378 = arith.constant 7 : i32
      %add3A_379 = arith.addi %mul3A_377, %add3A_378 : i32
      %mul3A_380 = arith.constant 16 : i32
      %mul3A_381 = arith.muli %add3A_379, %mul3A_380 : i32
      %get3A_382 = arith.index_cast %mul3A_381 : i32 to index
      %get3A_383 = tpu.vector_load %arg4[%get3A_382] {strides = array<i32>} : memref<62976xf32, #tpu.memory_space<vmem>>, vector<16xf32>,
      %sub3A_384 = vector.broadcast %while3A_263#2 : f32 to vector<16xf32>
      %sub3A_385 = arith.subf %get3A_383, %sub3A_384 : vector<16xf32>
      %max3A_386 = arith.constant 0.000000e+00 : f32
      %max3A_387 = vector.broadcast %max3A_386 : f32 to vector<16xf32>
      %max3A_388 = arith.maximumf %sub3A_385, %max3A_387 : vector<16xf32>
      %swap3A_389 = arith.index_cast %mul3A_381 : i32 to index
      %swap3A_390 = tpu.vector_load %arg4[%swap3A_389] {strides = array<i32>} : memref<62976xf32, #tpu.memory_space<vmem>>, vector<16xf32>,
      tpu.vector_store %arg4[%swap3A_389], %max3A_388 {strides = array<i32>} : memref<62976xf32, #tpu.memory_space<vmem>>, vector<16xf32>,
      %scan3A_391 = arith.constant 0 : i32
      scf.yield %scan3A_391 : i32
    }
    %scan3A_270 = arith.constant 492 : i32
    "tpu.trace_stop"() : () -> ()
    "tpu.region"() ({
      %run_scoped3A = tpu.sem_alloc : memref<!tpu.dma_semaphore, #tpu.memory_space<semaphore_mem>>
      %dma_start3A = tpu.memref_slice %arg3[%min3A_1] : memref<1000000xf32, #tpu.memory_space<hbm>> -> memref<62976xf32, #tpu.memory_space<hbm>>
      %dma_start3A_271 = tpu.memref_slice %arg3[%min3A_1] : memref<1000000xf32, #tpu.memory_space<hbm>> -> memref<62976xf32, #tpu.memory_space<hbm>>
      tpu.enqueue_dma source(%arg4 : memref<62976xf32, #tpu.memory_space<vmem>>) target(%dma_start3A_271 : memref<62976xf32, #tpu.memory_space<hbm>>) target_semaphore(%run_scoped3A : memref<!tpu.dma_semaphore, #tpu.memory_space<semaphore_mem>>)
      %dma_wait3A = tpu.memref_slice %arg3[%min3A_1] : memref<1000000xf32, #tpu.memory_space<hbm>> -> memref<62976xf32, #tpu.memory_space<hbm>>
      %dma_wait3A_272 = tpu.memref_slice %arg3[%min3A_1] : memref<1000000xf32, #tpu.memory_space<hbm>> -> memref<62976xf32, #tpu.memory_space<hbm>>
      tpu.wait_dma2 semaphore(%run_scoped3A : memref<!tpu.dma_semaphore, #tpu.memory_space<semaphore_mem>>) src(%arg4 : memref<62976xf32, #tpu.memory_space<vmem>>) dst(%dma_wait3A_272 : memref<62976xf32, #tpu.memory_space<hbm>>)
      tpu.yield
    }) : () -> ()
    return
  }
}

</mosaic_0001>

<sc_bundles>
// kernel: kernel.3.cloned.1.call-start
scs
__scs_entry_jumppad:
0x0: {  	(pc) =	sbr.rel $0x88, $3  }
0x1: {  	(tag) =	ssettag $0x0;
	lr =	simm.s32 $0x1  }
0x2: {  	[smem:$0x3FA0] =	sst lr;
	_ =	strace $0xD0000000  }
0x3: {  	_ = 	snop  }
0x4: {  	_ = 	snop  }
0x5: {  	_ = 	snop  }
0x6: {  	_ = 	snop  }
0x7: {  	_ = 	snop  }
__scs_overlays_trampoline_lowered:
0x8: {  	[smem:$0x3FAF] =	sst s0  }
0x9: {  	[smem:$0x3FB0] =	sst s1  }
0xa: {  	[smem:$0x3FB1] =	sst s2  }
0xb: {  	[smem:$0x3FB2] =	sst s3  }
0xc: {  	[smem:$0x3FB3] =	sst s4  }
0xd: {  	[smem:$0x3FB4] =	sst s5  }
0xe: {  	[smem:$0x3FB5] =	sst s6  }
0xf: {  	[smem:$0x3FB6] =	sst s7  }
0x10: {  	[smem:$0x3FB7] =	sst s8  }
0x11: {  	[smem:$0x3FB8] =	sst s9;
	s0 =	simm.s32 @!p0 $0x0  }
0x12: {  	s1 =	sld [smem:$0x3F9E];
	s0 =	simm.s32 @p0 $0x1  }
0x13: {  	[smem:$0x3FB9] =	sst s0;
	s0 =	simm.s32 @!p1 $0x0  }
0x14: {  	s2 =	sld [smem:$0x3F9D];
	s0 =	simm.s32 @p1 $0x1  }
0x15: {  	[smem:$0x3FBA] =	sst s0;
	s0 =	simm.s32 @!p2 $0x0  }
0x16: {  	s3 =	sld [smem:$0x3FDB];
	s0 =	simm.s32 @p2 $0x1  }
0x17: {  	s4 =	simm.s32 $0x1BF5;
	[smem:$0x3FBC] =	sst s0  }
0x18: {  	s0 =	sld [smem:$0x3F9F];
	_ =	swait.ge [sflag:s4], $0x0  }
0x19: {  	s7 =	sld [smem:$0x3FA0]  }
0x1a: {  	s8 =	sadd.s32 $0xFFFFE003, lr  }
0x1b: {  	s9 =	sadd.s32 $0xFFFFFEF7, lr;
	s5 =	simm.s32 $0xFFFFFFFF;
	p2 =	slt.u32 s8, $0xFFFFF086  }
0x1c: {  	p1 =	slt.u32 s9, $0xF7A;
	s5 =	simm.s32 @!p2 $0x0  }
0x1d: {  	s5 =	simm.s32 @p1 $0x1;
	p0 =	seq.s32 s7, s2  }
0x1e: {  	s7 =	smul.u32 @!p0 $0xF7A, s2;
	p2 =	seq.s32 @!p0 s5, $0x0  }
0x1f: {  	s9 =	smul.u32 $0xF7A, s1;
	s8 =	simm.s32 @!p0 $0x1BF5;
	p2 =	por !p2, p0  }
0x20: {  	[sflag:s8] =	ssyncset.s32 @!p0 $0xFFFFF086;
	s6 =	sadd.s32 @!p0 s3, s7;
	s7 =	simm.s32 @!p0 $0x108  }
0x21: {  	s3 =	sadd.s32 s3, s9;
	s6 =	sadd.s32 @!p0 $0x88, s6;
	s7 =	simm.s32 @p2 $0x1082  }
0x22: {  	[simem:s7], [sflag:s8] =	dma.local @!p0 [hbm:s6], $0xF7A  }
0x23: {  	s9 =	sor.u32 $0xD0000000, s2;
	s6 =	simm.s32 $0x108;
	_ =	swait.ge @!p0 [sflag:s8], $0x0  }
0x24: {  	s3 =	sadd.s32 $0x88, s3;
	s6 =	simm.s32 @!p1 $0x1082;
	[sflag:s4] =	ssyncset.s32 $0xFFFFF086  }
0x25: {  	[simem:s6], [sflag:s4] =	dma.local [hbm:s3], $0xF7A  }
0x26: {  	[smem:$0x3FA0] =	sst s1;
	(tag) =	ssettag s2;
	_ =	strace s9  }
0x27: {  	s1 =	sld [smem:$0x3FB0]  }
0x28: {  	s2 =	sld [smem:$0x3FB1]  }
0x29: {  	s4 =	sld [smem:$0x3FB3]  }
0x2a: {  	p0 =	seq.s32 s5, $0x0;
	s5 =	sld [smem:$0x3FB4]  }
0x2b: {  	s6 =	sld [smem:$0x3FB5]  }
0x2c: {  	s7 =	sld [smem:$0x3FB6]  }
0x2d: {  	s3 =	simm.s32 $0x108;
	s8 =	sld [smem:$0x3FB7]  }
0x2e: {  	s3 =	simm.s32 @!p0 $0x1082;
	s9 =	sld [smem:$0x3FB8]  }
0x2f: {  	lr =	sadd.s32 s0, s3;
	s0 =	sld [smem:$0x3FAF]  }
0x30: {  	s3 =	sld [smem:$0x3FB2]  }
0x31: {  	[smem:$0x3FBB] =	sst s10  }
0x32: {  	s10 =	sld [smem:$0x3FB9];
	_ =	sdelay $0x3  }
0x33: {  	p0 =	seq.s32 s10, $0x1;
	s10 =	sld [smem:$0x3FBB];
	_ =	sdelay $0x3  }
0x34: {  	[smem:$0x3FBB] =	sst s10  }
0x35: {  	s10 =	sld [smem:$0x3FBA];
	_ =	sdelay $0x3  }
0x36: {  	p1 =	seq.s32 s10, $0x1;
	s10 =	sld [smem:$0x3FBB];
	_ =	sdelay $0x3  }
0x37: {  	[smem:$0x3FBB] =	sst s10  }
0x38: {  	s10 =	sld [smem:$0x3FBC]  }
0x39: {  	_ = 	snop;
	(pc) =	sbr.ind lr, $3  }
0x3a: {  	_ = 	snop  }
0x3b: {  	_ = 	snop  }
0x3c: {  	p2 =	seq.s32 s10, $0x1;
	s10 =	sld [smem:$0x3FBB]  }
0x3d: {  	_ =	shalt  }
0x3e: {  	_ =	shalt  }
0x3f: {  	_ =	shalt  }
0x40: {  	_ =	shalt  }
0x41: {  	_ =	shalt  }
0x42: {  	_ =	shalt  }
0x43: {  	_ =	shalt  }
0x44: {  	_ =	shalt  }
0x45: {  	_ =	shalt  }
0x46: {  	_ =	shalt  }
0x47: {  	_ =	shalt  }
0x48: {  	_ =	shalt  }
0x49: {  	_ =	shalt  }
0x4a: {  	_ =	shalt  }
0x4b: {  	_ =	shalt  }
0x4c: {  	_ =	shalt  }
0x4d: {  	_ =	shalt  }
0x4e: {  	_ =	shalt  }
0x4f: {  	_ =	shalt  }
0x50: {  	_ =	shalt  }
0x51: {  	_ =	shalt  }
0x52: {  	_ =	shalt  }
0x53: {  	_ =	shalt  }
0x54: {  	_ =	shalt  }
0x55: {  	_ =	shalt  }
0x56: {  	_ =	shalt  }
0x57: {  	_ =	shalt  }
0x58: {  	_ =	shalt  }
0x59: {  	_ =	shalt  }
0x5a: {  	_ =	shalt  }
0x5b: {  	_ =	shalt  }
0x5c: {  	_ =	shalt  }
0x5d: {  	_ =	shalt  }
0x5e: {  	_ =	shalt  }
0x5f: {  	_ =	shalt  }
0x60: {  	_ =	shalt  }
0x61: {  	_ =	shalt  }
0x62: {  	_ =	shalt  }
0x63: {  	_ =	shalt  }
0x64: {  	_ =	shalt  }
0x65: {  	_ =	shalt  }
0x66: {  	_ =	shalt  }
0x67: {  	_ =	shalt  }
0x68: {  	_ =	shalt  }
0x69: {  	_ =	shalt  }
0x6a: {  	_ =	shalt  }
0x6b: {  	_ =	shalt  }
0x6c: {  	_ =	shalt  }
0x6d: {  	_ =	shalt  }
0x6e: {  	_ =	shalt  }
0x6f: {  	_ =	shalt  }
0x70: {  	_ =	shalt  }
0x71: {  	_ =	shalt  }
0x72: {  	_ =	shalt  }
0x73: {  	_ =	shalt  }
0x74: {  	_ =	shalt  }
0x75: {  	_ =	shalt  }
0x76: {  	_ =	shalt  }
0x77: {  	_ =	shalt  }
0x78: {  	_ =	shalt  }
0x79: {  	_ =	shalt  }
0x7a: {  	_ =	shalt  }
0x7b: {  	_ =	shalt  }
0x7c: {  	_ =	shalt  }
0x7d: {  	_ =	shalt  }
0x7e: {  	_ =	shalt  }
0x7f: {  	_ =	shalt  }
0x80: {  	_ =	shalt  }
0x81: {  	_ =	shalt  }
0x82: {  	_ =	shalt  }
0x83: {  	_ =	shalt  }
0x84: {  	_ =	shalt  }
0x85: {  	_ =	shalt  }
0x86: {  	_ =	shalt  }
0x87: {  	_ =	shalt  }
.Lfunc_end0:
.L_simem_size_0:
called_computation_lowered:
.L_overlay_start_0:
0x88: {  	s0 =	sld [smem:$0x3FD9]  }
0x89: {  	s1 =	sld [smem:$0x3FFE];
	_ =	sdelay $0x3  }
0x8a: {  	s0 =	sadd.s32 s1, s0  }
0x8b: {  	[smem:$0x3FC7] =	sst s0  }
0x8c: {  	_ = 	snop  }
0x8d: {  	s0 =	sld [smem:$0x3FC9]  }
0x8e: {  	s17 =	sld [smem:$0x3FD0];
	(tm) =	ssettm $0x1  }
0x8f: {  	s2 =	sld [smem:$0x3FFB];
	_ =	sdelay $0x3  }
0x90: {  	_ =	strace s2  }
0x91: {  	s2 =	sld [smem:$0x3FFC];
	_ =	sdelay $0x3  }
0x92: {  	_ =	strace s2  }
0x93: {  	s2 =	sld [smem:$0x3FFD];
	_ =	sdelay $0x3  }
0x94: {  	_ =	strace s2  }
0x95: {  	_ =	strace $0x8FFFFFFF  }
0x96: {  	s18 =	sld [smem:$0x3FDB];
	_ =	sdelay $0x1  }
0x97: {  	s3 =	simm.s32 $_scs_section_size  }
0x98: {  	s4 =	simm.s32 $_size__tile_overlayer_lowered;
	s5 =	simm.s32 $_tile_overlayer_lowered  }
0x99: {  	s21 =	simm.s32 $0x1BFF;
	s20 =	sshll.u32 s5, $0x1;
	s2 =	sadd.s32 s3, s18  }
0x9a: {  	s6 =	simm.s32 $0x0;
	s19 =	sshll.u32 s4, $0x1;
	s4 =	sadd.s32 s20, s2  }
0x9b: {  	[timem:s6], [sflag:s21] =	dma.local [hbm:s4], s19  }
0x9c: {  	_ =	swait.ge [sflag:s21], s19  }
0x9d: {  	s3 =	ssub.s32 $0x0, s19;
	[sflag:s21] =	ssyncset.done $0x0  }
0x9e: {  	[sflag:s21] =	ssyncadd.s32 s3;
	_ =	sdelay $0x1  }
0x9f: {  	s22 =	simm.s32 $0x1B8B  }
0xa0: {  	_ =	swait.ge [sflag:s22], $0x1  }
0xa1: {  	[sflag:s22] =	ssyncset.done $0x0  }
0xa2: {  	s23 =	simm.s32 $0x1B8E;
	[sflag:s22] =	ssyncadd.s32 $0xFFFFFFFF  }
0xa3: {  	s24 =	simm.s32 $execute0_lowered;
	[smem:$0x3FD2] =	sst s23  }
0xa4: {  	s3 =	sshll.u32 s24, $0x1;
	_ =	strace $0x80000046;
	[dreg:$0x1] =	wrdreg $0xFFFFFFFF  }
0xa5: {  	s25 =	simm.s32 $_size_execute0_lowered;
	s2 =	sadd.s32 s2, s3;
	[dreg:$0x0] =	wrdreg $0x0  }
0xa6: {  	s3 =	sshll.u32 s25, $0x1;
	[dreg:$0x2] =	wrdreg s2  }
0xa7: {  	[dreg:$0x3] =	wrdreg s3  }
0xa8: {  	[dreg:$0x4] =	wrdreg $0xC0  }
0xa9: {  	_ =	task [dreg:s6], $0x5FFFF  }
0xaa: {  	[dreg:$0x1] =	wrdreg $0xFFFFFFFF  }
0xab: {  	[dreg:$0x0] =	wrdreg $0x60  }
0xac: {  	[dreg:$0x2] =	wrdreg s0  }
0xad: {  	[dreg:$0x3] =	wrdreg s17  }
0xae: {  	[dreg:$0x4] =	wrdreg $0x14A000  }
0xaf: {  	[dreg:$0x5] =	wrdreg $0x9  }
0xb0: {  	_ =	task.clear_ibuf [dreg:s6], $0x6FFFF;
	_ =	strace $0x90000046  }
0xb1: {  	s26 =	simm.s32 $0x9;
	_ =	strace $0x8000004F  }
0xb2: {  	_ =	swait.ge [sflag:s26], $0x1  }
0xb3: {  	[sflag:s26] =	ssyncadd.s32 $0xFFFFFFFF  }
0xb4: {  	_ =	strace $0x9000004F  }
0xb5: {  	_ =	sfence  }
0xb6: {  	s28 =	sld [smem:$0x0];
	_ =	sdelay $0x1  }
0xb7: {  	s29 =	srdreg.scid  }
0xb8: {  	s30 =	sshll.u32 s29, $0xD;
	s31 =	sshrl.u32 s29, $0x2  }
0xb9: {  	s1 =	sand.u32 $0x1, s29;
	s2 =	sand.u32 $0x4000, s30;
	s0 =	sadd.s32 s31, s28  }
0xba: {  	s1 =	sor.u32 s2, s1;
	s0 =	sshll.u32 s0, $0x11  }
0xbb: {  	s0 =	sor.u32 s0, s1  }
0xbc: {  	s0 =	sadd.s32 $0x8F2B, s0  }
0xbd: {  	[sflag:s0] =	ssyncadd.remote.s32 $0x1  }
0xbe: {  	_ =	sfence.sel $0xFFFF  }
0xbf: {  	[dreg:$0x0] =	wrdreg $0xFFFFFFFF;
	(pc) =	sbr.abs _section_cstart, $3  }
0xc0: {  	[dreg:$0x1] =	wrdreg $0xFFFFFFFF  }
0xc1: {  	_ =	task.clear_ibuf [dreg:s6], $0x2FFFF;
	_ =	strace $0x9FFFFFFF  }
0xc2: {  	(tm) =	ssettm $0x7FFFFFFF  }
0xc3: {  	_ =	shalt  }
tec
execute0_lowered:
.L_overlay_start_1:
0x0: {  	(tag) =	ssettag $0x1  }
0x1: {  	s3 =	rddreg [dreg:$0x0]  }
0x2: {  	s0 =	stileid.u32;
	s2 =	rddreg [dreg:$0x1]  }
0x3: {  	s4 =	rddreg [dreg:$0x2];
	s7 =	smul.u32 $0xF600, s0  }
0x4: {  	s1 =	rddreg [dreg:$0x3]  }
0x5: {  	s5 =	simm.s32 $0x0;
	s11 =	simm.s32 $0x1;
	s10 =	smin.u32 s7, $0xE4C40  }
0x6: {  	[smem:$0x7FF] =	sst s5;
	p0 =	sne.s32 s0, $0xF;
	s6 =	sshrl.u32 s10, $0x3  }
.Ltmp0:
0x7: {  	_ =	strace $0x80000047;
	s3 =	sadd.s32 s3, s6;
	(pc) =	sbr.rel @p0 .LBB2_3-.Ltmp0, $4  }
0x8: {  	[tilespmem:s5], [sflag:$0x1] =	stream.linear.gather [hbm4b:s3+s5], $0xF600, $0x38;
	[tilespmem:$0x14C00] =	vst v63  }
0x9: {  	s8 =	sshll.u32 s0, $0x9;
	_ =	swait.ge [sflag:s11], $0xF600  }
0xa: {  	s31 =	sshll.u32 s0, $0x7;
	s9 =	sand.u32 $0x1000, s8;
	[sflag:s11] =	ssyncset.done $0x0  }
0xb: {  	s8 =	sand.u32 $0x380, s31;
	s9 =	sadd.s32 s9, s4;
	[sflag:s11] =	ssyncadd.s32 $0xFFFF0A00  }
0xc: {  	s7 =	ssub.s32 s7, s10  }
0xd: {  	s7 =	sshrl.u32 s7, $0x4  }
0xe: {  	p0 =	sne.s32 s7, $0x1  }
.Ltmp1:
0xf: {  	_ = 	snop;
	(pc) =	sbr.rel @!p0 .LBB2_3-.Ltmp1, $3  }
0x10: {  	_ =	sdelay $0x1  }
0x11: {  	v0 =	vimm.f32 $-Inf  }
0x12: {  	[tilespmem:s5+$0x0] =	vst v0;
	s7 =	sadd.s32 $0xFFFFFFFF, s7  }
.LBB2_2:
0x13: {  	p0 =	sne.s32 s7, $0x1  }
.Ltmp2:
0x14: {  	_ = 	snop;
	(pc) =	sbr.rel @p0 .LBB2_2-.Ltmp2, $3  }
0x15: {  	_ =	sdelay $0x1  }
0x16: {  	s7 =	sadd.s32 $0xFFFFFFFF, s7;
	s5 =	sadd.s32 $0x10, s5  }
0x17: {  	[tilespmem:s5+$0x0] =	vst v0  }
.LBB2_3:
0x18: {  	_ =	strace $0x80000048;
	s7 =	simm.s32 $0x80  }
0x19: {  	s5 =	sadd.s32 s8, s9;
	v1 =	vld [tilespmem:s7+$0xFFFFFF90]  }
0x1a: {  	s2 =	sadd.s32 s2, s6;
	v0 =	vimm.f32 $-Inf;
	s6 =	simm.s32 $0x0;
	s8 =	simm.s32 $0x40;
	v2 =	vld [tilespmem:s7+$0xFFFFFF80]  }
.LBB2_4:
0x1b: {  	p0 =	sne.s32 s8, $0x3D40;
	v3 =	vld [tilespmem:s7+$0xFFFFFFA0]  }
0x1c: {  	v4 =	vld [tilespmem:s7+$0xFFFFFFB0]  }
0x1d: {  	v5 =	vld [tilespmem:s7+$0xFFFFFFC0]  }
0x1e: {  	v6 =	vld [tilespmem:s7+$0xFFFFFFD0]  }
0x1f: {  	v1 =	vmax.f32 v2, v1;
	v2 =	vld [tilespmem:s7+$0xFFFFFFE0]  }
0x20: {  	v1 =	vmax.f32 v1, v3;
	v3 =	vld [tilespmem:s7+$0xFFFFFFF0]  }
0x21: {  	v1 =	vmax.f32 v1, v4;
	v4 =	vld [tilespmem:s7+$0x0]  }
0x22: {  	v1 =	vmax.f32 v1, v5;
	v5 =	vld [tilespmem:s7+$0x10]  }
0x23: {  	v1 =	vmax.f32 v1, v6;
	v6 =	vld [tilespmem:s7+$0x20]  }
0x24: {  	v1 =	vmax.f32 v1, v2;
	v2 =	vld [tilespmem:s7+$0x30]  }
0x25: {  	v1 =	vmax.f32 v1, v3;
	v3 =	vld [tilespmem:s7+$0x40]  }
0x26: {  	v1 =	vmax.f32 v1, v4;
	v4 =	vld [tilespmem:s7+$0x50]  }
0x27: {  	v1 =	vmax.f32 v1, v5;
	v5 =	vld [tilespmem:s7+$0x60]  }
0x28: {  	v1 =	vmax.f32 v1, v6;
	v6 =	vld [tilespmem:s7+$0x70]  }
0x29: {  	v1 =	vmax.f32 v1, v2  }
0x2a: {  	v1 =	vmax.f32 v1, v3  }
0x2b: {  	v1 =	vmax.f32 v1, v4  }
.Ltmp3:
0x2c: {  	v1 =	vmax.f32 v1, v5;
	(pc) =	sbr.rel @p0 .LBB2_4-.Ltmp3, $4  }
0x2d: {  	s9 =	sshra.s32 s6, $0x2;
	s6 =	smov.u32 s8;
	v1 =	vmax.f32 v1, v6  }
0x2e: {  	s7 =	sadd.s32 $0x100, s7;
	[tilespmem:s9+$0xF600] =	vst v1;
	v0 =	vmax.f32 v0, v1  }
0x2f: {  	v1 =	vld [tilespmem:s7+$0xFFFFFF90]  }
0x30: {  	s8 =	sadd.s32 $0x40, s8;
	v2 =	vld [tilespmem:s7+$0xFFFFFF80]  }
0x31: {  	v3 =	vld [tilespmem:s7+$0xFFFFFFA0]  }
0x32: {  	v4 =	vld [tilespmem:s7+$0xFFFFFFB0]  }
0x33: {  	v5 =	vld [tilespmem:s7+$0xFFFFFFC0]  }
0x34: {  	v6 =	vld [tilespmem:s7+$0xFFFFFFD0]  }
0x35: {  	v1 =	vmax.f32 v2, v1;
	v2 =	vld [tilespmem:s7+$0xFFFFFFE0]  }
0x36: {  	v1 =	vmax.f32 v1, v3;
	v3 =	vld [tilespmem:s7+$0xFFFFFFF0]  }
0x37: {  	v58 =	vld [tilespmem:s7+$0x0];
	v1 =	vmax.f32 v1, v4  }
0x38: {  	v59 =	vld [tilespmem:s7+$0x10];
	v1 =	vmax.f32 v1, v5  }
0x39: {  	v60 =	vld [tilespmem:s7+$0x20];
	v1 =	vmax.f32 v1, v6  }
0x3a: {  	v1 =	vmax.f32 v1, v2;
	v2 =	vld [tilespmem:s7+$0x30]  }
0x3b: {  	v1 =	vmax.f32 v1, v3;
	v3 =	vld [tilespmem:s7+$0x40]  }
0x3c: {  	v61 =	vld [tilespmem:s7+$0x50];
	v1 =	vmax.f32 v1, v58  }
0x3d: {  	v62 =	vld [tilespmem:s7+$0x60];
	v1 =	vmax.f32 v1, v59  }
0x3e: {  	v63 =	vld [tilespmem:s7+$0x70];
	v1 =	vmax.f32 v1, v60  }
0x3f: {  	v1 =	vmax.f32 v1, v2  }
0x40: {  	v1 =	vmax.f32 v1, v3  }
0x41: {  	v1 =	vmax.f32 v1, v61  }
0x42: {  	v1 =	vmax.f32 v1, v62  }
0x43: {  	s6 =	sshra.s32 s6, $0x2;
	v1 =	vmax.f32 v1, v63  }
0x44: {  	v2 =	vimm.f32 $-Inf;
	[tilespmem:s6+$0xF600] =	vst v1  }
0x45: {  	_ =	strace $0x90000048;
	[tilespmem:$0x10700] =	vst v2  }
0x46: {  	[tilespmem:$0x10710] =	vst v2  }
0x47: {  	[tilespmem:$0x10720] =	vst v2  }
0x48: {  	[tilespmem:$0x10730] =	vst v2  }
0x49: {  	[tilespmem:$0x10740] =	vst v2  }
0x4a: {  	[tilespmem:$0x10750] =	vst v2  }
0x4b: {  	[tilespmem:$0x10760] =	vst v2  }
0x4c: {  	[tilespmem:$0x10770] =	vst v2  }
0x4d: {  	v0 =	vmax.f32 v0, v1;
	[tilespmem:$0x10780] =	vst v2  }
0x4e: {  	[tilespmem:$0x10790] =	vst v2;
	(xrf0) =	vmax.scan.msk.f32 $0xffff, v0  }
0x4f: {  	[tilespmem:$0x107A0] =	vst v2  }
0x50: {  	[tilespmem:$0x107B0] =	vst v2  }
0x51: {  	[tilespmem:$0x107C0] =	vst v2  }
0x52: {  	[tilespmem:$0x107D0] =	vst v2  }
0x53: {  	[tilespmem:$0x107E0] =	vst v2  }
0x54: {  	[tilespmem:$0x107F0] =	vst v2;
	v0, _, _ =	vpop (xrf0)  }
0x55: {  	[tilespmem:$0x10800] =	vst v2;
	(v2sf) =	vpush v0, $0xF  }
0x56: {  	[tilespmem:$0x10810] =	vst v2  }
0x57: {  	[tilespmem:$0x10820] =	vst v2  }
0x58: {  	[tilespmem:$0x10830] =	vst v2  }
0x59: {  	[tilespmem:$0x10840] =	vst v2  }
0x5a: {  	[tilespmem:$0x10850] =	vst v2  }
0x5b: {  	[tilespmem:$0x10860] =	vst v2  }
0x5c: {  	[tilespmem:$0x10870] =	vst v2  }
0x5d: {  	[tilespmem:$0x10880] =	vst v2  }
0x5e: {  	[tilespmem:$0x10890] =	vst v2  }
0x5f: {  	[tilespmem:$0x108A0] =	vst v2  }
0x60: {  	[tilespmem:$0x108B0] =	vst v2  }
0x61: {  	[tilespmem:$0x108C0] =	vst v2  }
0x62: {  	[tilespmem:$0x108D0] =	vst v2  }
0x63: {  	[tilespmem:$0x108E0] =	vst v2  }
0x64: {  	[tilespmem:$0x108F0] =	vst v2;
	s30 =	spop (v2sf)  }
0x65: {  	s11 =	simm.s32 $0xF600;
	[tilespmem:$0x10900] =	vst v2;
	s31 =	sadd.f32 $-1.000000000e+00, s30  }
0x66: {  	s8 =	simm.s32 $0x1;
	s12 =	simm.s32 $0x1;
	_ =	strace $0x80000049  }
0x67: {  	vm0 =	vmxor vm0, vm0;
	vm1 =	vmmov $0x1;
	s10 =	simm.s32 $0x0;
	s9 =	simm.s32 $0x0;
	s6 =	simm.s32 $0x0;
	v1 =	vld [tilespmem:s11+$0x0];
	v0 =	vmov s31  }
.LBB2_6:
0x68: {  	s7 =	smov.u32 s6  }
0x69: {  	p0 =	sne.s32 s12, $0xF5;
	_ =	sdelay $0x3  }
0x6a: {  	vm2 =	vge.f32 v1, v0  }
0x6b: {  	v1 =	vmpcnt.ones.xlane vm2;
	_ =	sdelay $0x1  }
0x6c: {  	(v2sf) =	vpush v1, $0x0;
	_ =	sdelay $0xe  }
0x6d: {  	s13 =	spop (v2sf)  }
.Ltmp4:
0x6e: {  	vm2 =	vmmov vm0;
	p1 =	sgt.s32 s13, $0x0;
	s13 =	simm.s32 $0x1;
	(pc) =	sbr.rel @p0 .LBB2_6-.Ltmp4, $4  }
0x6f: {  	vm2 =	vmneg @p1 vm2;
	s13 =	simm.s32 @!p1 $0x0  }
0x70: {  	v1 =	vmov s10;
	s10 =	smov.u32 s12;
	vm2 =	vmand vm2, vm1;
	s6 =	sadd.s32 s13, s6  }
0x71: {  	s11 =	sadd.s32 $0x10, s11;
	[tilespmem:s9+$0x10580] =	vst.msk vm2, v1;
	s9 =	smov.u32 s6  }
0x72: {  	s12 =	sadd.s32 $0x1, s12;
	v1 =	vld [tilespmem:s11+$0x0]  }
0x73: {  	_ =	sdelay $0x3  }
0x74: {  	vm2 =	vge.f32 v1, v0  }
0x75: {  	v1 =	vmpcnt.ones.xlane vm2;
	_ =	sdelay $0x1  }
0x76: {  	(v2sf) =	vpush v1, $0x0;
	_ =	sdelay $0xe  }
0x77: {  	s11 =	spop (v2sf)  }
0x78: {  	p0 =	sgt.s32 s11, $0x0  }
0x79: {  	s8 =	simm.s32 @!p0 $0x0  }
0x7a: {  	s6 =	sadd.s32 s8, s6  }
0x7b: {  	p1 =	slt.s32 s6, $0x1  }
.Ltmp5:
0x7c: {  	vm0 =	vmneg @p0 vm0;
	(pc) =	sbr.rel @p1 .LBB2_13-.Ltmp5, $4  }
0x7d: {  	v1 =	vmov s10;
	vm0 =	vmand vm0, vm1  }
0x7e: {  	[tilespmem:s9+$0x10580] =	vst.msk vm0, v1  }
0x7f: {  	_ =	strace $0x90000049  }
0x80: {  	_ =	strace $0x8000004A  }
0x81: {  	s6 =	simm.s32 $0x1  }
0x82: {  	s6 =	simm.s32 @!p0 $0x0  }
0x83: {  	s7 =	sadd.s32 s6, s7  }
0x84: {  	p1 =	sne.s32 s7, $0x1  }
.Ltmp6:
0x85: {  	_ = 	snop;
	(pc) =	sbr.rel @!p1 .LBB2_9-.Ltmp6, $3  }
0x86: {  	_ =	sdelay $0x1  }
0x87: {  	s9 =	simm.s32 $0x10580  }
0x88: {  	v1 =	vld [tilespmem:s9+$0x0];
	p0 =	por $0x0, $0x0;
	s6 =	simm.s32 $0x0;
	s8 =	sadd.s32 $0xFFFFFFFF, s7  }
0x89: {  	_ =	sdelay $0x3  }
0x8a: {  	(v2sf) =	vpush v1, $0x0;
	_ =	sdelay $0xe  }
0x8b: {  	s7 =	spop (v2sf)  }
0x8c: {  	s7 =	sshll.u32 s7, $0xA  }
0x8d: {  	s7 =	sshra.s32 s7, $0x2  }
0x8e: {  	v1 =	vld [tilespmem:s7+$0x0];
	_ =	sdelay $0x3  }
0x8f: {  	p0 =	por $0x1, $0x1;
	s9 =	simm.s32 $0x0  }
0x90: {  	s9 =	simm.s32 @!p0 $0x200;
	vm0 =	vge.f32 v1, v0  }
0x91: {  	[tilespmem:s9+$0x10700] =	vst.msk vm0, v1;
	v1 =	vmpcnt.ones.xlane vm0  }
0x92: {  	v2 =	vld [tilespmem:s7+$0x10]  }
0x93: {  	(v2sf) =	vpush v1, $0x0;
	_ =	sdelay $0x3  }
0x94: {  	vm13 =	vge.f32 v2, v0  }
0x95: {  	v1 =	vmpcnt.ones.xlane vm13;
	_ =	sdelay $0x1  }
0x96: {  	(v2sf) =	vpush v1, $0x0;
	_ =	sdelay $0x7  }
0x97: {  	s16 =	spop (v2sf)  }
0x98: {  	s9 =	sadd.s32 $0x0, s16  }
0x99: {  	p0 =	slt.s32 s9, $0x200;
	s10 =	smov.u32 s9  }
0x9a: {  	s10 =	simm.s32 @!p0 $0x200  }
0x9b: {  	[tilespmem:s10+$0x10700] =	vst.msk vm13, v2  }
0x9c: {  	v1 =	vld [tilespmem:s7+$0x20];
	_ =	sdelay $0x1  }
0x9d: {  	s17 =	spop (v2sf)  }
0x9e: {  	s9 =	sadd.s32 s9, s17  }
0x9f: {  	p0 =	slt.s32 s9, $0x200;
	s10 =	smov.u32 s9  }
0xa0: {  	vm14 =	vge.f32 v1, v0;
	s10 =	simm.s32 @!p0 $0x200  }
0xa1: {  	[tilespmem:s10+$0x10700] =	vst.msk vm14, v1;
	v1 =	vmpcnt.ones.xlane vm14  }
0xa2: {  	v2 =	vld [tilespmem:s7+$0x30]  }
0xa3: {  	(v2sf) =	vpush v1, $0x0;
	_ =	sdelay $0x3  }
0xa4: {  	vm15 =	vge.f32 v2, v0  }
0xa5: {  	v1 =	vmpcnt.ones.xlane vm15;
	_ =	sdelay $0x1  }
0xa6: {  	(v2sf) =	vpush v1, $0x0;
	_ =	sdelay $0x7  }
0xa7: {  	s18 =	spop (v2sf)  }
0xa8: {  	s9 =	sadd.s32 s9, s18  }
0xa9: {  	p0 =	slt.s32 s9, $0x200;
	s10 =	smov.u32 s9  }
0xaa: {  	s10 =	simm.s32 @!p0 $0x200  }
0xab: {  	[tilespmem:s10+$0x10700] =	vst.msk vm15, v2  }
0xac: {  	v1 =	vld [tilespmem:s7+$0x40];
	_ =	sdelay $0x1  }
0xad: {  	s19 =	spop (v2sf)  }
0xae: {  	s9 =	sadd.s32 s9, s19  }
0xaf: {  	p0 =	slt.s32 s9, $0x200;
	s10 =	smov.u32 s9  }
0xb0: {  	vm4 =	vge.f32 v1, v0;
	s10 =	simm.s32 @!p0 $0x200  }
0xb1: {  	[tilespmem:s10+$0x10700] =	vst.msk vm4, v1;
	v1 =	vmpcnt.ones.xlane vm4  }
0xb2: {  	v2 =	vld [tilespmem:s7+$0x50]  }
0xb3: {  	(v2sf) =	vpush v1, $0x0;
	_ =	sdelay $0x3  }
0xb4: {  	vm5 =	vge.f32 v2, v0  }
0xb5: {  	v1 =	vmpcnt.ones.xlane vm5;
	_ =	sdelay $0x1  }
0xb6: {  	(v2sf) =	vpush v1, $0x0;
	_ =	sdelay $0x7  }
0xb7: {  	s20 =	spop (v2sf)  }
0xb8: {  	s9 =	sadd.s32 s9, s20  }
0xb9: {  	p0 =	slt.s32 s9, $0x200;
	s10 =	smov.u32 s9  }
0xba: {  	s10 =	simm.s32 @!p0 $0x200  }
0xbb: {  	[tilespmem:s10+$0x10700] =	vst.msk vm5, v2  }
0xbc: {  	v1 =	vld [tilespmem:s7+$0x60];
	_ =	sdelay $0x1  }
0xbd: {  	s21 =	spop (v2sf)  }
0xbe: {  	s9 =	sadd.s32 s9, s21  }
0xbf: {  	p0 =	slt.s32 s9, $0x200;
	s10 =	smov.u32 s9  }
0xc0: {  	vm6 =	vge.f32 v1, v0;
	s10 =	simm.s32 @!p0 $0x200  }
0xc1: {  	[tilespmem:s10+$0x10700] =	vst.msk vm6, v1;
	v1 =	vmpcnt.ones.xlane vm6  }
0xc2: {  	v2 =	vld [tilespmem:s7+$0x70]  }
0xc3: {  	(v2sf) =	vpush v1, $0x0;
	_ =	sdelay $0x3  }
0xc4: {  	vm7 =	vge.f32 v2, v0  }
0xc5: {  	v1 =	vmpcnt.ones.xlane vm7;
	_ =	sdelay $0x1  }
0xc6: {  	(v2sf) =	vpush v1, $0x0;
	_ =	sdelay $0x7  }
0xc7: {  	s22 =	spop (v2sf)  }
0xc8: {  	s9 =	sadd.s32 s9, s22  }
0xc9: {  	p0 =	slt.s32 s9, $0x200;
	s10 =	smov.u32 s9  }
0xca: {  	s10 =	simm.s32 @!p0 $0x200  }
0xcb: {  	[tilespmem:s10+$0x10700] =	vst.msk vm7, v2  }
0xcc: {  	v1 =	vld [tilespmem:s7+$0x80];
	_ =	sdelay $0x1  }
0xcd: {  	s23 =	spop (v2sf)  }
0xce: {  	s9 =	sadd.s32 s9, s23  }
0xcf: {  	p0 =	slt.s32 s9, $0x200;
	s10 =	smov.u32 s9  }
0xd0: {  	vm8 =	vge.f32 v1, v0;
	s10 =	simm.s32 @!p0 $0x200  }
0xd1: {  	[tilespmem:s10+$0x10700] =	vst.msk vm8, v1;
	v1 =	vmpcnt.ones.xlane vm8  }
0xd2: {  	v2 =	vld [tilespmem:s7+$0x90]  }
0xd3: {  	(v2sf) =	vpush v1, $0x0;
	_ =	sdelay $0x3  }
0xd4: {  	vm9 =	vge.f32 v2, v0  }
0xd5: {  	v1 =	vmpcnt.ones.xlane vm9;
	_ =	sdelay $0x1  }
0xd6: {  	(v2sf) =	vpush v1, $0x0;
	_ =	sdelay $0x7  }
0xd7: {  	s24 =	spop (v2sf)  }
0xd8: {  	s9 =	sadd.s32 s9, s24  }
0xd9: {  	p0 =	slt.s32 s9, $0x200;
	s10 =	smov.u32 s9  }
0xda: {  	s10 =	simm.s32 @!p0 $0x200  }
0xdb: {  	[tilespmem:s10+$0x10700] =	vst.msk vm9, v2  }
0xdc: {  	v1 =	vld [tilespmem:s7+$0xA0];
	_ =	sdelay $0x1  }
0xdd: {  	s25 =	spop (v2sf)  }
0xde: {  	s9 =	sadd.s32 s9, s25  }
0xdf: {  	p0 =	slt.s32 s9, $0x200;
	s10 =	smov.u32 s9  }
0xe0: {  	vm10 =	vge.f32 v1, v0;
	s10 =	simm.s32 @!p0 $0x200  }
0xe1: {  	[tilespmem:s10+$0x10700] =	vst.msk vm10, v1;
	v1 =	vmpcnt.ones.xlane vm10  }
0xe2: {  	v2 =	vld [tilespmem:s7+$0xB0]  }
0xe3: {  	(v2sf) =	vpush v1, $0x0;
	_ =	sdelay $0x3  }
0xe4: {  	vm11 =	vge.f32 v2, v0  }
0xe5: {  	v1 =	vmpcnt.ones.xlane vm11;
	_ =	sdelay $0x1  }
0xe6: {  	(v2sf) =	vpush v1, $0x0;
	_ =	sdelay $0x7  }
0xe7: {  	s26 =	spop (v2sf)  }
0xe8: {  	s9 =	sadd.s32 s9, s26  }
0xe9: {  	p0 =	slt.s32 s9, $0x200;
	s10 =	smov.u32 s9  }
0xea: {  	s10 =	simm.s32 @!p0 $0x200  }
0xeb: {  	[tilespmem:s10+$0x10700] =	vst.msk vm11, v2  }
0xec: {  	v1 =	vld [tilespmem:s7+$0xC0];
	_ =	sdelay $0x1  }
0xed: {  	s28 =	spop (v2sf)  }
0xee: {  	s9 =	sadd.s32 s9, s28  }
0xef: {  	p0 =	slt.s32 s9, $0x200;
	s10 =	smov.u32 s9  }
0xf0: {  	vm12 =	vge.f32 v1, v0;
	s10 =	simm.s32 @!p0 $0x200  }
0xf1: {  	[tilespmem:s10+$0x10700] =	vst.msk vm12, v1;
	v1 =	vmpcnt.ones.xlane vm12  }
0xf2: {  	v2 =	vld [tilespmem:s7+$0xD0]  }
0xf3: {  	(v2sf) =	vpush v1, $0x0;
	_ =	sdelay $0x3  }
0xf4: {  	vm13 =	vge.f32 v2, v0  }
0xf5: {  	v1 =	vmpcnt.ones.xlane vm13;
	_ =	sdelay $0x1  }
0xf6: {  	(v2sf) =	vpush v1, $0x0;
	_ =	sdelay $0x7  }
0xf7: {  	s29 =	spop (v2sf)  }
0xf8: {  	s9 =	sadd.s32 s9, s29  }
0xf9: {  	p0 =	slt.s32 s9, $0x200;
	s10 =	smov.u32 s9  }
0xfa: {  	s10 =	simm.s32 @!p0 $0x200  }
0xfb: {  	[tilespmem:s10+$0x10700] =	vst.msk vm13, v2  }
0xfc: {  	v1 =	vld [tilespmem:s7+$0xE0];
	_ =	sdelay $0x1  }
0xfd: {  	s30 =	spop (v2sf)  }
0xfe: {  	s9 =	sadd.s32 s9, s30  }
0xff: {  	p0 =	slt.s32 s9, $0x200;
	s10 =	smov.u32 s9  }
0x100: {  	vm14 =	vge.f32 v1, v0;
	s10 =	simm.s32 @!p0 $0x200  }
0x101: {  	[tilespmem:s10+$0x10700] =	vst.msk vm14, v1;
	v2 =	vmpcnt.ones.xlane vm14  }
0x102: {  	v1 =	vld [tilespmem:s7+$0xF0]  }
0x103: {  	(v2sf) =	vpush v2, $0x0;
	_ =	sdelay $0x3  }
0x104: {  	vm15 =	vge.f32 v1, v0  }
0x105: {  	v2 =	vmpcnt.ones.xlane vm15;
	_ =	sdelay $0x1  }
0x106: {  	(v2sf) =	vpush v2, $0x0;
	_ =	sdelay $0x7  }
0x107: {  	s31 =	spop (v2sf)  }
0x108: {  	s9 =	sadd.s32 s9, s31  }
0x109: {  	p1 =	sne.s32 s8, $0x1;
	p0 =	slt.s32 s9, $0x200;
	s7 =	smov.u32 s9  }
.Ltmp7:
0x10a: {  	s7 =	simm.s32 @!p0 $0x200;
	(pc) =	sbr.rel @!p1 .LBB2_12-.Ltmp7, $3  }
0x10b: {  	[tilespmem:s7+$0x10700] =	vst.msk vm15, v1;
	s7 =	simm.s32 $0x10581  }
0x10c: {  	v1 =	vld [tilespmem:s7+$0x0];
	_ =	sdelay $0x1  }
0x10d: {  	s8 =	sadd.s32 $0xFFFFFFFF, s8;
	p0 =	por $0x1, $0x1;
	s10 =	spop (v2sf)  }
.LBB2_11:
0x10e: {  	p1 =	sne.s32 s8, $0x1;
	s8 =	sadd.s32 $0xFFFFFFFF, s8;
	s10 =	sadd.s32 s9, s10  }
0x10f: {  	p2 =	slt.s32 s10, $0x200  }
0x110: {  	(v2sf) =	vpush v1, $0x0;
	_ =	sdelay $0xe  }
0x111: {  	s9 =	spop (v2sf)  }
0x112: {  	s9 =	sshll.u32 s9, $0xA  }
0x113: {  	s9 =	sshra.s32 s9, $0x2  }
0x114: {  	v1 =	vld [tilespmem:s9+$0x0];
	_ =	sdelay $0x3  }
0x115: {  	s11 =	smov.u32 s10  }
0x116: {  	s11 =	simm.s32 @!p2 $0x200;
	vm0 =	vge.f32 v1, v0  }
0x117: {  	[tilespmem:s11+$0x10700] =	vst.msk vm0, v1;
	v1 =	vmpcnt.ones.xlane vm0  }
0x118: {  	v2 =	vld [tilespmem:s9+$0x10]  }
0x119: {  	(v2sf) =	vpush v1, $0x0;
	_ =	sdelay $0x3  }
0x11a: {  	vm0 =	vge.f32 v2, v0  }
0x11b: {  	v1 =	vmpcnt.ones.xlane vm0;
	_ =	sdelay $0x1  }
0x11c: {  	(v2sf) =	vpush v1, $0x0;
	_ =	sdelay $0x7  }
0x11d: {  	s11 =	spop (v2sf)  }
0x11e: {  	s10 =	sadd.s32 s10, s11  }
0x11f: {  	p2 =	slt.s32 s10, $0x200;
	s11 =	smov.u32 s10  }
0x120: {  	s11 =	simm.s32 @!p2 $0x200  }
0x121: {  	[tilespmem:s11+$0x10700] =	vst.msk vm0, v2  }
0x122: {  	v1 =	vld [tilespmem:s9+$0x20];
	_ =	sdelay $0x1  }
0x123: {  	s11 =	spop (v2sf)  }
0x124: {  	s10 =	sadd.s32 s10, s11  }
0x125: {  	p2 =	slt.s32 s10, $0x200;
	s11 =	smov.u32 s10  }
0x126: {  	vm0 =	vge.f32 v1, v0;
	s11 =	simm.s32 @!p2 $0x200  }
0x127: {  	[tilespmem:s11+$0x10700] =	vst.msk vm0, v1;
	v1 =	vmpcnt.ones.xlane vm0  }
0x128: {  	v2 =	vld [tilespmem:s9+$0x30]  }
0x129: {  	(v2sf) =	vpush v1, $0x0;
	_ =	sdelay $0x3  }
0x12a: {  	vm0 =	vge.f32 v2, v0  }
0x12b: {  	v1 =	vmpcnt.ones.xlane vm0;
	_ =	sdelay $0x1  }
0x12c: {  	(v2sf) =	vpush v1, $0x0;
	_ =	sdelay $0x7  }
0x12d: {  	s11 =	spop (v2sf)  }
0x12e: {  	s10 =	sadd.s32 s10, s11  }
0x12f: {  	p2 =	slt.s32 s10, $0x200;
	s11 =	smov.u32 s10  }
0x130: {  	s11 =	simm.s32 @!p2 $0x200  }
0x131: {  	[tilespmem:s11+$0x10700] =	vst.msk vm0, v2  }
0x132: {  	v1 =	vld [tilespmem:s9+$0x40];
	_ =	sdelay $0x1  }
0x133: {  	s11 =	spop (v2sf)  }
0x134: {  	s10 =	sadd.s32 s10, s11  }
0x135: {  	p2 =	slt.s32 s10, $0x200;
	s11 =	smov.u32 s10  }
0x136: {  	vm0 =	vge.f32 v1, v0;
	s11 =	simm.s32 @!p2 $0x200  }
0x137: {  	[tilespmem:s11+$0x10700] =	vst.msk vm0, v1;
	v1 =	vmpcnt.ones.xlane vm0  }
0x138: {  	v2 =	vld [tilespmem:s9+$0x50]  }
0x139: {  	(v2sf) =	vpush v1, $0x0;
	_ =	sdelay $0x3  }
0x13a: {  	vm0 =	vge.f32 v2, v0  }
0x13b: {  	v1 =	vmpcnt.ones.xlane vm0;
	_ =	sdelay $0x1  }
0x13c: {  	(v2sf) =	vpush v1, $0x0;
	_ =	sdelay $0x7  }
0x13d: {  	s11 =	spop (v2sf)  }
0x13e: {  	s10 =	sadd.s32 s10, s11  }
0x13f: {  	p2 =	slt.s32 s10, $0x200;
	s11 =	smov.u32 s10  }
0x140: {  	s11 =	simm.s32 @!p2 $0x200  }
0x141: {  	[tilespmem:s11+$0x10700] =	vst.msk vm0, v2  }
0x142: {  	v1 =	vld [tilespmem:s9+$0x60];
	_ =	sdelay $0x1  }
0x143: {  	s11 =	spop (v2sf)  }
0x144: {  	s10 =	sadd.s32 s10, s11  }
0x145: {  	p2 =	slt.s32 s10, $0x200;
	s11 =	smov.u32 s10  }
0x146: {  	vm0 =	vge.f32 v1, v0;
	s11 =	simm.s32 @!p2 $0x200  }
0x147: {  	[tilespmem:s11+$0x10700] =	vst.msk vm0, v1;
	v1 =	vmpcnt.ones.xlane vm0  }
0x148: {  	v2 =	vld [tilespmem:s9+$0x70]  }
0x149: {  	(v2sf) =	vpush v1, $0x0;
	_ =	sdelay $0x3  }
0x14a: {  	vm0 =	vge.f32 v2, v0  }
0x14b: {  	v1 =	vmpcnt.ones.xlane vm0;
	_ =	sdelay $0x1  }
0x14c: {  	(v2sf) =	vpush v1, $0x0;
	_ =	sdelay $0x7  }
0x14d: {  	s11 =	spop (v2sf)  }
0x14e: {  	s10 =	sadd.s32 s10, s11  }
0x14f: {  	p2 =	slt.s32 s10, $0x200;
	s11 =	smov.u32 s10  }
0x150: {  	s11 =	simm.s32 @!p2 $0x200  }
0x151: {  	[tilespmem:s11+$0x10700] =	vst.msk vm0, v2  }
0x152: {  	v1 =	vld [tilespmem:s9+$0x80];
	_ =	sdelay $0x1  }
0x153: {  	s11 =	spop (v2sf)  }
0x154: {  	s10 =	sadd.s32 s10, s11  }
0x155: {  	p2 =	slt.s32 s10, $0x200;
	s11 =	smov.u32 s10  }
0x156: {  	vm0 =	vge.f32 v1, v0;
	s11 =	simm.s32 @!p2 $0x200  }
0x157: {  	[tilespmem:s11+$0x10700] =	vst.msk vm0, v1;
	v1 =	vmpcnt.ones.xlane vm0  }
0x158: {  	v2 =	vld [tilespmem:s9+$0x90]  }
0x159: {  	(v2sf) =	vpush v1, $0x0;
	_ =	sdelay $0x3  }
0x15a: {  	vm0 =	vge.f32 v2, v0  }
0x15b: {  	v1 =	vmpcnt.ones.xlane vm0;
	_ =	sdelay $0x1  }
0x15c: {  	(v2sf) =	vpush v1, $0x0;
	_ =	sdelay $0x7  }
0x15d: {  	s11 =	spop (v2sf)  }
0x15e: {  	s10 =	sadd.s32 s10, s11  }
0x15f: {  	p2 =	slt.s32 s10, $0x200;
	s11 =	smov.u32 s10  }
0x160: {  	s11 =	simm.s32 @!p2 $0x200  }
0x161: {  	[tilespmem:s11+$0x10700] =	vst.msk vm0, v2  }
0x162: {  	v1 =	vld [tilespmem:s9+$0xA0];
	_ =	sdelay $0x1  }
0x163: {  	s11 =	spop (v2sf)  }
0x164: {  	s10 =	sadd.s32 s10, s11  }
0x165: {  	p2 =	slt.s32 s10, $0x200;
	s11 =	smov.u32 s10  }
0x166: {  	vm0 =	vge.f32 v1, v0;
	s11 =	simm.s32 @!p2 $0x200  }
0x167: {  	[tilespmem:s11+$0x10700] =	vst.msk vm0, v1;
	v1 =	vmpcnt.ones.xlane vm0  }
0x168: {  	v2 =	vld [tilespmem:s9+$0xB0]  }
0x169: {  	(v2sf) =	vpush v1, $0x0;
	_ =	sdelay $0x3  }
0x16a: {  	vm0 =	vge.f32 v2, v0  }
0x16b: {  	v1 =	vmpcnt.ones.xlane vm0;
	_ =	sdelay $0x1  }
0x16c: {  	(v2sf) =	vpush v1, $0x0;
	_ =	sdelay $0x7  }
0x16d: {  	s11 =	spop (v2sf)  }
0x16e: {  	s10 =	sadd.s32 s10, s11  }
0x16f: {  	p2 =	slt.s32 s10, $0x200;
	s11 =	smov.u32 s10  }
0x170: {  	s11 =	simm.s32 @!p2 $0x200  }
0x171: {  	[tilespmem:s11+$0x10700] =	vst.msk vm0, v2  }
0x172: {  	v1 =	vld [tilespmem:s9+$0xC0];
	_ =	sdelay $0x1  }
0x173: {  	s11 =	spop (v2sf)  }
0x174: {  	s10 =	sadd.s32 s10, s11  }
0x175: {  	p2 =	slt.s32 s10, $0x200;
	s11 =	smov.u32 s10  }
0x176: {  	vm0 =	vge.f32 v1, v0;
	s11 =	simm.s32 @!p2 $0x200  }
0x177: {  	[tilespmem:s11+$0x10700] =	vst.msk vm0, v1;
	v1 =	vmpcnt.ones.xlane vm0  }
0x178: {  	v2 =	vld [tilespmem:s9+$0xD0]  }
0x179: {  	(v2sf) =	vpush v1, $0x0;
	_ =	sdelay $0x3  }
0x17a: {  	vm0 =	vge.f32 v2, v0  }
0x17b: {  	v1 =	vmpcnt.ones.xlane vm0;
	_ =	sdelay $0x1  }
0x17c: {  	(v2sf) =	vpush v1, $0x0;
	_ =	sdelay $0x7  }
0x17d: {  	s11 =	spop (v2sf)  }
0x17e: {  	s10 =	sadd.s32 s10, s11  }
0x17f: {  	p2 =	slt.s32 s10, $0x200;
	s11 =	smov.u32 s10  }
0x180: {  	s11 =	simm.s32 @!p2 $0x200  }
0x181: {  	[tilespmem:s11+$0x10700] =	vst.msk vm0, v2  }
0x182: {  	v1 =	vld [tilespmem:s9+$0xE0];
	_ =	sdelay $0x1  }
0x183: {  	s11 =	spop (v2sf)  }
0x184: {  	s10 =	sadd.s32 s10, s11  }
0x185: {  	p2 =	slt.s32 s10, $0x200;
	s11 =	smov.u32 s10  }
0x186: {  	vm0 =	vge.f32 v1, v0;
	s11 =	simm.s32 @!p2 $0x200  }
0x187: {  	[tilespmem:s11+$0x10700] =	vst.msk vm0, v1;
	v1 =	vmpcnt.ones.xlane vm0  }
0x188: {  	v2 =	vld [tilespmem:s9+$0xF0]  }
0x189: {  	(v2sf) =	vpush v1, $0x0;
	_ =	sdelay $0x3  }
0x18a: {  	vm0 =	vge.f32 v2, v0  }
0x18b: {  	v1 =	vmpcnt.ones.xlane vm0;
	_ =	sdelay $0x1  }
0x18c: {  	(v2sf) =	vpush v1, $0x0;
	_ =	sdelay $0x7  }
0x18d: {  	s9 =	spop (v2sf)  }
0x18e: {  	s9 =	sadd.s32 s10, s9  }
0x18f: {  	p2 =	slt.s32 s9, $0x200;
	s10 =	smov.u32 s9  }
.Ltmp8:
0x190: {  	s10 =	simm.s32 @!p2 $0x200;
	(pc) =	sbr.rel @p1 .LBB2_11-.Ltmp8, $3  }
0x191: {  	s7 =	sadd.s32 $0x1, s7;
	[tilespmem:s10+$0x10700] =	vst.msk vm0, v2  }
0x192: {  	v1 =	vld [tilespmem:s7+$0x0];
	_ =	sdelay $0x1  }
0x193: {  	s10 =	spop (v2sf)  }
.LBB2_12:
0x194: {  	_ =	sdelay $0x1  }
0x195: {  	(v2sf) =	vpush v1, $0x0;
	_ =	sdelay $0xe  }
0x196: {  	s7 =	spop (v2sf)  }
0x197: {  	s7 =	sshll.u32 s7, $0xA  }
0x198: {  	s7 =	sshra.s32 s7, $0x2  }
0x199: {  	v41 =	vld [tilespmem:s7+$0x0];
	_ =	sdelay $0x1  }
0x19a: {  	s8 =	sadd.s32 @p0 s9, s10  }
0x19b: {  	s6 =	smov.u32 @p0 s8  }
0x19c: {  	p0 =	slt.s32 s6, $0x200;
	s8 =	smov.u32 s6  }
0x19d: {  	s8 =	simm.s32 @!p0 $0x200;
	vm0 =	vge.f32 v41, v0  }
0x19e: {  	[tilespmem:s8+$0x10700] =	vst.msk vm0, v41;
	v42 =	vmpcnt.ones.xlane vm0  }
0x19f: {  	v2 =	vld [tilespmem:s7+$0x10]  }
0x1a0: {  	(v2sf) =	vpush v42, $0x0;
	_ =	sdelay $0x3  }
0x1a1: {  	vm13 =	vge.f32 v2, v0  }
0x1a2: {  	v43 =	vmpcnt.ones.xlane vm13;
	_ =	sdelay $0x1  }
0x1a3: {  	(v2sf) =	vpush v43, $0x0;
	_ =	sdelay $0x7  }
0x1a4: {  	s15 =	spop (v2sf)  }
0x1a5: {  	s6 =	sadd.s32 s6, s15  }
0x1a6: {  	p0 =	slt.s32 s6, $0x200;
	s8 =	smov.u32 s6  }
0x1a7: {  	s8 =	simm.s32 @!p0 $0x200  }
0x1a8: {  	[tilespmem:s8+$0x10700] =	vst.msk vm13, v2  }
0x1a9: {  	v44 =	vld [tilespmem:s7+$0x20];
	_ =	sdelay $0x1  }
0x1aa: {  	s16 =	spop (v2sf)  }
0x1ab: {  	s6 =	sadd.s32 s6, s16  }
0x1ac: {  	p0 =	slt.s32 s6, $0x200;
	s8 =	smov.u32 s6  }
0x1ad: {  	vm14 =	vge.f32 v44, v0;
	s8 =	simm.s32 @!p0 $0x200  }
0x1ae: {  	[tilespmem:s8+$0x10700] =	vst.msk vm14, v44;
	v45 =	vmpcnt.ones.xlane vm14  }
0x1af: {  	v2 =	vld [tilespmem:s7+$0x30]  }
0x1b0: {  	(v2sf) =	vpush v45, $0x0;
	_ =	sdelay $0x3  }
0x1b1: {  	vm15 =	vge.f32 v2, v0  }
0x1b2: {  	v46 =	vmpcnt.ones.xlane vm15;
	_ =	sdelay $0x1  }
0x1b3: {  	(v2sf) =	vpush v46, $0x0;
	_ =	sdelay $0x7  }
0x1b4: {  	s17 =	spop (v2sf)  }
0x1b5: {  	s6 =	sadd.s32 s6, s17  }
0x1b6: {  	p0 =	slt.s32 s6, $0x200;
	s8 =	smov.u32 s6  }
0x1b7: {  	s8 =	simm.s32 @!p0 $0x200  }
0x1b8: {  	[tilespmem:s8+$0x10700] =	vst.msk vm15, v2  }
0x1b9: {  	v47 =	vld [tilespmem:s7+$0x40];
	_ =	sdelay $0x1  }
0x1ba: {  	s18 =	spop (v2sf)  }
0x1bb: {  	s6 =	sadd.s32 s6, s18  }
0x1bc: {  	p0 =	slt.s32 s6, $0x200;
	s8 =	smov.u32 s6  }
0x1bd: {  	vm4 =	vge.f32 v47, v0;
	s8 =	simm.s32 @!p0 $0x200  }
0x1be: {  	[tilespmem:s8+$0x10700] =	vst.msk vm4, v47;
	v48 =	vmpcnt.ones.xlane vm4  }
0x1bf: {  	v2 =	vld [tilespmem:s7+$0x50]  }
0x1c0: {  	(v2sf) =	vpush v48, $0x0;
	_ =	sdelay $0x3  }
0x1c1: {  	vm5 =	vge.f32 v2, v0  }
0x1c2: {  	v49 =	vmpcnt.ones.xlane vm5;
	_ =	sdelay $0x1  }
0x1c3: {  	(v2sf) =	vpush v49, $0x0;
	_ =	sdelay $0x7  }
0x1c4: {  	s19 =	spop (v2sf)  }
0x1c5: {  	s6 =	sadd.s32 s6, s19  }
0x1c6: {  	p0 =	slt.s32 s6, $0x200;
	s8 =	smov.u32 s6  }
0x1c7: {  	s8 =	simm.s32 @!p0 $0x200  }
0x1c8: {  	[tilespmem:s8+$0x10700] =	vst.msk vm5, v2  }
0x1c9: {  	v50 =	vld [tilespmem:s7+$0x60];
	_ =	sdelay $0x1  }
0x1ca: {  	s20 =	spop (v2sf)  }
0x1cb: {  	s6 =	sadd.s32 s6, s20  }
0x1cc: {  	p0 =	slt.s32 s6, $0x200;
	s8 =	smov.u32 s6  }
0x1cd: {  	vm6 =	vge.f32 v50, v0;
	s8 =	simm.s32 @!p0 $0x200  }
0x1ce: {  	[tilespmem:s8+$0x10700] =	vst.msk vm6, v50;
	v51 =	vmpcnt.ones.xlane vm6  }
0x1cf: {  	v2 =	vld [tilespmem:s7+$0x70]  }
0x1d0: {  	(v2sf) =	vpush v51, $0x0;
	_ =	sdelay $0x3  }
0x1d1: {  	vm7 =	vge.f32 v2, v0  }
0x1d2: {  	v52 =	vmpcnt.ones.xlane vm7;
	_ =	sdelay $0x1  }
0x1d3: {  	(v2sf) =	vpush v52, $0x0;
	_ =	sdelay $0x7  }
0x1d4: {  	s21 =	spop (v2sf)  }
0x1d5: {  	s6 =	sadd.s32 s6, s21  }
0x1d6: {  	p0 =	slt.s32 s6, $0x200;
	s8 =	smov.u32 s6  }
0x1d7: {  	s8 =	simm.s32 @!p0 $0x200  }
0x1d8: {  	[tilespmem:s8+$0x10700] =	vst.msk vm7, v2  }
0x1d9: {  	v53 =	vld [tilespmem:s7+$0x80];
	_ =	sdelay $0x1  }
0x1da: {  	s22 =	spop (v2sf)  }
0x1db: {  	s6 =	sadd.s32 s6, s22  }
0x1dc: {  	p0 =	slt.s32 s6, $0x200;
	s8 =	smov.u32 s6  }
0x1dd: {  	vm8 =	vge.f32 v53, v0;
	s8 =	simm.s32 @!p0 $0x200  }
0x1de: {  	[tilespmem:s8+$0x10700] =	vst.msk vm8, v53;
	v54 =	vmpcnt.ones.xlane vm8  }
0x1df: {  	v2 =	vld [tilespmem:s7+$0x90]  }
0x1e0: {  	(v2sf) =	vpush v54, $0x0;
	_ =	sdelay $0x3  }
0x1e1: {  	vm9 =	vge.f32 v2, v0  }
0x1e2: {  	v55 =	vmpcnt.ones.xlane vm9;
	_ =	sdelay $0x1  }
0x1e3: {  	(v2sf) =	vpush v55, $0x0;
	_ =	sdelay $0x7  }
0x1e4: {  	s23 =	spop (v2sf)  }
0x1e5: {  	s6 =	sadd.s32 s6, s23  }
0x1e6: {  	p0 =	slt.s32 s6, $0x200;
	s8 =	smov.u32 s6  }
0x1e7: {  	s8 =	simm.s32 @!p0 $0x200  }
0x1e8: {  	[tilespmem:s8+$0x10700] =	vst.msk vm9, v2  }
0x1e9: {  	v56 =	vld [tilespmem:s7+$0xA0];
	_ =	sdelay $0x1  }
0x1ea: {  	s24 =	spop (v2sf)  }
0x1eb: {  	s6 =	sadd.s32 s6, s24  }
0x1ec: {  	p0 =	slt.s32 s6, $0x200;
	s8 =	smov.u32 s6  }
0x1ed: {  	vm10 =	vge.f32 v56, v0;
	s8 =	simm.s32 @!p0 $0x200  }
0x1ee: {  	[tilespmem:s8+$0x10700] =	vst.msk vm10, v56;
	v57 =	vmpcnt.ones.xlane vm10  }
0x1ef: {  	v2 =	vld [tilespmem:s7+$0xB0]  }
0x1f0: {  	(v2sf) =	vpush v57, $0x0;
	_ =	sdelay $0x3  }
0x1f1: {  	vm11 =	vge.f32 v2, v0  }
0x1f2: {  	v58 =	vmpcnt.ones.xlane vm11;
	_ =	sdelay $0x1  }
0x1f3: {  	(v2sf) =	vpush v58, $0x0;
	_ =	sdelay $0x7  }
0x1f4: {  	s25 =	spop (v2sf)  }
0x1f5: {  	s6 =	sadd.s32 s6, s25  }
0x1f6: {  	p0 =	slt.s32 s6, $0x200;
	s8 =	smov.u32 s6  }
0x1f7: {  	s8 =	simm.s32 @!p0 $0x200  }
0x1f8: {  	[tilespmem:s8+$0x10700] =	vst.msk vm11, v2  }
0x1f9: {  	v59 =	vld [tilespmem:s7+$0xC0];
	_ =	sdelay $0x1  }
0x1fa: {  	s26 =	spop (v2sf)  }
0x1fb: {  	s6 =	sadd.s32 s6, s26  }
0x1fc: {  	p0 =	slt.s32 s6, $0x200;
	s8 =	smov.u32 s6  }
0x1fd: {  	vm12 =	vge.f32 v59, v0;
	s8 =	simm.s32 @!p0 $0x200  }
0x1fe: {  	[tilespmem:s8+$0x10700] =	vst.msk vm12, v59;
	v60 =	vmpcnt.ones.xlane vm12  }
0x1ff: {  	v2 =	vld [tilespmem:s7+$0xD0]  }
0x200: {  	(v2sf) =	vpush v60, $0x0;
	_ =	sdelay $0x3  }
0x201: {  	vm13 =	vge.f32 v2, v0  }
0x202: {  	v61 =	vmpcnt.ones.xlane vm13;
	_ =	sdelay $0x1  }
0x203: {  	(v2sf) =	vpush v61, $0x0;
	_ =	sdelay $0x7  }
0x204: {  	s28 =	spop (v2sf)  }
0x205: {  	s6 =	sadd.s32 s6, s28  }
0x206: {  	p0 =	slt.s32 s6, $0x200;
	s8 =	smov.u32 s6  }
0x207: {  	s8 =	simm.s32 @!p0 $0x200  }
0x208: {  	[tilespmem:s8+$0x10700] =	vst.msk vm13, v2  }
0x209: {  	v62 =	vld [tilespmem:s7+$0xE0];
	_ =	sdelay $0x1  }
0x20a: {  	s29 =	spop (v2sf)  }
0x20b: {  	s6 =	sadd.s32 s6, s29  }
0x20c: {  	p0 =	slt.s32 s6, $0x200;
	s8 =	smov.u32 s6  }
0x20d: {  	vm14 =	vge.f32 v62, v0;
	s8 =	simm.s32 @!p0 $0x200  }
0x20e: {  	[tilespmem:s8+$0x10700] =	vst.msk vm14, v62  }
0x20f: {  	v1 =	vld [tilespmem:s7+$0xF0];
	_ =	sdelay $0x1  }
0x210: {  	v63 =	vmpcnt.ones.xlane vm14;
	_ =	sdelay $0x1  }
0x211: {  	(v2sf) =	vpush v63, $0x0  }
0x212: {  	vm15 =	vge.f32 v1, v0  }
0x213: {  	v0 =	vmpcnt.ones.xlane vm15;
	_ =	sdelay $0x1  }
0x214: {  	(v2sf) =	vpush v0, $0x0;
	_ =	sdelay $0xa  }
0x215: {  	s30 =	spop (v2sf)  }
0x216: {  	s6 =	sadd.s32 s6, s30  }
0x217: {  	p0 =	slt.s32 s6, $0x200  }
0x218: {  	s6 =	simm.s32 @!p0 $0x200  }
0x219: {  	[tilespmem:s6+$0x10700] =	vst.msk vm15, v1;
	s31 =	spop (v2sf)  }
.LBB2_13:
0x21a: {  	_ =	strace $0x9000004A;
	s6 =	simm.s32 $0x80;
	s7 =	simm.s32 $0x400  }
0x21b: {  	s8 =	simm.s32 $0x10700;
	s30 =	simm.s32 $0x1;
	_ =	strace $0x8000004B  }
0x21c: {  	[spmem:s5] =	stream.strided.scatter [tilespmem:s8], [sflag:$0x1], $0x200, s7, s6, $0x200038;
	[tilespmem:$0x14C00] =	vst v63  }
0x21d: {  	_ =	swait.ge [sflag:s30], $0x200  }
0x21e: {  	[sflag:s30] =	ssyncset.done $0x0  }
0x21f: {  	[sflag:s30] =	ssyncadd.s32 $0xFFFFFE00  }
0x220: {  	s31 =	simm.s32 $0x10980;
	[bflag:$0x0] =	sbarrier.arrive $0xFFFF  }
0x221: {  	[tilespmem:s31], [sflag:$0x1] =	stream.linear.gather [spmem:s4], $0x2000, $0x200038;
	[tilespmem:$0x14C00] =	vst v63  }
0x222: {  	_ =	swait.ge [sflag:s30], $0x2000  }
0x223: {  	[sflag:s30] =	ssyncset.done $0x0  }
0x224: {  	s5 =	simm.s32 $0x0;
	s6 =	simm.s32 $0x0;
	[sflag:s30] =	ssyncadd.s32 $0xFFFFE000  }
0x225: {  	v0 =	vimm.f32 $-Inf;
	s7 =	simm.s32 $0x0;
	s4 =	simm.s32 $0x0;
	_ =	strace $0x9000004B  }
.LBB2_14:
0x226: {  	s8 =	sand.u32 $0x70, s5;
	s9 =	sand.u32 $0xC00, s6  }
0x227: {  	s8 =	sor.u32 s8, s9  }
0x228: {  	v1 =	vld [tilespmem:s8+$0x10980];
	_ =	sdelay $0x4  }
0x229: {  	vm0 =	vlt.f32 v1, $-Inf;
	vm1 =	vgt.f32 v1, $-Inf  }
0x22a: {  	vm0 =	vmor vm1, vm0  }
0x22b: {  	v2 =	vmpcnt.ones.xlane vm0;
	_ =	sdelay $0x1  }
0x22c: {  	(v2sf) =	vpush v2, $0x0;
	_ =	sdelay $0xe  }
0x22d: {  	p0 =	sgt.u32 s7, $0x1E;
	s8 =	spop (v2sf)  }
0x22e: {  	p1 =	sgt.s32 @!p0 s8, $0x0  }
0x22f: {  	p1 =	por p0, !p1  }
.Ltmp9:
0x230: {  	_ = 	snop;
	(pc) =	sbr.rel @!p1 .LBB2_14-.Ltmp9, $2  }
0x231: {  	_ =	sdelay $0x2  }
0x232: {  	s7 =	sadd.s32 $0x1, s7;
	s6 =	sadd.s32 $0x80, s6;
	s5 =	sadd.s32 $0x10, s5;
	v0 =	vmax.f32 v0, v1  }
0x233: {  	s6 =	simm.s32 $0x0;
	s7 =	simm.s32 $0x0;
	s4 =	simm.s32 @p0 $0x0  }
0x234: {  	v0 =	vpsel p0, v0, v0;
	s5 =	simm.s32 $0x0;
	s6 =	simm.s32 @p0 $0x0;
	s7 =	simm.s32 @p0 $0x0  }
.LBB2_16:
0x235: {  	s8 =	sand.u32 $0x70, s6;
	s9 =	sand.u32 $0xC00, s7  }
0x236: {  	s8 =	sor.u32 s8, s9  }
0x237: {  	v1 =	vld [tilespmem:s8+$0x10A00];
	_ =	sdelay $0x4  }
0x238: {  	vm0 =	vlt.f32 v1, $-Inf;
	vm1 =	vgt.f32 v1, $-Inf  }
0x239: {  	vm0 =	vmor vm1, vm0  }
0x23a: {  	v2 =	vmpcnt.ones.xlane vm0;
	_ =	sdelay $0x1  }
0x23b: {  	(v2sf) =	vpush v2, $0x0;
	_ =	sdelay $0xe  }
0x23c: {  	p0 =	sgt.u32 s4, $0x1E;
	s8 =	spop (v2sf)  }
0x23d: {  	p1 =	sgt.s32 @!p0 s8, $0x0  }
0x23e: {  	p1 =	por p0, !p1  }
.Ltmp10:
0x23f: {  	_ = 	snop;
	(pc) =	sbr.rel @!p1 .LBB2_16-.Ltmp10, $2  }
0x240: {  	_ =	sdelay $0x2  }
0x241: {  	s4 =	sadd.s32 $0x1, s4;
	s7 =	sadd.s32 $0x80, s7;
	s6 =	sadd.s32 $0x10, s6;
	v0 =	vmax.f32 v0, v1  }
0x242: {  	s6 =	simm.s32 $0x0;
	s7 =	simm.s32 $0x0;
	s5 =	simm.s32 @p0 $0x0  }
0x243: {  	v0 =	vpsel p0, v0, v0;
	s4 =	simm.s32 $0x0;
	s6 =	simm.s32 @p0 $0x0;
	s7 =	simm.s32 @p0 $0x0  }
.LBB2_18:
0x244: {  	s8 =	sand.u32 $0x70, s6;
	s9 =	sand.u32 $0xC00, s7  }
0x245: {  	s8 =	sor.u32 s8, s9  }
0x246: {  	v1 =	vld [tilespmem:s8+$0x10A80];
	_ =	sdelay $0x4  }
0x247: {  	vm0 =	vlt.f32 v1, $-Inf;
	vm1 =	vgt.f32 v1, $-Inf  }
0x248: {  	vm0 =	vmor vm1, vm0  }
0x249: {  	v2 =	vmpcnt.ones.xlane vm0;
	_ =	sdelay $0x1  }
0x24a: {  	(v2sf) =	vpush v2, $0x0;
	_ =	sdelay $0xe  }
0x24b: {  	p0 =	sgt.u32 s5, $0x1E;
	s8 =	spop (v2sf)  }
0x24c: {  	p1 =	sgt.s32 @!p0 s8, $0x0  }
0x24d: {  	p1 =	por p0, !p1  }
.Ltmp11:
0x24e: {  	_ = 	snop;
	(pc) =	sbr.rel @!p1 .LBB2_18-.Ltmp11, $2  }
0x24f: {  	_ =	sdelay $0x2  }
0x250: {  	s5 =	sadd.s32 $0x1, s5;
	s7 =	sadd.s32 $0x80, s7;
	s6 =	sadd.s32 $0x10, s6;
	v0 =	vmax.f32 v0, v1  }
0x251: {  	s6 =	simm.s32 $0x0;
	s7 =	simm.s32 $0x0;
	s4 =	simm.s32 @p0 $0x0  }
0x252: {  	v0 =	vpsel p0, v0, v0;
	s5 =	simm.s32 $0x0;
	s6 =	simm.s32 @p0 $0x0;
	s7 =	simm.s32 @p0 $0x0  }
.LBB2_20:
0x253: {  	s8 =	sand.u32 $0x70, s6;
	s9 =	sand.u32 $0xC00, s7  }
0x254: {  	s8 =	sor.u32 s8, s9  }
0x255: {  	v1 =	vld [tilespmem:s8+$0x10B00];
	_ =	sdelay $0x4  }
0x256: {  	vm0 =	vlt.f32 v1, $-Inf;
	vm1 =	vgt.f32 v1, $-Inf  }
0x257: {  	vm0 =	vmor vm1, vm0  }
0x258: {  	v2 =	vmpcnt.ones.xlane vm0;
	_ =	sdelay $0x1  }
0x259: {  	(v2sf) =	vpush v2, $0x0;
	_ =	sdelay $0xe  }
0x25a: {  	p0 =	sgt.u32 s4, $0x1E;
	s8 =	spop (v2sf)  }
0x25b: {  	p1 =	sgt.s32 @!p0 s8, $0x0  }
0x25c: {  	p1 =	por p0, !p1  }
.Ltmp12:
0x25d: {  	_ = 	snop;
	(pc) =	sbr.rel @!p1 .LBB2_20-.Ltmp12, $2  }
0x25e: {  	_ =	sdelay $0x2  }
0x25f: {  	s4 =	sadd.s32 $0x1, s4;
	s7 =	sadd.s32 $0x80, s7;
	s6 =	sadd.s32 $0x10, s6;
	v0 =	vmax.f32 v0, v1  }
0x260: {  	s6 =	simm.s32 $0x0;
	s7 =	simm.s32 $0x0;
	s5 =	simm.s32 @p0 $0x0  }
0x261: {  	v0 =	vpsel p0, v0, v0;
	s4 =	simm.s32 $0x0;
	s6 =	simm.s32 @p0 $0x0;
	s7 =	simm.s32 @p0 $0x0  }
.LBB2_22:
0x262: {  	s8 =	sand.u32 $0x70, s6;
	s9 =	sand.u32 $0xC00, s7  }
0x263: {  	s8 =	sor.u32 s8, s9  }
0x264: {  	v1 =	vld [tilespmem:s8+$0x10B80];
	_ =	sdelay $0x4  }
0x265: {  	vm0 =	vlt.f32 v1, $-Inf;
	vm1 =	vgt.f32 v1, $-Inf  }
0x266: {  	vm0 =	vmor vm1, vm0  }
0x267: {  	v2 =	vmpcnt.ones.xlane vm0;
	_ =	sdelay $0x1  }
0x268: {  	(v2sf) =	vpush v2, $0x0;
	_ =	sdelay $0xe  }
0x269: {  	p0 =	sgt.u32 s5, $0x1E;
	s8 =	spop (v2sf)  }
0x26a: {  	p1 =	sgt.s32 @!p0 s8, $0x0  }
0x26b: {  	p1 =	por p0, !p1  }
.Ltmp13:
0x26c: {  	_ = 	snop;
	(pc) =	sbr.rel @!p1 .LBB2_22-.Ltmp13, $2  }
0x26d: {  	_ =	sdelay $0x2  }
0x26e: {  	s5 =	sadd.s32 $0x1, s5;
	s7 =	sadd.s32 $0x80, s7;
	s6 =	sadd.s32 $0x10, s6;
	v0 =	vmax.f32 v0, v1  }
0x26f: {  	s6 =	simm.s32 $0x0;
	s7 =	simm.s32 $0x0;
	s4 =	simm.s32 @p0 $0x0  }
0x270: {  	v0 =	vpsel p0, v0, v0;
	s5 =	simm.s32 $0x0;
	s6 =	simm.s32 @p0 $0x0;
	s7 =	simm.s32 @p0 $0x0  }
.LBB2_24:
0x271: {  	s8 =	sand.u32 $0x70, s6;
	s9 =	sand.u32 $0xC00, s7  }
0x272: {  	s8 =	sor.u32 s8, s9  }
0x273: {  	v1 =	vld [tilespmem:s8+$0x10C00];
	_ =	sdelay $0x4  }
0x274: {  	vm0 =	vlt.f32 v1, $-Inf;
	vm1 =	vgt.f32 v1, $-Inf  }
0x275: {  	vm0 =	vmor vm1, vm0  }
0x276: {  	v2 =	vmpcnt.ones.xlane vm0;
	_ =	sdelay $0x1  }
0x277: {  	(v2sf) =	vpush v2, $0x0;
	_ =	sdelay $0xe  }
0x278: {  	p0 =	sgt.u32 s4, $0x1E;
	s8 =	spop (v2sf)  }
0x279: {  	p1 =	sgt.s32 @!p0 s8, $0x0  }
0x27a: {  	p1 =	por p0, !p1  }
.Ltmp14:
0x27b: {  	_ = 	snop;
	(pc) =	sbr.rel @!p1 .LBB2_24-.Ltmp14, $2  }
0x27c: {  	_ =	sdelay $0x2  }
0x27d: {  	s4 =	sadd.s32 $0x1, s4;
	s7 =	sadd.s32 $0x80, s7;
	s6 =	sadd.s32 $0x10, s6;
	v0 =	vmax.f32 v0, v1  }
0x27e: {  	s6 =	simm.s32 $0x0;
	s7 =	simm.s32 $0x0;
	s5 =	simm.s32 @p0 $0x0  }
0x27f: {  	v0 =	vpsel p0, v0, v0;
	s4 =	simm.s32 $0x0;
	s6 =	simm.s32 @p0 $0x0;
	s7 =	simm.s32 @p0 $0x0  }
.LBB2_26:
0x280: {  	s8 =	sand.u32 $0x70, s6;
	s9 =	sand.u32 $0xC00, s7  }
0x281: {  	s8 =	sor.u32 s8, s9  }
0x282: {  	v1 =	vld [tilespmem:s8+$0x10C80];
	_ =	sdelay $0x4  }
0x283: {  	vm0 =	vlt.f32 v1, $-Inf;
	vm1 =	vgt.f32 v1, $-Inf  }
0x284: {  	vm0 =	vmor vm1, vm0  }
0x285: {  	v2 =	vmpcnt.ones.xlane vm0;
	_ =	sdelay $0x1  }
0x286: {  	(v2sf) =	vpush v2, $0x0;
	_ =	sdelay $0xe  }
0x287: {  	p0 =	sgt.u32 s5, $0x1E;
	s8 =	spop (v2sf)  }
0x288: {  	p1 =	sgt.s32 @!p0 s8, $0x0  }
0x289: {  	p1 =	por p0, !p1  }
.Ltmp15:
0x28a: {  	_ = 	snop;
	(pc) =	sbr.rel @!p1 .LBB2_26-.Ltmp15, $2  }
0x28b: {  	_ =	sdelay $0x2  }
0x28c: {  	s5 =	sadd.s32 $0x1, s5;
	s7 =	sadd.s32 $0x80, s7;
	s6 =	sadd.s32 $0x10, s6;
	v0 =	vmax.f32 v0, v1  }
0x28d: {  	s6 =	simm.s32 $0x0;
	s7 =	simm.s32 $0x0;
	s4 =	simm.s32 @p0 $0x0  }
0x28e: {  	v0 =	vpsel p0, v0, v0;
	s5 =	simm.s32 $0x0;
	s6 =	simm.s32 @p0 $0x0;
	s7 =	simm.s32 @p0 $0x0  }
.LBB2_28:
0x28f: {  	s8 =	sor.u32 s7, s6  }
0x290: {  	s8 =	sor.u32 $0x380, s8  }
0x291: {  	v1 =	vld [tilespmem:s8+$0x10980];
	_ =	sdelay $0x4  }
0x292: {  	vm0 =	vlt.f32 v1, $-Inf;
	vm1 =	vgt.f32 v1, $-Inf  }
0x293: {  	vm0 =	vmor vm1, vm0  }
0x294: {  	v2 =	vmpcnt.ones.xlane vm0;
	_ =	sdelay $0x1  }
0x295: {  	(v2sf) =	vpush v2, $0x0;
	_ =	sdelay $0xe  }
0x296: {  	p0 =	sgt.u32 s4, $0x1E;
	s8 =	spop (v2sf)  }
0x297: {  	p1 =	sgt.s32 @!p0 s8, $0x0  }
0x298: {  	p1 =	por p0, !p1  }
.Ltmp16:
0x299: {  	_ = 	snop;
	(pc) =	sbr.rel @!p1 .LBB2_28-.Ltmp16, $2  }
0x29a: {  	_ =	sdelay $0x2  }
0x29b: {  	s4 =	sadd.s32 $0x1, s4;
	s7 =	sadd.s32 $0x80, s7;
	s6 =	sadd.s32 $0x10, s6;
	v0 =	vmax.f32 v0, v1  }
0x29c: {  	s6 =	simm.s32 $0x0;
	s7 =	simm.s32 $0x0;
	s5 =	simm.s32 @p0 $0x0  }
0x29d: {  	v0 =	vpsel p0, v0, v0;
	s4 =	simm.s32 $0x0;
	s6 =	simm.s32 @p0 $0x0;
	s7 =	simm.s32 @p0 $0x0  }
.LBB2_30:
0x29e: {  	s8 =	sand.u32 $0x70, s6;
	s9 =	sand.u32 $0xC00, s7  }
0x29f: {  	s8 =	sor.u32 s8, s9  }
0x2a0: {  	v1 =	vld [tilespmem:s8+$0x11980];
	_ =	sdelay $0x4  }
0x2a1: {  	vm0 =	vlt.f32 v1, $-Inf;
	vm1 =	vgt.f32 v1, $-Inf  }
0x2a2: {  	vm0 =	vmor vm1, vm0  }
0x2a3: {  	v2 =	vmpcnt.ones.xlane vm0;
	_ =	sdelay $0x1  }
0x2a4: {  	(v2sf) =	vpush v2, $0x0;
	_ =	sdelay $0xe  }
0x2a5: {  	p0 =	sgt.u32 s5, $0x1E;
	s8 =	spop (v2sf)  }
0x2a6: {  	p1 =	sgt.s32 @!p0 s8, $0x0  }
0x2a7: {  	p1 =	por p0, !p1  }
.Ltmp17:
0x2a8: {  	_ = 	snop;
	(pc) =	sbr.rel @!p1 .LBB2_30-.Ltmp17, $2  }
0x2a9: {  	_ =	sdelay $0x2  }
0x2aa: {  	s5 =	sadd.s32 $0x1, s5;
	s7 =	sadd.s32 $0x80, s7;
	s6 =	sadd.s32 $0x10, s6;
	v0 =	vmax.f32 v0, v1  }
0x2ab: {  	s6 =	simm.s32 $0x0;
	s7 =	simm.s32 $0x0;
	s4 =	simm.s32 @p0 $0x0  }
0x2ac: {  	v0 =	vpsel p0, v0, v0;
	s5 =	simm.s32 $0x0;
	s6 =	simm.s32 @p0 $0x0;
	s7 =	simm.s32 @p0 $0x0  }
.LBB2_32:
0x2ad: {  	s8 =	sand.u32 $0x70, s6;
	s9 =	sand.u32 $0xC00, s7  }
0x2ae: {  	s8 =	sor.u32 s8, s9  }
0x2af: {  	v1 =	vld [tilespmem:s8+$0x11A00];
	_ =	sdelay $0x4  }
0x2b0: {  	vm0 =	vlt.f32 v1, $-Inf;
	vm1 =	vgt.f32 v1, $-Inf  }
0x2b1: {  	vm0 =	vmor vm1, vm0  }
0x2b2: {  	v2 =	vmpcnt.ones.xlane vm0;
	_ =	sdelay $0x1  }
0x2b3: {  	(v2sf) =	vpush v2, $0x0;
	_ =	sdelay $0xe  }
0x2b4: {  	p0 =	sgt.u32 s4, $0x1E;
	s8 =	spop (v2sf)  }
0x2b5: {  	p1 =	sgt.s32 @!p0 s8, $0x0  }
0x2b6: {  	p1 =	por p0, !p1  }
.Ltmp18:
0x2b7: {  	_ = 	snop;
	(pc) =	sbr.rel @!p1 .LBB2_32-.Ltmp18, $2  }
0x2b8: {  	_ =	sdelay $0x2  }
0x2b9: {  	s4 =	sadd.s32 $0x1, s4;
	s7 =	sadd.s32 $0x80, s7;
	s6 =	sadd.s32 $0x10, s6;
	v0 =	vmax.f32 v0, v1  }
0x2ba: {  	s6 =	simm.s32 $0x0;
	s7 =	simm.s32 $0x0;
	s5 =	simm.s32 @p0 $0x0  }
0x2bb: {  	v0 =	vpsel p0, v0, v0;
	s4 =	simm.s32 $0x0;
	s6 =	simm.s32 @p0 $0x0;
	s7 =	simm.s32 @p0 $0x0  }
.LBB2_34:
0x2bc: {  	s8 =	sand.u32 $0x70, s6;
	s9 =	sand.u32 $0xC00, s7  }
0x2bd: {  	s8 =	sor.u32 s8, s9  }
0x2be: {  	v1 =	vld [tilespmem:s8+$0x11A80];
	_ =	sdelay $0x4  }
0x2bf: {  	vm0 =	vlt.f32 v1, $-Inf;
	vm1 =	vgt.f32 v1, $-Inf  }
0x2c0: {  	vm0 =	vmor vm1, vm0  }
0x2c1: {  	v2 =	vmpcnt.ones.xlane vm0;
	_ =	sdelay $0x1  }
0x2c2: {  	(v2sf) =	vpush v2, $0x0;
	_ =	sdelay $0xe  }
0x2c3: {  	p0 =	sgt.u32 s5, $0x1E;
	s8 =	spop (v2sf)  }
0x2c4: {  	p1 =	sgt.s32 @!p0 s8, $0x0  }
0x2c5: {  	p1 =	por p0, !p1  }
.Ltmp19:
0x2c6: {  	_ = 	snop;
	(pc) =	sbr.rel @!p1 .LBB2_34-.Ltmp19, $2  }
0x2c7: {  	_ =	sdelay $0x2  }
0x2c8: {  	s5 =	sadd.s32 $0x1, s5;
	s7 =	sadd.s32 $0x80, s7;
	s6 =	sadd.s32 $0x10, s6;
	v0 =	vmax.f32 v0, v1  }
0x2c9: {  	s6 =	simm.s32 $0x0;
	s7 =	simm.s32 $0x0;
	s4 =	simm.s32 @p0 $0x0  }
0x2ca: {  	v0 =	vpsel p0, v0, v0;
	s5 =	simm.s32 $0x0;
	s6 =	simm.s32 @p0 $0x0;
	s7 =	simm.s32 @p0 $0x0  }
.LBB2_36:
0x2cb: {  	s8 =	sand.u32 $0x70, s6;
	s9 =	sand.u32 $0xC00, s7  }
0x2cc: {  	s8 =	sor.u32 s8, s9  }
0x2cd: {  	v1 =	vld [tilespmem:s8+$0x11B00];
	_ =	sdelay $0x4  }
0x2ce: {  	vm0 =	vlt.f32 v1, $-Inf;
	vm1 =	vgt.f32 v1, $-Inf  }
0x2cf: {  	vm0 =	vmor vm1, vm0  }
0x2d0: {  	v2 =	vmpcnt.ones.xlane vm0;
	_ =	sdelay $0x1  }
0x2d1: {  	(v2sf) =	vpush v2, $0x0;
	_ =	sdelay $0xe  }
0x2d2: {  	p0 =	sgt.u32 s4, $0x1E;
	s8 =	spop (v2sf)  }
0x2d3: {  	p1 =	sgt.s32 @!p0 s8, $0x0  }
0x2d4: {  	p1 =	por p0, !p1  }
.Ltmp20:
0x2d5: {  	_ = 	snop;
	(pc) =	sbr.rel @!p1 .LBB2_36-.Ltmp20, $2  }
0x2d6: {  	_ =	sdelay $0x2  }
0x2d7: {  	s4 =	sadd.s32 $0x1, s4;
	s7 =	sadd.s32 $0x80, s7;
	s6 =	sadd.s32 $0x10, s6;
	v0 =	vmax.f32 v0, v1  }
0x2d8: {  	s6 =	simm.s32 $0x0;
	s7 =	simm.s32 $0x0;
	s5 =	simm.s32 @p0 $0x0  }
0x2d9: {  	v0 =	vpsel p0, v0, v0;
	s4 =	simm.s32 $0x0;
	s6 =	simm.s32 @p0 $0x0;
	s7 =	simm.s32 @p0 $0x0  }
.LBB2_38:
0x2da: {  	s8 =	sand.u32 $0x70, s6;
	s9 =	sand.u32 $0xC00, s7  }
0x2db: {  	s8 =	sor.u32 s8, s9  }
0x2dc: {  	v1 =	vld [tilespmem:s8+$0x11B80];
	_ =	sdelay $0x4  }
0x2dd: {  	vm0 =	vlt.f32 v1, $-Inf;
	vm1 =	vgt.f32 v1, $-Inf  }
0x2de: {  	vm0 =	vmor vm1, vm0  }
0x2df: {  	v2 =	vmpcnt.ones.xlane vm0;
	_ =	sdelay $0x1  }
0x2e0: {  	(v2sf) =	vpush v2, $0x0;
	_ =	sdelay $0xe  }
0x2e1: {  	p0 =	sgt.u32 s5, $0x1E;
	s8 =	spop (v2sf)  }
0x2e2: {  	p1 =	sgt.s32 @!p0 s8, $0x0  }
0x2e3: {  	p1 =	por p0, !p1  }
.Ltmp21:
0x2e4: {  	_ = 	snop;
	(pc) =	sbr.rel @!p1 .LBB2_38-.Ltmp21, $2  }
0x2e5: {  	_ =	sdelay $0x2  }
0x2e6: {  	s5 =	sadd.s32 $0x1, s5;
	s7 =	sadd.s32 $0x80, s7;
	s6 =	sadd.s32 $0x10, s6;
	v0 =	vmax.f32 v0, v1  }
0x2e7: {  	s6 =	simm.s32 $0x0;
	s7 =	simm.s32 $0x0;
	s4 =	simm.s32 @p0 $0x0  }
0x2e8: {  	v0 =	vpsel p0, v0, v0;
	s5 =	simm.s32 $0x0;
	s6 =	simm.s32 @p0 $0x0;
	s7 =	simm.s32 @p0 $0x0  }
.LBB2_40:
0x2e9: {  	s8 =	sand.u32 $0x70, s6;
	s9 =	sand.u32 $0xC00, s7  }
0x2ea: {  	s8 =	sor.u32 s8, s9  }
0x2eb: {  	v1 =	vld [tilespmem:s8+$0x11C00];
	_ =	sdelay $0x4  }
0x2ec: {  	vm0 =	vlt.f32 v1, $-Inf;
	vm1 =	vgt.f32 v1, $-Inf  }
0x2ed: {  	vm0 =	vmor vm1, vm0  }
0x2ee: {  	v2 =	vmpcnt.ones.xlane vm0;
	_ =	sdelay $0x1  }
0x2ef: {  	(v2sf) =	vpush v2, $0x0;
	_ =	sdelay $0xe  }
0x2f0: {  	p0 =	sgt.u32 s4, $0x1E;
	s8 =	spop (v2sf)  }
0x2f1: {  	p1 =	sgt.s32 @!p0 s8, $0x0  }
0x2f2: {  	p1 =	por p0, !p1  }
.Ltmp22:
0x2f3: {  	_ = 	snop;
	(pc) =	sbr.rel @!p1 .LBB2_40-.Ltmp22, $2  }
0x2f4: {  	_ =	sdelay $0x2  }
0x2f5: {  	s4 =	sadd.s32 $0x1, s4;
	s7 =	sadd.s32 $0x80, s7;
	s6 =	sadd.s32 $0x10, s6;
	v0 =	vmax.f32 v0, v1  }
0x2f6: {  	s6 =	simm.s32 $0x0;
	s7 =	simm.s32 $0x0;
	s5 =	simm.s32 @p0 $0x0  }
0x2f7: {  	v0 =	vpsel p0, v0, v0;
	s4 =	simm.s32 $0x0;
	s6 =	simm.s32 @p0 $0x0;
	s7 =	simm.s32 @p0 $0x0  }
.LBB2_42:
0x2f8: {  	s8 =	sand.u32 $0x70, s6;
	s9 =	sand.u32 $0xC00, s7  }
0x2f9: {  	s8 =	sor.u32 s8, s9  }
0x2fa: {  	v1 =	vld [tilespmem:s8+$0x11C80];
	_ =	sdelay $0x4  }
0x2fb: {  	vm0 =	vlt.f32 v1, $-Inf;
	vm1 =	vgt.f32 v1, $-Inf  }
0x2fc: {  	vm0 =	vmor vm1, vm0  }
0x2fd: {  	v2 =	vmpcnt.ones.xlane vm0;
	_ =	sdelay $0x1  }
0x2fe: {  	(v2sf) =	vpush v2, $0x0;
	_ =	sdelay $0xe  }
0x2ff: {  	p0 =	sgt.u32 s5, $0x1E;
	s8 =	spop (v2sf)  }
0x300: {  	p1 =	sgt.s32 @!p0 s8, $0x0  }
0x301: {  	p1 =	por p0, !p1  }
.Ltmp23:
0x302: {  	_ = 	snop;
	(pc) =	sbr.rel @!p1 .LBB2_42-.Ltmp23, $2  }
0x303: {  	_ =	sdelay $0x2  }
0x304: {  	s5 =	sadd.s32 $0x1, s5;
	s7 =	sadd.s32 $0x80, s7;
	s6 =	sadd.s32 $0x10, s6;
	v0 =	vmax.f32 v0, v1  }
0x305: {  	s5 =	simm.s32 $0x0;
	s6 =	simm.s32 $0x0  }
0x306: {  	v0 =	vpsel p0, v0, v0;
	s4 =	simm.s32 @p0 $0x0;
	s5 =	simm.s32 @p0 $0x0;
	s6 =	simm.s32 @p0 $0x0  }
.LBB2_44:
0x307: {  	s7 =	sand.u32 $0x70, s5;
	s8 =	sand.u32 $0xC00, s6  }
0x308: {  	s7 =	sor.u32 s7, s8  }
0x309: {  	v1 =	vld [tilespmem:s7+$0x11D00];
	_ =	sdelay $0x4  }
0x30a: {  	vm0 =	vlt.f32 v1, $-Inf;
	vm1 =	vgt.f32 v1, $-Inf  }
0x30b: {  	vm0 =	vmor vm1, vm0  }
0x30c: {  	v2 =	vmpcnt.ones.xlane vm0;
	_ =	sdelay $0x1  }
0x30d: {  	(v2sf) =	vpush v2, $0x0;
	_ =	sdelay $0xe  }
0x30e: {  	p0 =	sgt.u32 s4, $0x1E;
	s7 =	spop (v2sf)  }
0x30f: {  	p1 =	sgt.s32 @!p0 s7, $0x0  }
0x310: {  	p0 =	por p0, !p1  }
.Ltmp24:
0x311: {  	_ = 	snop;
	(pc) =	sbr.rel @!p0 .LBB2_44-.Ltmp24, $2  }
0x312: {  	_ =	sdelay $0x2  }
0x313: {  	s4 =	sadd.s32 $0x1, s4;
	s6 =	sadd.s32 $0x80, s6;
	s5 =	sadd.s32 $0x10, s5;
	v0 =	vmax.f32 v0, v1  }
0x314: {  	(xrf0) =	vmax.scan.msk.f32 $0xffff, v0;
	_ =	sdelay $0x5  }
0x315: {  	v0, _, _ =	vpop (xrf0)  }
0x316: {  	(v2sf) =	vpush v0, $0xF;
	_ =	sdelay $0xe  }
0x317: {  	s4 =	spop (v2sf)  }
0x318: {  	s5 =	sadd.f32 $-1.000000000e+00, s4  }
0x319: {  	s6 =	simm.s32 $0x0;
	s7 =	simm.s32 $0x0  }
0x31a: {  	s8 =	simm.s32 $0x0;
	s9 =	simm.s32 $0x0;
	s4 =	simm.s32 $0x0;
	v0 =	vmov s5  }
.LBB2_46:
0x31b: {  	s10 =	sand.u32 $0x70, s7;
	s11 =	sand.u32 $0xC00, s8  }
0x31c: {  	s10 =	sor.u32 s10, s11  }
0x31d: {  	v1 =	vld [tilespmem:s10+$0x10980];
	_ =	sdelay $0x4  }
0x31e: {  	vm0 =	vlt.f32 v1, $-Inf;
	vm1 =	vgt.f32 v1, $-Inf  }
0x31f: {  	vm0 =	vmor vm1, vm0  }
0x320: {  	v2 =	vmpcnt.ones.xlane vm0;
	_ =	sdelay $0x1  }
0x321: {  	(v2sf) =	vpush v2, $0x0;
	_ =	sdelay $0x2  }
0x322: {  	vm15 =	vge.f32 v1, v0  }
0x323: {  	v2 =	vmpcnt.ones.xlane vm15;
	_ =	sdelay $0x1  }
0x324: {  	(v2sf) =	vpush v2, $0x0;
	_ =	sdelay $0x8  }
0x325: {  	p0 =	sgt.u32 s9, $0x1E;
	s10 =	spop (v2sf)  }
0x326: {  	p1 =	sgt.s32 @!p0 s10, $0x0  }
0x327: {  	p1 =	por p0, !p1  }
.Ltmp25:
0x328: {  	_ = 	snop;
	(pc) =	sbr.rel @!p1 .LBB2_46-.Ltmp25, $3  }
0x329: {  	_ =	sdelay $0x1  }
0x32a: {  	s9 =	sadd.s32 $0x1, s9;
	s31 =	spop (v2sf)  }
0x32b: {  	s8 =	sadd.s32 $0x80, s8;
	s7 =	sadd.s32 $0x10, s7;
	[tilespmem:s4+$0x12980] =	vst.msk vm15, v1;
	s4 =	sadd.s32 s4, s31  }
0x32c: {  	s8 =	simm.s32 $0x0  }
0x32d: {  	s9 =	simm.s32 $0x0;
	s4 =	smov.u32 @p0 s4;
	s6 =	simm.s32 @p0 $0x0  }
0x32e: {  	s7 =	simm.s32 $0x0;
	s8 =	simm.s32 @p0 $0x0;
	s9 =	simm.s32 @p0 $0x0  }
.LBB2_48:
0x32f: {  	s10 =	sand.u32 $0x70, s8;
	s11 =	sand.u32 $0xC00, s9  }
0x330: {  	s10 =	sor.u32 s10, s11  }
0x331: {  	v1 =	vld [tilespmem:s10+$0x10A00];
	_ =	sdelay $0x4  }
0x332: {  	vm0 =	vlt.f32 v1, $-Inf;
	vm1 =	vgt.f32 v1, $-Inf  }
0x333: {  	vm0 =	vmor vm1, vm0  }
0x334: {  	v2 =	vmpcnt.ones.xlane vm0;
	_ =	sdelay $0x1  }
0x335: {  	(v2sf) =	vpush v2, $0x0;
	_ =	sdelay $0x2  }
0x336: {  	vm15 =	vge.f32 v1, v0  }
0x337: {  	v2 =	vmpcnt.ones.xlane vm15;
	_ =	sdelay $0x1  }
0x338: {  	(v2sf) =	vpush v2, $0x0;
	_ =	sdelay $0x8  }
0x339: {  	p0 =	sgt.u32 s6, $0x1E;
	s10 =	spop (v2sf)  }
0x33a: {  	p1 =	sgt.s32 @!p0 s10, $0x0  }
0x33b: {  	p1 =	por p0, !p1  }
.Ltmp26:
0x33c: {  	_ = 	snop;
	(pc) =	sbr.rel @!p1 .LBB2_48-.Ltmp26, $3  }
0x33d: {  	_ =	sdelay $0x1  }
0x33e: {  	s6 =	sadd.s32 $0x1, s6;
	s31 =	spop (v2sf)  }
0x33f: {  	s9 =	sadd.s32 $0x80, s9;
	s8 =	sadd.s32 $0x10, s8;
	[tilespmem:s4+$0x12980] =	vst.msk vm15, v1;
	s4 =	sadd.s32 s4, s31  }
0x340: {  	s8 =	simm.s32 $0x0  }
0x341: {  	s9 =	simm.s32 $0x0;
	s4 =	smov.u32 @p0 s4;
	s7 =	simm.s32 @p0 $0x0  }
0x342: {  	s6 =	simm.s32 $0x0;
	s8 =	simm.s32 @p0 $0x0;
	s9 =	simm.s32 @p0 $0x0  }
.LBB2_50:
0x343: {  	s10 =	sand.u32 $0x70, s8;
	s11 =	sand.u32 $0xC00, s9  }
0x344: {  	s10 =	sor.u32 s10, s11  }
0x345: {  	v1 =	vld [tilespmem:s10+$0x10A80];
	_ =	sdelay $0x4  }
0x346: {  	vm0 =	vlt.f32 v1, $-Inf;
	vm1 =	vgt.f32 v1, $-Inf  }
0x347: {  	vm0 =	vmor vm1, vm0  }
0x348: {  	v2 =	vmpcnt.ones.xlane vm0;
	_ =	sdelay $0x1  }
0x349: {  	(v2sf) =	vpush v2, $0x0;
	_ =	sdelay $0x2  }
0x34a: {  	vm15 =	vge.f32 v1, v0  }
0x34b: {  	v2 =	vmpcnt.ones.xlane vm15;
	_ =	sdelay $0x1  }
0x34c: {  	(v2sf) =	vpush v2, $0x0;
	_ =	sdelay $0x8  }
0x34d: {  	p0 =	sgt.u32 s7, $0x1E;
	s10 =	spop (v2sf)  }
0x34e: {  	p1 =	sgt.s32 @!p0 s10, $0x0  }
0x34f: {  	p1 =	por p0, !p1  }
.Ltmp27:
0x350: {  	_ = 	snop;
	(pc) =	sbr.rel @!p1 .LBB2_50-.Ltmp27, $3  }
0x351: {  	_ =	sdelay $0x1  }
0x352: {  	s7 =	sadd.s32 $0x1, s7;
	s31 =	spop (v2sf)  }
0x353: {  	s9 =	sadd.s32 $0x80, s9;
	s8 =	sadd.s32 $0x10, s8;
	[tilespmem:s4+$0x12980] =	vst.msk vm15, v1;
	s4 =	sadd.s32 s4, s31  }
0x354: {  	s8 =	simm.s32 $0x0  }
0x355: {  	s9 =	simm.s32 $0x0;
	s4 =	smov.u32 @p0 s4;
	s6 =	simm.s32 @p0 $0x0  }
0x356: {  	s7 =	simm.s32 $0x0;
	s8 =	simm.s32 @p0 $0x0;
	s9 =	simm.s32 @p0 $0x0  }
.LBB2_52:
0x357: {  	s10 =	sand.u32 $0x70, s8;
	s11 =	sand.u32 $0xC00, s9  }
0x358: {  	s10 =	sor.u32 s10, s11  }
0x359: {  	v1 =	vld [tilespmem:s10+$0x10B00];
	_ =	sdelay $0x4  }
0x35a: {  	vm0 =	vlt.f32 v1, $-Inf;
	vm1 =	vgt.f32 v1, $-Inf  }
0x35b: {  	vm0 =	vmor vm1, vm0  }
0x35c: {  	v2 =	vmpcnt.ones.xlane vm0;
	_ =	sdelay $0x1  }
0x35d: {  	(v2sf) =	vpush v2, $0x0;
	_ =	sdelay $0x2  }
0x35e: {  	vm15 =	vge.f32 v1, v0  }
0x35f: {  	v2 =	vmpcnt.ones.xlane vm15;
	_ =	sdelay $0x1  }
0x360: {  	(v2sf) =	vpush v2, $0x0;
	_ =	sdelay $0x8  }
0x361: {  	p0 =	sgt.u32 s6, $0x1E;
	s10 =	spop (v2sf)  }
0x362: {  	p1 =	sgt.s32 @!p0 s10, $0x0  }
0x363: {  	p1 =	por p0, !p1  }
.Ltmp28:
0x364: {  	_ = 	snop;
	(pc) =	sbr.rel @!p1 .LBB2_52-.Ltmp28, $3  }
0x365: {  	_ =	sdelay $0x1  }
0x366: {  	s6 =	sadd.s32 $0x1, s6;
	s31 =	spop (v2sf)  }
0x367: {  	s9 =	sadd.s32 $0x80, s9;
	s8 =	sadd.s32 $0x10, s8;
	[tilespmem:s4+$0x12980] =	vst.msk vm15, v1;
	s4 =	sadd.s32 s4, s31  }
0x368: {  	s8 =	simm.s32 $0x0  }
0x369: {  	s9 =	simm.s32 $0x0;
	s4 =	smov.u32 @p0 s4;
	s7 =	simm.s32 @p0 $0x0  }
0x36a: {  	s6 =	simm.s32 $0x0;
	s8 =	simm.s32 @p0 $0x0;
	s9 =	simm.s32 @p0 $0x0  }
.LBB2_54:
0x36b: {  	s10 =	sand.u32 $0x70, s8;
	s11 =	sand.u32 $0xC00, s9  }
0x36c: {  	s10 =	sor.u32 s10, s11  }
0x36d: {  	v1 =	vld [tilespmem:s10+$0x10B80];
	_ =	sdelay $0x4  }
0x36e: {  	vm0 =	vlt.f32 v1, $-Inf;
	vm1 =	vgt.f32 v1, $-Inf  }
0x36f: {  	vm0 =	vmor vm1, vm0  }
0x370: {  	v2 =	vmpcnt.ones.xlane vm0;
	_ =	sdelay $0x1  }
0x371: {  	(v2sf) =	vpush v2, $0x0;
	_ =	sdelay $0x2  }
0x372: {  	vm15 =	vge.f32 v1, v0  }
0x373: {  	v2 =	vmpcnt.ones.xlane vm15;
	_ =	sdelay $0x1  }
0x374: {  	(v2sf) =	vpush v2, $0x0;
	_ =	sdelay $0x8  }
0x375: {  	p0 =	sgt.u32 s7, $0x1E;
	s10 =	spop (v2sf)  }
0x376: {  	p1 =	sgt.s32 @!p0 s10, $0x0  }
0x377: {  	p1 =	por p0, !p1  }
.Ltmp29:
0x378: {  	_ = 	snop;
	(pc) =	sbr.rel @!p1 .LBB2_54-.Ltmp29, $3  }
0x379: {  	_ =	sdelay $0x1  }
0x37a: {  	s7 =	sadd.s32 $0x1, s7;
	s31 =	spop (v2sf)  }
0x37b: {  	s9 =	sadd.s32 $0x80, s9;
	s8 =	sadd.s32 $0x10, s8;
	[tilespmem:s4+$0x12980] =	vst.msk vm15, v1;
	s4 =	sadd.s32 s4, s31  }
0x37c: {  	s8 =	simm.s32 $0x0  }
0x37d: {  	s9 =	simm.s32 $0x0;
	s4 =	smov.u32 @p0 s4;
	s6 =	simm.s32 @p0 $0x0  }
0x37e: {  	s7 =	simm.s32 $0x0;
	s8 =	simm.s32 @p0 $0x0;
	s9 =	simm.s32 @p0 $0x0  }
.LBB2_56:
0x37f: {  	s10 =	sand.u32 $0x70, s8;
	s11 =	sand.u32 $0xC00, s9  }
0x380: {  	s10 =	sor.u32 s10, s11  }
0x381: {  	v1 =	vld [tilespmem:s10+$0x10C00];
	_ =	sdelay $0x4  }
0x382: {  	vm0 =	vlt.f32 v1, $-Inf;
	vm1 =	vgt.f32 v1, $-Inf  }
0x383: {  	vm0 =	vmor vm1, vm0  }
0x384: {  	v2 =	vmpcnt.ones.xlane vm0;
	_ =	sdelay $0x1  }
0x385: {  	(v2sf) =	vpush v2, $0x0;
	_ =	sdelay $0x2  }
0x386: {  	vm15 =	vge.f32 v1, v0  }
0x387: {  	v2 =	vmpcnt.ones.xlane vm15;
	_ =	sdelay $0x1  }
0x388: {  	(v2sf) =	vpush v2, $0x0;
	_ =	sdelay $0x8  }
0x389: {  	p0 =	sgt.u32 s6, $0x1E;
	s10 =	spop (v2sf)  }
0x38a: {  	p1 =	sgt.s32 @!p0 s10, $0x0  }
0x38b: {  	p1 =	por p0, !p1  }
.Ltmp30:
0x38c: {  	_ = 	snop;
	(pc) =	sbr.rel @!p1 .LBB2_56-.Ltmp30, $3  }
0x38d: {  	_ =	sdelay $0x1  }
0x38e: {  	s6 =	sadd.s32 $0x1, s6;
	s31 =	spop (v2sf)  }
0x38f: {  	s9 =	sadd.s32 $0x80, s9;
	s8 =	sadd.s32 $0x10, s8;
	[tilespmem:s4+$0x12980] =	vst.msk vm15, v1;
	s4 =	sadd.s32 s4, s31  }
0x390: {  	s8 =	simm.s32 $0x0  }
0x391: {  	s9 =	simm.s32 $0x0;
	s4 =	smov.u32 @p0 s4;
	s7 =	simm.s32 @p0 $0x0  }
0x392: {  	s6 =	simm.s32 $0x0;
	s8 =	simm.s32 @p0 $0x0;
	s9 =	simm.s32 @p0 $0x0  }
.LBB2_58:
0x393: {  	s10 =	sand.u32 $0x70, s8;
	s11 =	sand.u32 $0xC00, s9  }
0x394: {  	s10 =	sor.u32 s10, s11  }
0x395: {  	v1 =	vld [tilespmem:s10+$0x10C80];
	_ =	sdelay $0x4  }
0x396: {  	vm0 =	vlt.f32 v1, $-Inf;
	vm1 =	vgt.f32 v1, $-Inf  }
0x397: {  	vm0 =	vmor vm1, vm0  }
0x398: {  	v2 =	vmpcnt.ones.xlane vm0;
	_ =	sdelay $0x1  }
0x399: {  	(v2sf) =	vpush v2, $0x0;
	_ =	sdelay $0x2  }
0x39a: {  	vm15 =	vge.f32 v1, v0  }
0x39b: {  	v2 =	vmpcnt.ones.xlane vm15;
	_ =	sdelay $0x1  }
0x39c: {  	(v2sf) =	vpush v2, $0x0;
	_ =	sdelay $0x8  }
0x39d: {  	p0 =	sgt.u32 s7, $0x1E;
	s10 =	spop (v2sf)  }
0x39e: {  	p1 =	sgt.s32 @!p0 s10, $0x0  }
0x39f: {  	p1 =	por p0, !p1  }
.Ltmp31:
0x3a0: {  	_ = 	snop;
	(pc) =	sbr.rel @!p1 .LBB2_58-.Ltmp31, $3  }
0x3a1: {  	_ =	sdelay $0x1  }
0x3a2: {  	s7 =	sadd.s32 $0x1, s7;
	s31 =	spop (v2sf)  }
0x3a3: {  	s9 =	sadd.s32 $0x80, s9;
	s8 =	sadd.s32 $0x10, s8;
	[tilespmem:s4+$0x12980] =	vst.msk vm15, v1;
	s4 =	sadd.s32 s4, s31  }
0x3a4: {  	s8 =	simm.s32 $0x0  }
0x3a5: {  	s9 =	simm.s32 $0x0;
	s4 =	smov.u32 @p0 s4;
	s6 =	simm.s32 @p0 $0x0  }
0x3a6: {  	s7 =	simm.s32 $0x0;
	s8 =	simm.s32 @p0 $0x0;
	s9 =	simm.s32 @p0 $0x0  }
.LBB2_60:
0x3a7: {  	s10 =	sor.u32 s9, s8  }
0x3a8: {  	s10 =	sor.u32 $0x380, s10  }
0x3a9: {  	v1 =	vld [tilespmem:s10+$0x10980];
	_ =	sdelay $0x4  }
0x3aa: {  	vm0 =	vlt.f32 v1, $-Inf;
	vm1 =	vgt.f32 v1, $-Inf  }
0x3ab: {  	vm0 =	vmor vm1, vm0  }
0x3ac: {  	v2 =	vmpcnt.ones.xlane vm0;
	_ =	sdelay $0x1  }
0x3ad: {  	(v2sf) =	vpush v2, $0x0;
	_ =	sdelay $0x2  }
0x3ae: {  	vm15 =	vge.f32 v1, v0  }
0x3af: {  	v2 =	vmpcnt.ones.xlane vm15;
	_ =	sdelay $0x1  }
0x3b0: {  	(v2sf) =	vpush v2, $0x0;
	_ =	sdelay $0x8  }
0x3b1: {  	p0 =	sgt.u32 s6, $0x1E;
	s10 =	spop (v2sf)  }
0x3b2: {  	p1 =	sgt.s32 @!p0 s10, $0x0  }
0x3b3: {  	p1 =	por p0, !p1  }
.Ltmp32:
0x3b4: {  	_ = 	snop;
	(pc) =	sbr.rel @!p1 .LBB2_60-.Ltmp32, $3  }
0x3b5: {  	_ =	sdelay $0x1  }
0x3b6: {  	s6 =	sadd.s32 $0x1, s6;
	s31 =	spop (v2sf)  }
0x3b7: {  	s9 =	sadd.s32 $0x80, s9;
	s8 =	sadd.s32 $0x10, s8;
	[tilespmem:s4+$0x12980] =	vst.msk vm15, v1;
	s4 =	sadd.s32 s4, s31  }
0x3b8: {  	s8 =	simm.s32 $0x0  }
0x3b9: {  	s9 =	simm.s32 $0x0;
	s4 =	smov.u32 @p0 s4;
	s7 =	simm.s32 @p0 $0x0  }
0x3ba: {  	s6 =	simm.s32 $0x0;
	s8 =	simm.s32 @p0 $0x0;
	s9 =	simm.s32 @p0 $0x0  }
.LBB2_62:
0x3bb: {  	s10 =	sand.u32 $0x70, s8;
	s11 =	sand.u32 $0xC00, s9  }
0x3bc: {  	s10 =	sor.u32 s10, s11  }
0x3bd: {  	v1 =	vld [tilespmem:s10+$0x11980];
	_ =	sdelay $0x4  }
0x3be: {  	vm0 =	vlt.f32 v1, $-Inf;
	vm1 =	vgt.f32 v1, $-Inf  }
0x3bf: {  	vm0 =	vmor vm1, vm0  }
0x3c0: {  	v2 =	vmpcnt.ones.xlane vm0;
	_ =	sdelay $0x1  }
0x3c1: {  	(v2sf) =	vpush v2, $0x0;
	_ =	sdelay $0x2  }
0x3c2: {  	vm15 =	vge.f32 v1, v0  }
0x3c3: {  	v2 =	vmpcnt.ones.xlane vm15;
	_ =	sdelay $0x1  }
0x3c4: {  	(v2sf) =	vpush v2, $0x0;
	_ =	sdelay $0x8  }
0x3c5: {  	p0 =	sgt.u32 s7, $0x1E;
	s10 =	spop (v2sf)  }
0x3c6: {  	p1 =	sgt.s32 @!p0 s10, $0x0  }
0x3c7: {  	p1 =	por p0, !p1  }
.Ltmp33:
0x3c8: {  	_ = 	snop;
	(pc) =	sbr.rel @!p1 .LBB2_62-.Ltmp33, $3  }
0x3c9: {  	_ =	sdelay $0x1  }
0x3ca: {  	s7 =	sadd.s32 $0x1, s7;
	s31 =	spop (v2sf)  }
0x3cb: {  	s9 =	sadd.s32 $0x80, s9;
	s8 =	sadd.s32 $0x10, s8;
	[tilespmem:s4+$0x12980] =	vst.msk vm15, v1;
	s4 =	sadd.s32 s4, s31  }
0x3cc: {  	s8 =	simm.s32 $0x0  }
0x3cd: {  	s9 =	simm.s32 $0x0;
	s4 =	smov.u32 @p0 s4;
	s6 =	simm.s32 @p0 $0x0  }
0x3ce: {  	s7 =	simm.s32 $0x0;
	s8 =	simm.s32 @p0 $0x0;
	s9 =	simm.s32 @p0 $0x0  }
.LBB2_64:
0x3cf: {  	s10 =	sand.u32 $0x70, s8;
	s11 =	sand.u32 $0xC00, s9  }
0x3d0: {  	s10 =	sor.u32 s10, s11  }
0x3d1: {  	v1 =	vld [tilespmem:s10+$0x11A00];
	_ =	sdelay $0x4  }
0x3d2: {  	vm0 =	vlt.f32 v1, $-Inf;
	vm1 =	vgt.f32 v1, $-Inf  }
0x3d3: {  	vm0 =	vmor vm1, vm0  }
0x3d4: {  	v2 =	vmpcnt.ones.xlane vm0;
	_ =	sdelay $0x1  }
0x3d5: {  	(v2sf) =	vpush v2, $0x0;
	_ =	sdelay $0x2  }
0x3d6: {  	vm15 =	vge.f32 v1, v0  }
0x3d7: {  	v2 =	vmpcnt.ones.xlane vm15;
	_ =	sdelay $0x1  }
0x3d8: {  	(v2sf) =	vpush v2, $0x0;
	_ =	sdelay $0x8  }
0x3d9: {  	p0 =	sgt.u32 s6, $0x1E;
	s10 =	spop (v2sf)  }
0x3da: {  	p1 =	sgt.s32 @!p0 s10, $0x0  }
0x3db: {  	p1 =	por p0, !p1  }
.Ltmp34:
0x3dc: {  	_ = 	snop;
	(pc) =	sbr.rel @!p1 .LBB2_64-.Ltmp34, $3  }
0x3dd: {  	_ =	sdelay $0x1  }
0x3de: {  	s6 =	sadd.s32 $0x1, s6;
	s31 =	spop (v2sf)  }
0x3df: {  	s9 =	sadd.s32 $0x80, s9;
	s8 =	sadd.s32 $0x10, s8;
	[tilespmem:s4+$0x12980] =	vst.msk vm15, v1;
	s4 =	sadd.s32 s4, s31  }
0x3e0: {  	s8 =	simm.s32 $0x0  }
0x3e1: {  	s9 =	simm.s32 $0x0;
	s4 =	smov.u32 @p0 s4;
	s7 =	simm.s32 @p0 $0x0  }
0x3e2: {  	s6 =	simm.s32 $0x0;
	s8 =	simm.s32 @p0 $0x0;
	s9 =	simm.s32 @p0 $0x0  }
.LBB2_66:
0x3e3: {  	s10 =	sand.u32 $0x70, s8;
	s11 =	sand.u32 $0xC00, s9  }
0x3e4: {  	s10 =	sor.u32 s10, s11  }
0x3e5: {  	v1 =	vld [tilespmem:s10+$0x11A80];
	_ =	sdelay $0x4  }
0x3e6: {  	vm0 =	vlt.f32 v1, $-Inf;
	vm1 =	vgt.f32 v1, $-Inf  }
0x3e7: {  	vm0 =	vmor vm1, vm0  }
0x3e8: {  	v2 =	vmpcnt.ones.xlane vm0;
	_ =	sdelay $0x1  }
0x3e9: {  	(v2sf) =	vpush v2, $0x0;
	_ =	sdelay $0x2  }
0x3ea: {  	vm15 =	vge.f32 v1, v0  }
0x3eb: {  	v2 =	vmpcnt.ones.xlane vm15;
	_ =	sdelay $0x1  }
0x3ec: {  	(v2sf) =	vpush v2, $0x0;
	_ =	sdelay $0x8  }
0x3ed: {  	p0 =	sgt.u32 s7, $0x1E;
	s10 =	spop (v2sf)  }
0x3ee: {  	p1 =	sgt.s32 @!p0 s10, $0x0  }
0x3ef: {  	p1 =	por p0, !p1  }
.Ltmp35:
0x3f0: {  	_ = 	snop;
	(pc) =	sbr.rel @!p1 .LBB2_66-.Ltmp35, $3  }
0x3f1: {  	_ =	sdelay $0x1  }
0x3f2: {  	s7 =	sadd.s32 $0x1, s7;
	s31 =	spop (v2sf)  }
0x3f3: {  	s9 =	sadd.s32 $0x80, s9;
	s8 =	sadd.s32 $0x10, s8;
	[tilespmem:s4+$0x12980] =	vst.msk vm15, v1;
	s4 =	sadd.s32 s4, s31  }
0x3f4: {  	s8 =	simm.s32 $0x0  }
0x3f5: {  	s9 =	simm.s32 $0x0;
	s4 =	smov.u32 @p0 s4;
	s6 =	simm.s32 @p0 $0x0  }
0x3f6: {  	s7 =	simm.s32 $0x0;
	s8 =	simm.s32 @p0 $0x0;
	s9 =	simm.s32 @p0 $0x0  }
.LBB2_68:
0x3f7: {  	s10 =	sand.u32 $0x70, s8;
	s11 =	sand.u32 $0xC00, s9  }
0x3f8: {  	s10 =	sor.u32 s10, s11  }
0x3f9: {  	v1 =	vld [tilespmem:s10+$0x11B00];
	_ =	sdelay $0x4  }
0x3fa: {  	vm0 =	vlt.f32 v1, $-Inf;
	vm1 =	vgt.f32 v1, $-Inf  }
0x3fb: {  	vm0 =	vmor vm1, vm0  }
0x3fc: {  	v2 =	vmpcnt.ones.xlane vm0;
	_ =	sdelay $0x1  }
0x3fd: {  	(v2sf) =	vpush v2, $0x0;
	_ =	sdelay $0x2  }
0x3fe: {  	vm15 =	vge.f32 v1, v0  }
0x3ff: {  	v2 =	vmpcnt.ones.xlane vm15;
	_ =	sdelay $0x1  }
0x400: {  	(v2sf) =	vpush v2, $0x0;
	_ =	sdelay $0x8  }
0x401: {  	p0 =	sgt.u32 s6, $0x1E;
	s10 =	spop (v2sf)  }
0x402: {  	p1 =	sgt.s32 @!p0 s10, $0x0  }
0x403: {  	p1 =	por p0, !p1  }
.Ltmp36:
0x404: {  	_ = 	snop;
	(pc) =	sbr.rel @!p1 .LBB2_68-.Ltmp36, $3  }
0x405: {  	_ =	sdelay $0x1  }
0x406: {  	s6 =	sadd.s32 $0x1, s6;
	s31 =	spop (v2sf)  }
0x407: {  	s9 =	sadd.s32 $0x80, s9;
	s8 =	sadd.s32 $0x10, s8;
	[tilespmem:s4+$0x12980] =	vst.msk vm15, v1;
	s4 =	sadd.s32 s4, s31  }
0x408: {  	s8 =	simm.s32 $0x0  }
0x409: {  	s9 =	simm.s32 $0x0;
	s4 =	smov.u32 @p0 s4;
	s7 =	simm.s32 @p0 $0x0  }
0x40a: {  	s6 =	simm.s32 $0x0;
	s8 =	simm.s32 @p0 $0x0;
	s9 =	simm.s32 @p0 $0x0  }
.LBB2_70:
0x40b: {  	s10 =	sand.u32 $0x70, s8;
	s11 =	sand.u32 $0xC00, s9  }
0x40c: {  	s10 =	sor.u32 s10, s11  }
0x40d: {  	v1 =	vld [tilespmem:s10+$0x11B80];
	_ =	sdelay $0x4  }
0x40e: {  	vm0 =	vlt.f32 v1, $-Inf;
	vm1 =	vgt.f32 v1, $-Inf  }
0x40f: {  	vm0 =	vmor vm1, vm0  }
0x410: {  	v2 =	vmpcnt.ones.xlane vm0;
	_ =	sdelay $0x1  }
0x411: {  	(v2sf) =	vpush v2, $0x0;
	_ =	sdelay $0x2  }
0x412: {  	vm15 =	vge.f32 v1, v0  }
0x413: {  	v2 =	vmpcnt.ones.xlane vm15;
	_ =	sdelay $0x1  }
0x414: {  	(v2sf) =	vpush v2, $0x0;
	_ =	sdelay $0x8  }
0x415: {  	p0 =	sgt.u32 s7, $0x1E;
	s10 =	spop (v2sf)  }
0x416: {  	p1 =	sgt.s32 @!p0 s10, $0x0  }
0x417: {  	p1 =	por p0, !p1  }
.Ltmp37:
0x418: {  	_ = 	snop;
	(pc) =	sbr.rel @!p1 .LBB2_70-.Ltmp37, $3  }
0x419: {  	_ =	sdelay $0x1  }
0x41a: {  	s7 =	sadd.s32 $0x1, s7;
	s31 =	spop (v2sf)  }
0x41b: {  	s9 =	sadd.s32 $0x80, s9;
	s8 =	sadd.s32 $0x10, s8;
	[tilespmem:s4+$0x12980] =	vst.msk vm15, v1;
	s4 =	sadd.s32 s4, s31  }
0x41c: {  	s8 =	simm.s32 $0x0  }
0x41d: {  	s9 =	simm.s32 $0x0;
	s4 =	smov.u32 @p0 s4;
	s6 =	simm.s32 @p0 $0x0  }
0x41e: {  	s7 =	simm.s32 $0x0;
	s8 =	simm.s32 @p0 $0x0;
	s9 =	simm.s32 @p0 $0x0  }
.LBB2_72:
0x41f: {  	s10 =	sand.u32 $0x70, s8;
	s11 =	sand.u32 $0xC00, s9  }
0x420: {  	s10 =	sor.u32 s10, s11  }
0x421: {  	v1 =	vld [tilespmem:s10+$0x11C00];
	_ =	sdelay $0x4  }
0x422: {  	vm0 =	vlt.f32 v1, $-Inf;
	vm1 =	vgt.f32 v1, $-Inf  }
0x423: {  	vm0 =	vmor vm1, vm0  }
0x424: {  	v2 =	vmpcnt.ones.xlane vm0;
	_ =	sdelay $0x1  }
0x425: {  	(v2sf) =	vpush v2, $0x0;
	_ =	sdelay $0x2  }
0x426: {  	vm15 =	vge.f32 v1, v0  }
0x427: {  	v2 =	vmpcnt.ones.xlane vm15;
	_ =	sdelay $0x1  }
0x428: {  	(v2sf) =	vpush v2, $0x0;
	_ =	sdelay $0x8  }
0x429: {  	p0 =	sgt.u32 s6, $0x1E;
	s10 =	spop (v2sf)  }
0x42a: {  	p1 =	sgt.s32 @!p0 s10, $0x0  }
0x42b: {  	p1 =	por p0, !p1  }
.Ltmp38:
0x42c: {  	_ = 	snop;
	(pc) =	sbr.rel @!p1 .LBB2_72-.Ltmp38, $3  }
0x42d: {  	_ =	sdelay $0x1  }
0x42e: {  	s6 =	sadd.s32 $0x1, s6;
	s31 =	spop (v2sf)  }
0x42f: {  	s9 =	sadd.s32 $0x80, s9;
	s8 =	sadd.s32 $0x10, s8;
	[tilespmem:s4+$0x12980] =	vst.msk vm15, v1;
	s4 =	sadd.s32 s4, s31  }
0x430: {  	s8 =	simm.s32 $0x0  }
0x431: {  	s9 =	simm.s32 $0x0;
	s4 =	smov.u32 @p0 s4;
	s7 =	simm.s32 @p0 $0x0  }
0x432: {  	s6 =	simm.s32 $0x0;
	s8 =	simm.s32 @p0 $0x0;
	s9 =	simm.s32 @p0 $0x0  }
.LBB2_74:
0x433: {  	s10 =	sand.u32 $0x70, s8;
	s11 =	sand.u32 $0xC00, s9  }
0x434: {  	s10 =	sor.u32 s10, s11  }
0x435: {  	v1 =	vld [tilespmem:s10+$0x11C80];
	_ =	sdelay $0x4  }
0x436: {  	vm0 =	vlt.f32 v1, $-Inf;
	vm1 =	vgt.f32 v1, $-Inf  }
0x437: {  	vm0 =	vmor vm1, vm0  }
0x438: {  	v2 =	vmpcnt.ones.xlane vm0;
	_ =	sdelay $0x1  }
0x439: {  	(v2sf) =	vpush v2, $0x0;
	_ =	sdelay $0x2  }
0x43a: {  	vm15 =	vge.f32 v1, v0  }
0x43b: {  	v2 =	vmpcnt.ones.xlane vm15;
	_ =	sdelay $0x1  }
0x43c: {  	(v2sf) =	vpush v2, $0x0;
	_ =	sdelay $0x8  }
0x43d: {  	p0 =	sgt.u32 s7, $0x1E;
	s10 =	spop (v2sf)  }
0x43e: {  	p1 =	sgt.s32 @!p0 s10, $0x0  }
0x43f: {  	p1 =	por p0, !p1  }
.Ltmp39:
0x440: {  	_ = 	snop;
	(pc) =	sbr.rel @!p1 .LBB2_74-.Ltmp39, $3  }
0x441: {  	_ =	sdelay $0x1  }
0x442: {  	s7 =	sadd.s32 $0x1, s7;
	s31 =	spop (v2sf)  }
0x443: {  	s9 =	sadd.s32 $0x80, s9;
	s8 =	sadd.s32 $0x10, s8;
	[tilespmem:s4+$0x12980] =	vst.msk vm15, v1;
	s4 =	sadd.s32 s4, s31  }
0x444: {  	s7 =	simm.s32 $0x0;
	s8 =	simm.s32 $0x0;
	s4 =	smov.u32 @p0 s4  }
0x445: {  	s6 =	simm.s32 @p0 $0x0;
	s7 =	simm.s32 @p0 $0x0;
	s8 =	simm.s32 @p0 $0x0  }
.LBB2_76:
0x446: {  	s9 =	sand.u32 $0x70, s7;
	s10 =	sand.u32 $0xC00, s8  }
0x447: {  	s9 =	sor.u32 s9, s10  }
0x448: {  	v1 =	vld [tilespmem:s9+$0x11D00];
	_ =	sdelay $0x4  }
0x449: {  	vm0 =	vlt.f32 v1, $-Inf;
	vm1 =	vgt.f32 v1, $-Inf  }
0x44a: {  	vm0 =	vmor vm1, vm0  }
0x44b: {  	v2 =	vmpcnt.ones.xlane vm0;
	_ =	sdelay $0x1  }
0x44c: {  	(v2sf) =	vpush v2, $0x0;
	_ =	sdelay $0x2  }
0x44d: {  	vm15 =	vge.f32 v1, v0  }
0x44e: {  	v2 =	vmpcnt.ones.xlane vm15;
	_ =	sdelay $0x1  }
0x44f: {  	(v2sf) =	vpush v2, $0x0;
	_ =	sdelay $0x8  }
0x450: {  	p0 =	sgt.u32 s6, $0x1E;
	s9 =	spop (v2sf)  }
0x451: {  	p1 =	sgt.s32 @!p0 s9, $0x0  }
0x452: {  	p0 =	por p0, !p1  }
.Ltmp40:
0x453: {  	_ = 	snop;
	(pc) =	sbr.rel @!p0 .LBB2_76-.Ltmp40, $3  }
0x454: {  	_ =	sdelay $0x1  }
0x455: {  	s6 =	sadd.s32 $0x1, s6;
	s31 =	spop (v2sf)  }
0x456: {  	s8 =	sadd.s32 $0x80, s8;
	s7 =	sadd.s32 $0x10, s7;
	[tilespmem:s4+$0x12980] =	vst.msk vm15, v1;
	s4 =	sadd.s32 s4, s31  }
0x457: {  	s6 =	sadd.s32 $0xF, s4  }
0x458: {  	s8 =	sshra.s32 s6, $0x4  }
0x459: {  	p0 =	slt.s32 s8, $0x1  }
.Ltmp41:
0x45a: {  	_ = 	snop;
	(pc) =	sbr.rel @p0 .LBB2_78-.Ltmp41, $3  }
0x45b: {  	_ =	sdelay $0x1  }
0x45c: {  	v1 =	vimm.f32 $-Inf  }
0x45d: {  	[tilespmem:s4+$0x12980] =	vst v1;
	s6 =	simm.f32 $0.0e+00  }
0x45e: {  	s7 =	simm.s32 $0x12980  }
0x45f: {  	p4 =	sne.s32 s8, $0x1;
	v1 =	vld [tilespmem:s7+$0x0]  }
.Ltmp42:
0x460: {  	_ = 	snop;
	(pc) =	sbr.rel @!p4 .LBB2_80-.Ltmp42, $4  }
0x461: {  	_ = 	snop  }
0x462: {  	s8 =	sadd.s32 $0xFFFFFFFF, s8  }
0x463: {  	s9 =	simm.s32 $0x12990;
	p0 =	por $0x0, $0x0;
	p1 =	por $0x0, $0x0  }
0x464: {  	p2 =	por $0x0, $0x0;
	p3 =	por $0x0, $0x0;
	s7 =	simm.s32 $0x0;
	v2 =	vsub.f32 v1, v0  }
0x465: {  	v3 =	vld [tilespmem:s9+$0x0];
	p4 =	sne.s32 s8, $0x1  }
.Ltmp43:
0x466: {  	_ = 	snop;
	(pc) =	sbr.rel @!p4 .LBB2_82-.Ltmp43, $4  }
0x467: {  	vm0 =	vgt.f32 v1, v0  }
0x468: {  	v1 =	vmpcnt.ones.xlane vm0  }
0x469: {  	v2 =	vnsel vm0, $0x0, v2  }
0x46a: {  	s8 =	sadd.s32 $0xFFFFFFFF, s8;
	s9 =	simm.s32 $0x129A0;
	p0 =	por $0x1, $0x1;
	(xrf2) =	vadd.scan.msk.f32 $0xffff, v2;
	(v2sf) =	vpush v1, $0x0;
	v2 =	vsub.f32 v3, v0  }
0x46b: {  	vm0 =	vgt.f32 v3, v0  }
0x46c: {  	v3 =	vmpcnt.ones.xlane vm0;
	_ =	sdelay $0x1  }
0x46d: {  	(v2sf) =	vpush v3, $0x0;
	_ =	sdelay $0x8  }
0x46e: {  	v1 =	vld [tilespmem:s9+$0x0];
	p4 =	sne.s32 s8, $0x1  }
.Ltmp44:
0x46f: {  	_ = 	snop;
	(pc) =	sbr.rel @!p4 .LBB2_84-.Ltmp44, $3  }
0x470: {  	_ =	sdelay $0x1  }
0x471: {  	v2 =	vnsel vm0, $0x0, v2  }
0x472: {  	s8 =	sadd.s32 $0xFFFFFFFF, s8;
	s9 =	simm.s32 $0x129B0;
	p1 =	por $0x1, $0x1;
	(xrf2) =	vadd.scan.msk.f32 $0xffff, v2;
	v2 =	vsub.f32 v1, v0  }
0x473: {  	vm0 =	vgt.f32 v1, v0  }
0x474: {  	v1, _, _ =	vpop (xrf2);
	v4 =	vmpcnt.ones.xlane vm0  }
0x475: {  	v2 =	vnsel vm0, $0x0, v2;
	(v2sf) =	vpush v1, $0xF  }
0x476: {  	(xrf2) =	vadd.scan.msk.f32 $0xffff, v2;
	(v2sf) =	vpush v4, $0x0;
	_ =	sdelay $0x3  }
0x477: {  	v3 =	vld [tilespmem:s9+$0x0];
	p4 =	sne.s32 s8, $0x1  }
.Ltmp45:
0x478: {  	_ = 	snop;
	(pc) =	sbr.rel @!p4 .LBB2_86-.Ltmp45, $2  }
0x479: {  	_ =	sdelay $0x2  }
0x47a: {  	s8 =	sadd.s32 $0xFFFFFFFF, s8;
	s9 =	simm.s32 $0x129C0;
	p2 =	por $0x1, $0x1;
	v2 =	vsub.f32 v3, v0  }
0x47b: {  	vm0 =	vgt.f32 v3, v0  }
0x47c: {  	v3, _, _ =	vpop (xrf2);
	v4 =	vmpcnt.ones.xlane vm0  }
0x47d: {  	(v2sf) =	vpush v3, $0xF  }
0x47e: {  	(v2sf) =	vpush v4, $0x0;
	_ =	sdelay $0x3  }
0x47f: {  	v1 =	vld [tilespmem:s9+$0x0];
	p4 =	sne.s32 s8, $0x1;
	v2 =	vnsel vm0, $0x0, v2  }
.Ltmp46:
0x480: {  	(xrf2) =	vadd.scan.msk.f32 $0xffff, v2;
	(pc) =	sbr.rel @!p4 .LBB2_88-.Ltmp46, $3  }
0x481: {  	_ =	sdelay $0x1  }
0x482: {  	s31 =	spop (v2sf);
	s10 =	sadd.s32 $0xFFFFFFFF, s8;
	s11 =	simm.s32 $0x129D0  }
0x483: {  	p3 =	por $0x1, $0x1;
	s9 =	simm.f32 $0.0e+00;
	s8 =	sadd.s32 $0x0, s31;
	v2 =	vsub.f32 v1, v0  }
.LBB2_89:
0x484: {  	p4 =	sne.s32 s10, $0x1;
	s10 =	sadd.s32 $0xFFFFFFFF, s10;
	vm0 =	vgt.f32 v1, v0;
	v1 =	vld [tilespmem:s11+$0x0];
	v3, _, _ =	vpop (xrf2);
	s12 =	spop (v2sf)  }
.Ltmp47:
0x485: {  	v2 =	vnsel vm0, $0x0, v2;
	v4 =	vmpcnt.ones.xlane vm0;
	(v2sf) =	vpush v3, $0xF;
	s8 =	sadd.s32 s8, s12;
	(pc) =	sbr.rel @p4 .LBB2_89-.Ltmp47, $4  }
0x486: {  	(xrf2) =	vadd.scan.msk.f32 $0xffff, v2  }
0x487: {  	(v2sf) =	vpush v4, $0x0  }
0x488: {  	s12 =	spop (v2sf)  }
0x489: {  	s11 =	sadd.s32 $0x10, s11;
	v2 =	vsub.f32 v1, v0;
	s9 =	sadd.f32 s12, s9  }
0x48a: {  	_ = 	snop  }
.LBB2_91:
0x48b: {  	vm0 =	vgt.f32 v1, v0  }
0x48c: {  	v0 =	vnsel vm0, $0x0, v2  }
0x48d: {  	(xrf2) =	vadd.scan.msk.f32 $0xffff, v0;
	_ =	sdelay $0x3  }
0x48e: {  	v0, _, _ =	vpop @p1 (xrf2)  }
0x48f: {  	v1 =	vmpcnt.ones.xlane vm0;
	(v2sf) =	vpush @p1 v0, $0xF;
	_ =	sdelay $0x1  }
0x490: {  	v0, _, _ =	vpop @p0 (xrf2);
	(v2sf) =	vpush v1, $0x0  }
0x491: {  	(v2sf) =	vpush @p0 v0, $0xF;
	_ =	sdelay $0x1  }
0x492: {  	v63, _, _ =	vpop (xrf2)  }
0x493: {  	(v2sf) =	vpush v63, $0xF;
	_ =	sdelay $0x1  }
0x494: {  	s10 =	spop @p2 (v2sf)  }
0x495: {  	s11 =	spop @p3 (v2sf)  }
0x496: {  	s9 =	sadd.f32 @p3 s11, s9  }
0x497: {  	s12 =	simm.f32 $0.0e+00;
	s11 =	spop @p1 (v2sf)  }
0x498: {  	s12 =	smov.u32 @p3 s9;
	s9 =	spop @p2 (v2sf)  }
0x499: {  	s9 =	sadd.f32 @p2 s9, s12  }
0x49a: {  	s12 =	simm.f32 $0.0e+00;
	s13 =	spop @p0 (v2sf)  }
0x49b: {  	s12 =	smov.u32 @p2 s9;
	s9 =	spop @p1 (v2sf)  }
0x49c: {  	s8 =	sadd.s32 @p2 s8, s10;
	s10 =	simm.s32 $0x0;
	s9 =	sadd.f32 @p1 s9, s12  }
0x49d: {  	s10 =	smov.u32 @p2 s8;
	s8 =	simm.f32 $0.0e+00;
	s29 =	spop (v2sf)  }
0x49e: {  	s8 =	smov.u32 @p1 s9;
	s9 =	spop @p0 (v2sf)  }
0x49f: {  	s10 =	sadd.s32 @p1 s10, s11;
	s8 =	sadd.f32 @p0 s9, s8;
	s9 =	simm.s32 $0x0  }
.Ltmp48:
0x4a0: {  	s9 =	smov.u32 @p1 s10;
	(pc) =	sbr.rel .LBB2_92-.Ltmp48, $4  }
0x4a1: {  	s9 =	sadd.s32 @p0 s9, s13;
	s6 =	smov.u32 @p0 s8;
	s30 =	spop (v2sf)  }
0x4a2: {  	s7 =	smov.u32 @p0 s9;
	s6 =	sadd.f32 s30, s6  }
0x4a3: {  	s31 =	sadd.s32 s7, s29  }
0x4a4: {  	s7 =	sadd.f32 $-1.000000000e+00, s6;
	s6 =	scvt.s32.f32 s31  }
.LBB2_78:
0x4a5: {  	s7 =	simm.f32 $-1.000000000e+00  }
.LBB2_92:
0x4a6: {  	_ = 	snop  }
0x4a7: {  	v0 =	vmov s6  }
0x4a8: {  	(erf) = vrcp.f32 v0;
	_ =	sdelay $0x8  }
0x4a9: {  	v0 =	vpop (erf)  }
0x4aa: {  	v0 =	vmul.f32 s7, v0;
	_ =	sdelay $0x1  }
0x4ab: {  	(xrf0) =	vmax.scan.msk.f32 $0xffff, v0;
	_ =	sdelay $0x5  }
0x4ac: {  	v0, _, _ =	vpop (xrf0)  }
0x4ad: {  	(v2sf) =	vpush v0, $0xF;
	_ =	sdelay $0xe  }
0x4ae: {  	s31 =	spop (v2sf)  }
0x4af: {  	s6 =	sadd.f32 s31, s5;
	_ =	sdelay $0x1  }
0x4b0: {  	p0 =	slt.f32 s6, s5;
	p1 =	sgt.f32 s6, s5  }
0x4b1: {  	_ = 	snop  }
0x4b2: {  	p0 =	por p1, p0  }
0x4b3: {  	p0 =	por !p0, !p0  }
.Ltmp49:
0x4b4: {  	_ = 	snop;
	(pc) =	sbr.rel @p0 .LBB2_106-.Ltmp49, $2  }
0x4b5: {  	_ =	sdelay $0x2  }
0x4b6: {  	_ =	strace $0x8000004C  }
.Ltmp50:
0x4b7: {  	(pc) =	sbr.rel .LBB2_94-.Ltmp50, $2  }
0x4b8: {  	_ =	sdelay $0x2  }
0x4b9: {  	s5 =	simm.s32 $0x0;
	v0 =	vimm.f32 $-Inf  }
.LBB2_95:
0x4ba: {  	s4 =	simm.s32 $0x0;
	s8 =	simm.f32 $0.0e+00;
	s7 =	simm.f32 $-1.000000000e+00  }
.LBB2_104:
0x4bb: {  	v1 =	vmov s8  }
0x4bc: {  	(erf) = vrcp.f32 v1;
	_ =	sdelay $0x8  }
0x4bd: {  	v1 =	vpop (erf)  }
0x4be: {  	v1 =	vmul.f32 s7, v1;
	_ =	sdelay $0x1  }
0x4bf: {  	(xrf0) =	vmax.scan.msk.f32 $0xffff, v1;
	_ =	sdelay $0x5  }
0x4c0: {  	v1, _, _ =	vpop (xrf0)  }
0x4c1: {  	(v2sf) =	vpush v1, $0xF;
	_ =	sdelay $0xe  }
0x4c2: {  	s31 =	spop (v2sf)  }
0x4c3: {  	s7 =	sadd.f32 s31, s6  }
0x4c4: {  	p0 =	sgt.u32 s5, $0x16  }
0x4c5: {  	p1 =	slt.f32 @!p0 s7, s6;
	p2 =	sgt.f32 @!p0 s7, s6  }
0x4c6: {  	_ = 	snop  }
0x4c7: {  	p1 =	por @!p0 p2, p1  }
0x4c8: {  	p1 =	por p0, !p1  }
.Ltmp51:
0x4c9: {  	_ = 	snop;
	(pc) =	sbr.rel @p1 .LBB2_105-.Ltmp51, $2  }
0x4ca: {  	_ =	sdelay $0x2  }
0x4cb: {  	s5 =	sadd.s32 $0x1, s5;
	[tilespmem:s4+$0x12980] =	vst v0;
	s6 =	smov.u32 s7  }
.LBB2_94:
0x4cc: {  	s4 =	sadd.s32 $0xF, s4  }
0x4cd: {  	s9 =	sshra.s32 s4, $0x4  }
0x4ce: {  	p0 =	slt.s32 s9, $0x1  }
.Ltmp52:
0x4cf: {  	_ = 	snop;
	(pc) =	sbr.rel @p0 .LBB2_95-.Ltmp52, $1  }
0x4d0: {  	_ =	sdelay $0x3  }
0x4d1: {  	p2 =	sne.s32 s9, $0x1  }
.Ltmp53:
0x4d2: {  	_ = 	snop;
	(pc) =	sbr.rel @!p2 .LBB2_97-.Ltmp53, $3  }
0x4d3: {  	_ =	sdelay $0x1  }
0x4d4: {  	s7 =	simm.f32 $0.0e+00;
	s4 =	simm.s32 $0x0;
	s8 =	simm.s32 $0x12980  }
0x4d5: {  	v1 =	vmov s6;
	s9 =	sadd.s32 $0xFFFFFFFF, s9;
	p0 =	por $0x0, $0x0;
	p1 =	por $0x0, $0x0  }
0x4d6: {  	v2 =	vld [tilespmem:s8+$0x0];
	p2 =	sne.s32 s9, $0x1  }
.Ltmp54:
0x4d7: {  	_ = 	snop;
	(pc) =	sbr.rel @!p2 .LBB2_99-.Ltmp54, $2  }
0x4d8: {  	_ =	sdelay $0x2  }
0x4d9: {  	s9 =	sadd.s32 $0xFFFFFFFF, s9;
	p0 =	por $0x1, $0x1;
	vm0 =	vgt.f32 v2, v1;
	v3 =	vsub.f32 v2, v1  }
0x4da: {  	_ = 	snop  }
0x4db: {  	v3 =	vnsel vm0, $0x0, v3  }
0x4dc: {  	(xrf2) =	vadd.scan.msk.f32 $0xffff, v3;
	v3 =	vmpcnt.ones.xlane vm0;
	_ =	sdelay $0x1  }
0x4dd: {  	(v2sf) =	vpush v3, $0x0;
	_ =	sdelay $0x6  }
0x4de: {  	[tilespmem:s4+$0x12980] =	vst.msk vm0, v2;
	s10 =	simm.s32 $0x12990  }
0x4df: {  	p2 =	sne.s32 s9, $0x1;
	v2 =	vld [tilespmem:s10+$0x0]  }
.Ltmp55:
0x4e0: {  	_ = 	snop;
	(pc) =	sbr.rel @!p2 .LBB2_101-.Ltmp55, $4  }
0x4e1: {  	v3, _, _ =	vpop (xrf2)  }
0x4e2: {  	(v2sf) =	vpush v3, $0xF  }
0x4e3: {  	s13 =	sadd.s32 $0xFFFFFFFF, s9;
	p1 =	por $0x1, $0x1  }
0x4e4: {  	s9 =	simm.s32 $0x0;
	s12 =	simm.s32 $0x0;
	s11 =	simm.f32 $0.0e+00;
	vm0 =	vgt.f32 v2, v1;
	v3 =	vsub.f32 v2, v1  }
.LBB2_102:
0x4e5: {  	p2 =	sne.s32 s13, $0x1;
	v4 =	vmpcnt.ones.xlane vm0  }
0x4e6: {  	v3 =	vnsel vm0, $0x0, v3;
	s14 =	spop (v2sf)  }
0x4e7: {  	(xrf2) =	vadd.scan.msk.f32 $0xffff, v3;
	(v2sf) =	vpush v4, $0x0;
	s9 =	sadd.s32 s9, s14;
	s12 =	sadd.s32 s12, s14  }
0x4e8: {  	[tilespmem:s12+$0x12980] =	vst.msk vm0, v2;
	_ =	sdelay $0x5  }
0x4e9: {  	s10 =	sadd.s32 $0x10, s10  }
0x4ea: {  	v2 =	vld [tilespmem:s10+$0x0]  }
.Ltmp56:
0x4eb: {  	(pc) =	sbr.rel @p2 .LBB2_102-.Ltmp56, $3  }
0x4ec: {  	v3, _, _ =	vpop (xrf2);
	s14 =	spop (v2sf)  }
0x4ed: {  	(v2sf) =	vpush v3, $0xF;
	s11 =	sadd.f32 s14, s11;
	_ =	sdelay $0x1  }
0x4ee: {  	s13 =	sadd.s32 $0xFFFFFFFF, s13;
	vm0 =	vgt.f32 v2, v1;
	v3 =	vsub.f32 v2, v1  }
.LBB2_103:
0x4ef: {  	_ = 	snop  }
0x4f0: {  	s13 =	spop @p1 (v2sf)  }
0x4f1: {  	s14 =	simm.s32 $0x0;
	s12 =	sadd.s32 @p1 s12, s13  }
0x4f2: {  	s10 =	sadd.s32 @p0 $0x10, s10;
	s14 =	smov.u32 @p1 s12  }
0x4f3: {  	s8 =	smov.u32 @p0 s10;
	[tilespmem:s14+$0x12980] =	vst.msk @p0 vm0, v2  }
0x4f4: {  	v2 =	vld [tilespmem:s8+$0x0];
	_ =	sdelay $0x3  }
0x4f5: {  	v3 =	vnsel @p0 vm0, $0x0, v3  }
0x4f6: {  	(xrf2) =	vadd.scan.msk.f32 @p0 $0xffff, v3;
	v3 =	vsub.f32 v2, v1  }
0x4f7: {  	vm1 =	vgt.f32 v2, v1  }
0x4f8: {  	v1 =	vnsel vm1, $0x0, v3  }
0x4f9: {  	(xrf2) =	vadd.scan.msk.f32 $0xffff, v1;
	_ =	sdelay $0x3  }
0x4fa: {  	v1 =	vmpcnt.ones.xlane @p0 vm0;
	_ =	sdelay $0x1  }
0x4fb: {  	(v2sf) =	vpush @p0 v1, $0x0;
	v1 =	vmpcnt.ones.xlane vm1  }
0x4fc: {  	v3, _, _ =	vpop @p0 (xrf2)  }
0x4fd: {  	(v2sf) =	vpush @p0 v3, $0xF;
	_ =	sdelay $0x1  }
0x4fe: {  	(v2sf) =	vpush v1, $0x0;
	v1, _, _ =	vpop (xrf2)  }
0x4ff: {  	(v2sf) =	vpush v1, $0xF;
	_ =	sdelay $0x7  }
0x500: {  	s8 =	spop @p1 (v2sf)  }
0x501: {  	s8 =	sadd.f32 @p1 s8, s11  }
0x502: {  	s9 =	sadd.s32 @p1 s9, s13;
	s11 =	simm.f32 $0.0e+00  }
0x503: {  	s11 =	smov.u32 @p1 s8;
	s8 =	simm.s32 $0x0;
	s10 =	spop @p0 (v2sf)  }
0x504: {  	s8 =	smov.u32 @p1 s9;
	s12 =	spop @p0 (v2sf)  }
0x505: {  	s8 =	sadd.s32 @p0 s8, s10;
	s9 =	sadd.f32 @p0 s12, s11  }
.Ltmp57:
0x506: {  	s10 =	sadd.s32 @p0 s14, s10;
	s30 =	spop (v2sf);
	(pc) =	sbr.rel .LBB2_104-.Ltmp57, $4  }
0x507: {  	s4 =	smov.u32 @p0 s8;
	s7 =	smov.u32 @p0 s9;
	s31 =	spop (v2sf)  }
0x508: {  	s12 =	simm.s32 $0x0;
	s8 =	sadd.s32 s4, s30;
	s7 =	sadd.f32 s31, s7  }
0x509: {  	s12 =	smov.u32 @p0 s10;
	s8 =	scvt.s32.f32 s8  }
0x50a: {  	[tilespmem:s12+$0x12980] =	vst.msk vm1, v2;
	s4 =	sadd.s32 s12, s30;
	s7 =	sadd.f32 $-1.000000000e+00, s7  }
.LBB2_97:
.Ltmp58:
0x50b: {  	(pc) =	sbr.rel .LBB2_103-.Ltmp58, $3  }
0x50c: {  	_ =	sdelay $0x1  }
0x50d: {  	s9 =	simm.s32 $0x0  }
0x50e: {  	s12 =	simm.s32 $0x0;
	s10 =	simm.s32 $0x12980;
	s11 =	simm.f32 $0.0e+00  }
.LBB2_99:
.Ltmp59:
0x50f: {  	(pc) =	sbr.rel .LBB2_103-.Ltmp59, $3  }
0x510: {  	_ =	sdelay $0x1  }
0x511: {  	s9 =	simm.s32 $0x0  }
0x512: {  	s12 =	simm.s32 $0x0;
	s10 =	simm.s32 $0x12980;
	s11 =	simm.f32 $0.0e+00  }
.LBB2_101:
.Ltmp60:
0x513: {  	(pc) =	sbr.rel .LBB2_103-.Ltmp60, $2  }
0x514: {  	_ =	sdelay $0x2  }
0x515: {  	s9 =	simm.s32 $0x0;
	s12 =	simm.s32 $0x0;
	s11 =	simm.f32 $0.0e+00  }
.LBB2_105:
0x516: {  	s7 =	smov.u32 @p0 s7  }
0x517: {  	s6 =	smov.u32 s7  }
.LBB2_106:
0x518: {  	_ =	strace $0x9000004C  }
0x519: {  	s4 =	simm.s32 $0x0;
	s31 =	simm.s32 $0x1;
	_ =	strace $0x8000004D  }
0x51a: {  	[tilespmem:s4], [sflag:$0x1] =	stream.linear.gather [hbm4b:s3+s4], $0x1DC0, $0x200038;
	[tilespmem:$0x14C00] =	vst v63  }
0x51b: {  	_ =	swait.ge [sflag:s31], $0x1DC0  }
0x51c: {  	[sflag:s31] =	ssyncset.done $0x0  }
0x51d: {  	[sflag:s31] =	ssyncadd.s32 $0xFFFFE240  }
0x51e: {  	_ =	strace $0x9000004D  }
0x51f: {  	s3 =	simm.s32 $0x0;
	_ =	strace $0x8000004E  }
0x520: {  	v2 =	vld [tilespmem:s3+$0x0]  }
0x521: {  	v6 =	vld [tilespmem:s3+$0x10]  }
0x522: {  	v5 =	vld [tilespmem:s3+$0x20]  }
0x523: {  	v4 =	vld [tilespmem:s3+$0x30]  }
0x524: {  	v0 =	vmov s6;
	v3 =	vld [tilespmem:s3+$0x40]  }
0x525: {  	v1 =	vld [tilespmem:s3+$0x50];
	v7 =	vsub.f32 v2, v0  }
0x526: {  	s4 =	simm.s32 $0x200;
	v6 =	vsub.f32 v6, v0;
	v2 =	vld [tilespmem:s3+$0x60]  }
.LBB2_107:
0x527: {  	p0 =	sne.s32 s4, $0x3D600;
	v7 =	vmax.f32 v7, $0.0e+00;
	v5 =	vsub.f32 v5, v0;
	v8 =	vld [tilespmem:s3+$0x70]  }
0x528: {  	s5 =	sshra.s32 s4, $0x2;
	[tilespmem:s3+$0x0] =	vst v7;
	v6 =	vmax.f32 v6, $0.0e+00;
	v4 =	vsub.f32 v4, v0  }
0x529: {  	v7 =	vld [tilespmem:s5+$0x0];
	[tilespmem:s3+$0x10] =	vst v6;
	v5 =	vmax.f32 v5, $0.0e+00;
	v3 =	vsub.f32 v3, v0  }
0x52a: {  	v6 =	vld [tilespmem:s5+$0x10];
	[tilespmem:s3+$0x20] =	vst v5;
	v4 =	vmax.f32 v4, $0.0e+00;
	v1 =	vsub.f32 v1, v0  }
.Ltmp61:
0x52b: {  	v5 =	vld [tilespmem:s5+$0x20];
	[tilespmem:s3+$0x30] =	vst v4;
	v3 =	vmax.f32 v3, $0.0e+00;
	v2 =	vsub.f32 v2, v0;
	(pc) =	sbr.rel @p0 .LBB2_107-.Ltmp61, $4  }
0x52c: {  	v4 =	vld [tilespmem:s5+$0x30];
	[tilespmem:s3+$0x40] =	vst v3;
	v1 =	vmax.f32 v1, $0.0e+00;
	v8 =	vsub.f32 v8, v0  }
0x52d: {  	v3 =	vld [tilespmem:s5+$0x40];
	[tilespmem:s3+$0x50] =	vst v1;
	v2 =	vmax.f32 v2, $0.0e+00  }
0x52e: {  	v7 =	vsub.f32 v7, v0;
	v1 =	vld [tilespmem:s5+$0x50];
	[tilespmem:s3+$0x60] =	vst v2;
	v8 =	vmax.f32 v8, $0.0e+00  }
0x52f: {  	s4 =	sadd.s32 $0x200, s4;
	v6 =	vsub.f32 v6, v0;
	v2 =	vld [tilespmem:s5+$0x60];
	[tilespmem:s3+$0x70] =	vst v8;
	s3 =	smov.u32 s5  }
0x530: {  	v7 =	vmax.f32 v7, $0.0e+00;
	v5 =	vsub.f32 v5, v0;
	v8 =	vld [tilespmem:s3+$0x70]  }
0x531: {  	[tilespmem:s3+$0x0] =	vst v7;
	v6 =	vmax.f32 v6, $0.0e+00;
	v4 =	vsub.f32 v4, v0  }
0x532: {  	[tilespmem:s3+$0x10] =	vst v6;
	v5 =	vmax.f32 v5, $0.0e+00;
	v3 =	vsub.f32 v3, v0  }
0x533: {  	[tilespmem:s3+$0x20] =	vst v5;
	v4 =	vmax.f32 v4, $0.0e+00;
	v1 =	vsub.f32 v1, v0  }
0x534: {  	[tilespmem:s3+$0x30] =	vst v4;
	v3 =	vmax.f32 v3, $0.0e+00;
	v2 =	vsub.f32 v2, v0  }
0x535: {  	[tilespmem:s3+$0x40] =	vst v3;
	v1 =	vmax.f32 v1, $0.0e+00;
	v62 =	vsub.f32 v8, v0  }
0x536: {  	[tilespmem:s3+$0x50] =	vst v1;
	v63 =	vmax.f32 v2, $0.0e+00  }
0x537: {  	[tilespmem:s3+$0x60] =	vst v63;
	v0 =	vmax.f32 v62, $0.0e+00  }
0x538: {  	[tilespmem:s3+$0x70] =	vst v0  }
0x539: {  	s30 =	simm.s32 $0x0;
	s31 =	simm.s32 $0x1;
	_ =	strace $0x9000004E  }
0x53a: {  	[hbm4b:s2+s30] =	stream.linear.scatter [tilespmem:s30], [sflag:$0x1], $0xF600, $0x38;
	[tilespmem:$0x14C00] =	vst v63  }
0x53b: {  	_ =	swait.ge [sflag:s31], $0xF600  }
0x53c: {  	[sflag:s31] =	ssyncset.done $0x0  }
0x53d: {  	[sflag:s31] =	ssyncadd.s32 $0xFFFF0A00  }
0x53e: {  	_ =	sfence.sel $0x180000  }
0x53f: {  	[bflag:$0x0] =	sbarrier.arrive $0xFFFF  }
0x540: {  	p0 =	sne.s32 s0, $0x0;
	_ =	strace $0x90000047  }
0x541: {  	s0 =	sadd.s32 @!p0 $0x100000, s1;
	[bflag:$0x2] =	sbarrier.arrive $0xFFFF  }
0x542: {  	[sflag:s0] =	ssyncadd.tile.s32 @!p0 $0x1;
	_ =	shalt  }
.LBB2_9:
.Ltmp62:
0x543: {  	(pc) =	sbr.rel .LBB2_12-.Ltmp62, $2  }
0x544: {  	_ =	sdelay $0x2  }
0x545: {  	_ = 	snop  }
.LBB2_80:
.Ltmp63:
0x546: {  	(pc) =	sbr.rel .LBB2_91-.Ltmp63, $2  }
0x547: {  	_ =	sdelay $0x2  }
0x548: {  	s8 =	simm.s32 $0x0;
	s9 =	simm.f32 $0.0e+00  }
.LBB2_82:
.Ltmp64:
0x549: {  	(pc) =	sbr.rel .LBB2_91-.Ltmp64, $2  }
0x54a: {  	_ =	sdelay $0x2  }
0x54b: {  	v1 =	vmov v3;
	s8 =	simm.s32 $0x0;
	s9 =	simm.f32 $0.0e+00  }
.LBB2_84:
.Ltmp65:
0x54c: {  	(pc) =	sbr.rel .LBB2_91-.Ltmp65, $2  }
0x54d: {  	_ =	sdelay $0x2  }
0x54e: {  	s8 =	simm.s32 $0x0;
	s9 =	simm.f32 $0.0e+00  }
.LBB2_86:
.Ltmp66:
0x54f: {  	(pc) =	sbr.rel .LBB2_91-.Ltmp66, $2  }
0x550: {  	_ =	sdelay $0x3  }
0x551: {  	v1 =	vmov v3;
	s8 =	simm.s32 $0x0;
	s9 =	simm.f32 $0.0e+00  }
.LBB2_88:
.Ltmp67:
0x552: {  	(pc) =	sbr.rel .LBB2_91-.Ltmp67, $2  }
0x553: {  	_ =	sdelay $0x2  }
0x554: {  	s9 =	simm.f32 $0.0e+00  }
.Lfunc_end2:
_tile_overlayer_lowered:
.L_overlay_start_2:
0x555: {  	(tag) =	ssettag $0x2  }
0x556: {  	s0 =	rddreg [dreg:$0x0];
	s2 =	stileid.u32  }
0x557: {  	s1 =	rddreg [dreg:$0x1];
	p0 =	sne.s32 s2, $0x0  }
0x558: {  	s3 =	rddreg [dreg:$0x2];
	[bflag:$0x3] =	sbarrier.arrive $0xFFFF;
	s2 =	simm.s32 @!p0 $0x1C01  }
0x559: {  	[timem:s3], [sflag:s2] =	dma.local @!p0 [hbm:s0], s1  }
0x55a: {  	s0 =	simm.s32 @!p0 $0x1  }
0x55b: {  	_ =	swait.ge @!p0 [sflag:s0], s1  }
0x55c: {  	s1 =	ssub.s32 @!p0 $0x0, s1;
	[sflag:s0] =	ssyncset.done @!p0 $0x0  }
0x55d: {  	[sflag:s0] =	ssyncadd.s32 @!p0 s1  }
0x55e: {  	[bflag:$0x3] =	sbarrier.arrive $0xFFFF  }
0x55f: {  	_ =	shalt  }

</sc_bundles>
